<compile_context>
chip_gen: v7x
topology: tpu7x:2x2x1
jax: 0.10.2.dev20260603
libtpu: 0.0.44.dev20260713+nightly
codegen_flags: <defaults>
</compile_context>

<pallas_src>
import functools

import jax
import jax.numpy as jnp
from jax import lax
from jax.experimental import pallas as pl
from jax.experimental.pallas import tpu as pltpu
from jax.experimental.pallas import tpu_sc as plsc

N = 10000
E = 320000
DF = 128
DH = 256
DC = 16

NC = 2
NS = 16
NW = NC * NS
EW = E // NW
RT = N // NS


def _make_sc_agg(D, C, S, count, dtype=jnp.float32):
  NB = 4
  LAG = 1
  LOOK = NB - LAG
  NSC = EW // (S * C)
  assert NSC * S * C == EW and C <= 128 and S % NB == 0 and S > NB
  mesh = plsc.VectorSubcoreMesh(core_axis_name="c", subcore_axis_name="s")

  out_type = [jax.ShapeDtypeStruct((NC, N, D), dtype)]
  scratch = [
      pltpu.VMEM((S, C), jnp.int32),
      pltpu.VMEM((S, C), jnp.int32),
      [pltpu.VMEM((C, D), dtype) for _ in range(NB)],
      [pltpu.SemaphoreType.DMA for _ in range(NB)],
      [pltpu.SemaphoreType.DMA for _ in range(NB)],
  ]
  scratch.append(pltpu.VMEM_SHARED((N, D), dtype))
  if count:
    out_type.append(jax.ShapeDtypeStruct((NC, N, DC), jnp.float32))
    scratch += [
        pltpu.VMEM((C, DC), jnp.float32),
        pltpu.VMEM_SHARED((N, DC), jnp.float32),
        pltpu.SemaphoreType.DMA,
    ]

  @functools.partial(pl.kernel,
                     out_type=out_type if count else out_type[0], mesh=mesh,
                     compiler_params=pltpu.CompilerParams(
                         use_tc_tiling_on_sc=False),
                     scratch_types=scratch)
  def sc_agg(table, srcr, dstr, zrow, *rest):
    if count:
      (zcnt, out, outc, isrc, idst, rows, gsem, ssem, acc,
       ones, cacc, osem) = rest
    else:
      out, isrc, idst, rows, gsem, ssem, acc = rest
    c = lax.axis_index("c")
    s = lax.axis_index("s")
    w = s * NC + c
    base = s * RT

    pltpu.sync_copy(zrow, acc.at[pl.ds(base, RT)])
    if count:
      pltpu.sync_copy(zcnt, cacc.at[pl.ds(base, RT)])

      @pl.loop(0, C)
      def _fill(i):
        ones[i] = jnp.ones((DC,), jnp.float32)

    plsc.subcore_barrier()

    @pl.loop(0, NSC)
    def _super(u):
      pltpu.sync_copy(srcr.at[w].at[u], isrc)
      pltpu.sync_copy(dstr.at[w].at[u], idst)
      for b in range(LOOK):
        pltpu.async_copy(table.at[isrc.at[b]], rows[b], gsem[b])

      @pl.loop(0, S, step=NB)
      def _slots(k0):
        for j in range(NB):
          k = k0 + j
          b = j
          bd = (j + NB - LAG) % NB
          pltpu.make_async_copy(table.at[isrc.at[k]], rows[b], gsem[b]).wait()
          pltpu.async_copy(rows[b], acc.at[idst.at[k]], ssem[b], add=True)
          if count:
            pltpu.async_copy(ones, cacc.at[idst.at[k]], osem, add=True)

          @pl.when(k >= LAG)
          def _():
            pltpu.make_async_copy(rows[bd], acc.at[idst.at[0]],
                                  ssem[bd]).wait()

          @pl.when(k + LOOK < S)
          def _():
            pltpu.async_copy(table.at[isrc.at[k + LOOK]], rows[bd],
                             gsem[bd])

      for t in range(LAG):
        bq = (S - LAG + t) % NB
        pltpu.make_async_copy(rows[bq], acc.at[idst.at[0]], ssem[bq]).wait()
      if count:
        @pl.loop(0, S)
        def _drain(i):
          pltpu.make_async_copy(ones, cacc.at[idst.at[0]], osem).wait()

    plsc.subcore_barrier()

    pltpu.sync_copy(acc.at[pl.ds(base, RT)], out.at[c].at[pl.ds(base, RT)])
    if count:
      pltpu.sync_copy(cacc.at[pl.ds(base, RT)], outc.at[c].at[pl.ds(base, RT)])

  return sc_agg


CA, SA = 125, 16
CF, SF = 125, 16
_sc_agg_c = _make_sc_agg(DF, CA, SA, True, jnp.bfloat16)
_sc_agg_f = _make_sc_agg(DF, CF, SF, False, jnp.bfloat16)

BN = 1000
GRID = N // BN


def _tc1_body(aggp, cntp, x, w1l, w1r, b1, w2l, w2r, b2, g, hr, inv):
  agg = (aggp[0].astype(jnp.float32) + aggp[1].astype(jnp.float32))
  cnt = (cntp[0] + cntp[1])[:, :1]
  iv = 1.0 / jnp.maximum(cnt, 1.0)
  mean = agg * iv
  h = (jnp.dot(mean, w1l[...], preferred_element_type=jnp.float32)
       + jnp.dot(x[...], w1r[...], preferred_element_type=jnp.float32)
       + b1[...])
  h = jnp.maximum(h, 0.0)
  g[...] = jnp.dot(h, w2l[...],
                   preferred_element_type=jnp.float32).astype(jnp.bfloat16)
  hr[...] = (jnp.dot(h, w2r[...], preferred_element_type=jnp.float32)
             + b2[...])
  inv[...] = iv


_tc1 = pl.pallas_call(
    _tc1_body,
    grid=(GRID,),
    in_specs=[
        pl.BlockSpec((NC, BN, DF), lambda i: (0, i, 0)),
        pl.BlockSpec((NC, BN, DC), lambda i: (0, i, 0)),
        pl.BlockSpec((BN, DF), lambda i: (i, 0)),
        pl.BlockSpec((DF, DH), lambda i: (0, 0)),
        pl.BlockSpec((DF, DH), lambda i: (0, 0)),
        pl.BlockSpec((1, DH), lambda i: (0, 0)),
        pl.BlockSpec((DH, DF), lambda i: (0, 0)),
        pl.BlockSpec((DH, DF), lambda i: (0, 0)),
        pl.BlockSpec((1, DF), lambda i: (0, 0)),
    ],
    out_specs=[
        pl.BlockSpec((BN, DF), lambda i: (i, 0)),
        pl.BlockSpec((BN, DF), lambda i: (i, 0)),
        pl.BlockSpec((BN, 1), lambda i: (i, 0)),
    ],
    out_shape=[
        jax.ShapeDtypeStruct((N, DF), jnp.bfloat16),
        jax.ShapeDtypeStruct((N, DF), jnp.float32),
        jax.ShapeDtypeStruct((N, 1), jnp.float32),
    ],
)


def _tc2_body(agg2, inv, hr, out):
  s = agg2[0].astype(jnp.float32) + agg2[1].astype(jnp.float32)
  out[...] = s * inv[...] + hr[...]


_tc2 = pl.pallas_call(
    _tc2_body,
    grid=(GRID,),
    in_specs=[
        pl.BlockSpec((NC, BN, DF), lambda i: (0, i, 0)),
        pl.BlockSpec((BN, 1), lambda i: (i, 0)),
        pl.BlockSpec((BN, DF), lambda i: (i, 0)),
    ],
    out_specs=pl.BlockSpec((BN, DF), lambda i: (i, 0)),
    out_shape=jax.ShapeDtypeStruct((N, DF), jnp.float32),
)


def kernel(x, edge_index, W1_l, W1_r, b1, W2_l, W2_r, b2):
  src_a = edge_index[0].astype(jnp.int32).reshape(NW, EW // (SA * CA), SA, CA)
  dst_a = edge_index[1].astype(jnp.int32).reshape(NW, EW // (SA * CA), SA, CA)
  src_f, dst_f = src_a, dst_a
  zrow = jnp.zeros((RT, DF), jnp.bfloat16)
  zcnt = jnp.zeros((RT, DC), jnp.float32)
  xb = x.astype(jnp.bfloat16)

  aggp, cntp = _sc_agg_c(xb, src_a, dst_a, zrow, zcnt)
  g, hr, inv = _tc1(aggp, cntp, x, W1_l, W1_r, b1.reshape(1, DH),
                    W2_l, W2_r, b2.reshape(1, DF))
  agg2 = _sc_agg_f(g, src_f, dst_f, zrow)
  return _tc2(agg2, inv, hr)

# --- scband reference (transcript-rebuilt; emitter-appended) ---
"""Pipeline reference for scband-graph-sage-26731876451053 (READ-ONLY COPY).

The authoritative reference and input builder live on the scoring server;
editing this copy changes nothing except your own understanding.
"""

import jax, jax.numpy as jnp
import numpy as np

N_NODES = 10000
N_EDGES = 320000
D_FEAT = 128
D_HID = 256


def setup_inputs(seed: int = 0) -> dict:
    key = jax.random.key(seed)
    ks = jax.random.split(key, 9)
    x = jax.random.normal(ks[0], (N_NODES, D_FEAT), dtype=jnp.float32)
    edge_index = jax.random.randint(ks[1], (2, N_EDGES), 0, N_NODES, dtype=jnp.int64)
    # SAGEConv1: in=D_FEAT, out=D_HID; SAGEConv2: in=D_HID, out=D_FEAT
    s1 = 1.0 / np.sqrt(D_FEAT)
    s2 = 1.0 / np.sqrt(D_HID)
    W1_l = jax.random.uniform(ks[2], (D_FEAT, D_HID), jnp.float32, -s1, s1)
    W1_r = jax.random.uniform(ks[3], (D_FEAT, D_HID), jnp.float32, -s1, s1)
    b1 = jax.random.uniform(ks[4], (D_HID,), jnp.float32, -s1, s1)
    W2_l = jax.random.uniform(ks[5], (D_HID, D_FEAT), jnp.float32, -s2, s2)
    W2_r = jax.random.uniform(ks[6], (D_HID, D_FEAT), jnp.float32, -s2, s2)
    b2 = jax.random.uniform(ks[7], (D_FEAT,), jnp.float32, -s2, s2)
    return {"x": x, "edge_index": edge_index,
            "W1_l": W1_l, "W1_r": W1_r, "b1": b1,
            "W2_l": W2_l, "W2_r": W2_r, "b2": b2}


def _sage_conv(x, edge_index, W_l, W_r, b):
    # PyG SAGEConv (mean aggregation):
    #   out = lin_l(mean_{j in N(i)} x_j) + lin_r(x_i)
    src = edge_index[0]
    dst = edge_index[1]
    n = x.shape[0]
    msgs = jnp.take(x, src, axis=0)                       # gather [E, d]
    agg = jax.ops.segment_sum(msgs, dst, num_segments=n)   # scatter-add [N, d]
    cnt = jax.ops.segment_sum(jnp.ones((edge_index.shape[1],), dtype=x.dtype), dst, num_segments=n)
    mean = agg / jnp.clip(cnt, 1.0, None)[:, None]
    return mean @ W_l + b[None, :] + x @ W_r


def reference(x, edge_index, W1_l, W1_r, b1, W2_l, W2_r, b2):
    h = _sage_conv(x, edge_index, W1_l, W1_r, b1)
    h = jax.nn.relu(h)
    out = _sage_conv(h, edge_index, W2_l, W2_r, b2)
    return out

if __name__ == "__main__":
    import jax
    _d = setup_inputs()
    print(jax.jit(kernel)(*tuple(_d.values())))

</pallas_src>

<mosaic_0001>
#map = affine_map<(d0, d1) -> (0, 0)>
#map1 = affine_map<(d0, d1) -> (0, 0, 0, 0)>
#map2 = affine_map<(d0, d1) -> (0, 0, 0)>
module attributes {stable_mosaic.version = 14 : i64} {
  func.func @sc_agg(%arg0: i32, %arg1: i32, %arg2: memref<10000x128xbf16, #tpu.memory_space<hbm>>, %arg3: memref<32x5x16x125xi32, #tpu.memory_space<hbm>>, %arg4: memref<32x5x16x125xi32, #tpu.memory_space<hbm>>, %arg5: memref<625x128xbf16, #tpu.memory_space<hbm>>, %arg6: memref<625x16xf32, #tpu.memory_space<hbm>>, %arg7: memref<2x10000x128xbf16, #tpu.memory_space<hbm>>, %arg8: memref<2x10000x16xf32, #tpu.memory_space<hbm>>, %arg9: memref<16x125xi32, #tpu.memory_space<vmem>>, %arg10: memref<16x125xi32, #tpu.memory_space<vmem>>, %arg11: memref<125x128xbf16, #tpu.memory_space<vmem>>, %arg12: memref<125x128xbf16, #tpu.memory_space<vmem>>, %arg13: memref<125x128xbf16, #tpu.memory_space<vmem>>, %arg14: memref<125x128xbf16, #tpu.memory_space<vmem>>, %arg15: memref<!tpu.dma_semaphore, #tpu.memory_space<semaphore_mem>>, %arg16: memref<!tpu.dma_semaphore, #tpu.memory_space<semaphore_mem>>, %arg17: memref<!tpu.dma_semaphore, #tpu.memory_space<semaphore_mem>>, %arg18: memref<!tpu.dma_semaphore, #tpu.memory_space<semaphore_mem>>, %arg19: memref<!tpu.dma_semaphore, #tpu.memory_space<semaphore_mem>>, %arg20: memref<!tpu.dma_semaphore, #tpu.memory_space<semaphore_mem>>, %arg21: memref<!tpu.dma_semaphore, #tpu.memory_space<semaphore_mem>>, %arg22: memref<!tpu.dma_semaphore, #tpu.memory_space<semaphore_mem>>, %arg23: memref<10000x128xbf16, #tpu.memory_space<vmem_shared>>, %arg24: memref<125x16xf32, #tpu.memory_space<vmem>>, %arg25: memref<10000x16xf32, #tpu.memory_space<vmem_shared>>, %arg26: memref<!tpu.dma_semaphore, #tpu.memory_space<semaphore_mem>>) attributes {dimension_semantics = [#tpu.dimension_semantics<core_parallel>, #tpu.dimension_semantics<subcore_parallel>], iteration_bounds = array<i64: 2, 16>, scalar_prefetch = 0 : i64, scratch_operands = 18 : i64, tpu.core_type = #tpu.core_type<sc_vector_subcore>, window_params = [{transform_indices = #map}, {transform_indices = #map1}, {transform_indices = #map1}, {transform_indices = #map}, {transform_indices = #map}, {transform_indices = #map2}, {transform_indices = #map2}]} {
    %mul3A = arith.constant 2 : i32
    %mul3A_0 = arith.muli %arg1, %mul3A : i32
    %add3A = arith.addi %mul3A_0, %arg0 : i32
    %mul3A_1 = arith.constant 625 : i32
    %mul3A_2 = arith.muli %arg1, %mul3A_1 : i32
    "tpu.region"() ({
      %run_scoped3A = tpu.sem_alloc : memref<!tpu.dma_semaphore, #tpu.memory_space<semaphore_mem>>
      %dma_start3A = arith.constant 0 : i32
      %dma_start3A_13 = tpu.memref_slice %arg23[%mul3A_2, %dma_start3A] : memref<10000x128xbf16, #tpu.memory_space<vmem_shared>> -> memref<625x128xbf16, #tpu.memory_space<vmem_shared>>
      tpu.enqueue_dma source(%arg5 : memref<625x128xbf16, #tpu.memory_space<hbm>>) target(%dma_start3A_13 : memref<625x128xbf16, #tpu.memory_space<vmem_shared>>) target_semaphore(%run_scoped3A : memref<!tpu.dma_semaphore, #tpu.memory_space<semaphore_mem>>)
      %dma_wait3A = arith.constant 0 : i32
      %dma_wait3A_14 = tpu.memref_slice %arg23[%mul3A_2, %dma_wait3A] : memref<10000x128xbf16, #tpu.memory_space<vmem_shared>> -> memref<625x128xbf16, #tpu.memory_space<vmem_shared>>
      tpu.wait_dma2 semaphore(%run_scoped3A : memref<!tpu.dma_semaphore, #tpu.memory_space<semaphore_mem>>) src(%arg5 : memref<625x128xbf16, #tpu.memory_space<hbm>>) dst(%dma_wait3A_14 : memref<625x128xbf16, #tpu.memory_space<vmem_shared>>)
      tpu.yield
    }) : () -> ()
    "tpu.region"() ({
      %run_scoped3A = tpu.sem_alloc : memref<!tpu.dma_semaphore, #tpu.memory_space<semaphore_mem>>
      %dma_start3A = arith.constant 0 : i32
      %dma_start3A_13 = tpu.memref_slice %arg25[%mul3A_2, %dma_start3A] : memref<10000x16xf32, #tpu.memory_space<vmem_shared>> -> memref<625x16xf32, #tpu.memory_space<vmem_shared>>
      tpu.enqueue_dma source(%arg6 : memref<625x16xf32, #tpu.memory_space<hbm>>) target(%dma_start3A_13 : memref<625x16xf32, #tpu.memory_space<vmem_shared>>) target_semaphore(%run_scoped3A : memref<!tpu.dma_semaphore, #tpu.memory_space<semaphore_mem>>)
      %dma_wait3A = arith.constant 0 : i32
      %dma_wait3A_14 = tpu.memref_slice %arg25[%mul3A_2, %dma_wait3A] : memref<10000x16xf32, #tpu.memory_space<vmem_shared>> -> memref<625x16xf32, #tpu.memory_space<vmem_shared>>
      tpu.wait_dma2 semaphore(%run_scoped3A : memref<!tpu.dma_semaphore, #tpu.memory_space<semaphore_mem>>) src(%arg6 : memref<625x16xf32, #tpu.memory_space<hbm>>) dst(%dma_wait3A_14 : memref<625x16xf32, #tpu.memory_space<vmem_shared>>)
      tpu.yield
    }) : () -> ()
    %scan3A = arith.constant 0 : i32
    %scan3A_3 = arith.constant 125 : i32
    %scan3A_4 = arith.addi %scan3A, %scan3A_3 : i32
    %scan3A_5 = arith.constant 1 : i32
    scf.for %scan3A_13 = %scan3A to %scan3A_4 step %scan3A_5  : i32 {
      %mul3A_14 = arith.constant 1 : i32
      %mul3A_15 = arith.muli %scan3A_13, %mul3A_14 : i32
      %add3A_16 = arith.constant 0 : i32
      %add3A_17 = arith.addi %add3A_16, %mul3A_15 : i32
      %broadcast_in_dim3A = arith.constant 1.000000e+00 : f32
      %broadcast_in_dim3A_18 = vector.broadcast %broadcast_in_dim3A : f32 to vector<16xf32>
      %swap3A = arith.index_cast %add3A_17 : i32 to index
      %swap3A_19 = arith.constant 0 : index
      %swap3A_20 = tpu.vector_load %arg24[%swap3A, %swap3A_19] {strides = array<i32>} : memref<125x16xf32, #tpu.memory_space<vmem>>, vector<1x16xf32>,
      %swap3A_21 = vector.shape_cast %swap3A_20 : vector<1x16xf32> to vector<16xf32>
      %swap3A_22 = vector.shape_cast %broadcast_in_dim3A_18 : vector<16xf32> to vector<1x16xf32>
      tpu.vector_store %arg24[%swap3A, %swap3A_19], %swap3A_22 {strides = array<i32>} : memref<125x16xf32, #tpu.memory_space<vmem>>, vector<1x16xf32>,
    }
    %scan3A_6 = arith.constant 125 : i32
    %barrier3A = arith.constant 0 : index
    tpu.barrier barrier_id(%barrier3A)
    %scan3A_7 = arith.constant 0 : i32
    %scan3A_8 = arith.constant 5 : i32
    %scan3A_9 = arith.addi %scan3A_7, %scan3A_8 : i32
    %scan3A_10 = arith.constant 1 : i32
    scf.for %scan3A_13 = %scan3A_7 to %scan3A_9 step %scan3A_10  : i32 {
      %mul3A_14 = arith.constant 1 : i32
      %mul3A_15 = arith.muli %scan3A_13, %mul3A_14 : i32
      %add3A_16 = arith.constant 0 : i32
      %add3A_17 = arith.addi %add3A_16, %mul3A_15 : i32
      "tpu.region"() ({
        %run_scoped3A = tpu.sem_alloc : memref<!tpu.dma_semaphore, #tpu.memory_space<semaphore_mem>>
        %dma_start3A_54 = arith.constant 0 : i32
        %dma_start3A_55 = arith.constant 0 : i32
        %dma_start3A_56 = arith.constant 0 : i32
        %dma_start3A_57 = tpu.memref_slice %arg3[%add3A, %dma_start3A_54, %dma_start3A_55, %dma_start3A_56] : memref<32x5x16x125xi32, #tpu.memory_space<hbm>> -> memref<1x5x16x125xi32, #tpu.memory_space<hbm>>
        %dma_start3A_58 = tpu.memref_squeeze %dma_start3A_57 : memref<1x5x16x125xi32, #tpu.memory_space<hbm>> -> memref<5x16x125xi32, #tpu.memory_space<hbm>>
        %dma_start3A_59 = arith.constant 0 : i32
        %dma_start3A_60 = arith.constant 0 : i32
        %dma_start3A_61 = tpu.memref_slice %dma_start3A_58[%add3A_17, %dma_start3A_59, %dma_start3A_60] : memref<5x16x125xi32, #tpu.memory_space<hbm>> -> memref<1x16x125xi32, #tpu.memory_space<hbm>>
        %dma_start3A_62 = tpu.memref_squeeze %dma_start3A_61 : memref<1x16x125xi32, #tpu.memory_space<hbm>> -> memref<16x125xi32, #tpu.memory_space<hbm>>
        %dma_start3A_63 = arith.constant 0 : i32
        %dma_start3A_64 = arith.constant 0 : i32
        %dma_start3A_65 = arith.constant 0 : i32
        %dma_start3A_66 = tpu.memref_slice %arg3[%add3A, %dma_start3A_63, %dma_start3A_64, %dma_start3A_65] : memref<32x5x16x125xi32, #tpu.memory_space<hbm>> -> memref<1x5x16x125xi32, #tpu.memory_space<hbm>>
        %dma_start3A_67 = tpu.memref_squeeze %dma_start3A_66 : memref<1x5x16x125xi32, #tpu.memory_space<hbm>> -> memref<5x16x125xi32, #tpu.memory_space<hbm>>
        %dma_start3A_68 = arith.constant 0 : i32
        %dma_start3A_69 = arith.constant 0 : i32
        %dma_start3A_70 = tpu.memref_slice %dma_start3A_67[%add3A_17, %dma_start3A_68, %dma_start3A_69] : memref<5x16x125xi32, #tpu.memory_space<hbm>> -> memref<1x16x125xi32, #tpu.memory_space<hbm>>
        %dma_start3A_71 = tpu.memref_squeeze %dma_start3A_70 : memref<1x16x125xi32, #tpu.memory_space<hbm>> -> memref<16x125xi32, #tpu.memory_space<hbm>>
        tpu.enqueue_dma source(%dma_start3A_71 : memref<16x125xi32, #tpu.memory_space<hbm>>) target(%arg9 : memref<16x125xi32, #tpu.memory_space<vmem>>) target_semaphore(%run_scoped3A : memref<!tpu.dma_semaphore, #tpu.memory_space<semaphore_mem>>)
        %dma_wait3A_72 = arith.constant 0 : i32
        %dma_wait3A_73 = arith.constant 0 : i32
        %dma_wait3A_74 = arith.constant 0 : i32
        %dma_wait3A_75 = tpu.memref_slice %arg3[%add3A, %dma_wait3A_72, %dma_wait3A_73, %dma_wait3A_74] : memref<32x5x16x125xi32, #tpu.memory_space<hbm>> -> memref<1x5x16x125xi32, #tpu.memory_space<hbm>>
        %dma_wait3A_76 = tpu.memref_squeeze %dma_wait3A_75 : memref<1x5x16x125xi32, #tpu.memory_space<hbm>> -> memref<5x16x125xi32, #tpu.memory_space<hbm>>
        %dma_wait3A_77 = arith.constant 0 : i32
        %dma_wait3A_78 = arith.constant 0 : i32
        %dma_wait3A_79 = tpu.memref_slice %dma_wait3A_76[%add3A_17, %dma_wait3A_77, %dma_wait3A_78] : memref<5x16x125xi32, #tpu.memory_space<hbm>> -> memref<1x16x125xi32, #tpu.memory_space<hbm>>
        %dma_wait3A_80 = tpu.memref_squeeze %dma_wait3A_79 : memref<1x16x125xi32, #tpu.memory_space<hbm>> -> memref<16x125xi32, #tpu.memory_space<hbm>>
        %dma_wait3A_81 = arith.constant 0 : i32
        %dma_wait3A_82 = arith.constant 0 : i32
        %dma_wait3A_83 = arith.constant 0 : i32
        %dma_wait3A_84 = tpu.memref_slice %arg3[%add3A, %dma_wait3A_81, %dma_wait3A_82, %dma_wait3A_83] : memref<32x5x16x125xi32, #tpu.memory_space<hbm>> -> memref<1x5x16x125xi32, #tpu.memory_space<hbm>>
        %dma_wait3A_85 = tpu.memref_squeeze %dma_wait3A_84 : memref<1x5x16x125xi32, #tpu.memory_space<hbm>> -> memref<5x16x125xi32, #tpu.memory_space<hbm>>
        %dma_wait3A_86 = arith.constant 0 : i32
        %dma_wait3A_87 = arith.constant 0 : i32
        %dma_wait3A_88 = tpu.memref_slice %dma_wait3A_85[%add3A_17, %dma_wait3A_86, %dma_wait3A_87] : memref<5x16x125xi32, #tpu.memory_space<hbm>> -> memref<1x16x125xi32, #tpu.memory_space<hbm>>
        %dma_wait3A_89 = tpu.memref_squeeze %dma_wait3A_88 : memref<1x16x125xi32, #tpu.memory_space<hbm>> -> memref<16x125xi32, #tpu.memory_space<hbm>>
        tpu.wait_dma2 semaphore(%run_scoped3A : memref<!tpu.dma_semaphore, #tpu.memory_space<semaphore_mem>>) src(%dma_wait3A_89 : memref<16x125xi32, #tpu.memory_space<hbm>>) dst(%arg9 : memref<16x125xi32, #tpu.memory_space<vmem>>)
        tpu.yield
      }) : () -> ()
      "tpu.region"() ({
        %run_scoped3A = tpu.sem_alloc : memref<!tpu.dma_semaphore, #tpu.memory_space<semaphore_mem>>
        %dma_start3A_54 = arith.constant 0 : i32
        %dma_start3A_55 = arith.constant 0 : i32
        %dma_start3A_56 = arith.constant 0 : i32
        %dma_start3A_57 = tpu.memref_slice %arg4[%add3A, %dma_start3A_54, %dma_start3A_55, %dma_start3A_56] : memref<32x5x16x125xi32, #tpu.memory_space<hbm>> -> memref<1x5x16x125xi32, #tpu.memory_space<hbm>>
        %dma_start3A_58 = tpu.memref_squeeze %dma_start3A_57 : memref<1x5x16x125xi32, #tpu.memory_space<hbm>> -> memref<5x16x125xi32, #tpu.memory_space<hbm>>
        %dma_start3A_59 = arith.constant 0 : i32
        %dma_start3A_60 = arith.constant 0 : i32
        %dma_start3A_61 = tpu.memref_slice %dma_start3A_58[%add3A_17, %dma_start3A_59, %dma_start3A_60] : memref<5x16x125xi32, #tpu.memory_space<hbm>> -> memref<1x16x125xi32, #tpu.memory_space<hbm>>
        %dma_start3A_62 = tpu.memref_squeeze %dma_start3A_61 : memref<1x16x125xi32, #tpu.memory_space<hbm>> -> memref<16x125xi32, #tpu.memory_space<hbm>>
        %dma_start3A_63 = arith.constant 0 : i32
        %dma_start3A_64 = arith.constant 0 : i32
        %dma_start3A_65 = arith.constant 0 : i32
        %dma_start3A_66 = tpu.memref_slice %arg4[%add3A, %dma_start3A_63, %dma_start3A_64, %dma_start3A_65] : memref<32x5x16x125xi32, #tpu.memory_space<hbm>> -> memref<1x5x16x125xi32, #tpu.memory_space<hbm>>
        %dma_start3A_67 = tpu.memref_squeeze %dma_start3A_66 : memref<1x5x16x125xi32, #tpu.memory_space<hbm>> -> memref<5x16x125xi32, #tpu.memory_space<hbm>>
        %dma_start3A_68 = arith.constant 0 : i32
        %dma_start3A_69 = arith.constant 0 : i32
        %dma_start3A_70 = tpu.memref_slice %dma_start3A_67[%add3A_17, %dma_start3A_68, %dma_start3A_69] : memref<5x16x125xi32, #tpu.memory_space<hbm>> -> memref<1x16x125xi32, #tpu.memory_space<hbm>>
        %dma_start3A_71 = tpu.memref_squeeze %dma_start3A_70 : memref<1x16x125xi32, #tpu.memory_space<hbm>> -> memref<16x125xi32, #tpu.memory_space<hbm>>
        tpu.enqueue_dma source(%dma_start3A_71 : memref<16x125xi32, #tpu.memory_space<hbm>>) target(%arg10 : memref<16x125xi32, #tpu.memory_space<vmem>>) target_semaphore(%run_scoped3A : memref<!tpu.dma_semaphore, #tpu.memory_space<semaphore_mem>>)
        %dma_wait3A_72 = arith.constant 0 : i32
        %dma_wait3A_73 = arith.constant 0 : i32
        %dma_wait3A_74 = arith.constant 0 : i32
        %dma_wait3A_75 = tpu.memref_slice %arg4[%add3A, %dma_wait3A_72, %dma_wait3A_73, %dma_wait3A_74] : memref<32x5x16x125xi32, #tpu.memory_space<hbm>> -> memref<1x5x16x125xi32, #tpu.memory_space<hbm>>
        %dma_wait3A_76 = tpu.memref_squeeze %dma_wait3A_75 : memref<1x5x16x125xi32, #tpu.memory_space<hbm>> -> memref<5x16x125xi32, #tpu.memory_space<hbm>>
        %dma_wait3A_77 = arith.constant 0 : i32
        %dma_wait3A_78 = arith.constant 0 : i32
        %dma_wait3A_79 = tpu.memref_slice %dma_wait3A_76[%add3A_17, %dma_wait3A_77, %dma_wait3A_78] : memref<5x16x125xi32, #tpu.memory_space<hbm>> -> memref<1x16x125xi32, #tpu.memory_space<hbm>>
        %dma_wait3A_80 = tpu.memref_squeeze %dma_wait3A_79 : memref<1x16x125xi32, #tpu.memory_space<hbm>> -> memref<16x125xi32, #tpu.memory_space<hbm>>
        %dma_wait3A_81 = arith.constant 0 : i32
        %dma_wait3A_82 = arith.constant 0 : i32
        %dma_wait3A_83 = arith.constant 0 : i32
        %dma_wait3A_84 = tpu.memref_slice %arg4[%add3A, %dma_wait3A_81, %dma_wait3A_82, %dma_wait3A_83] : memref<32x5x16x125xi32, #tpu.memory_space<hbm>> -> memref<1x5x16x125xi32, #tpu.memory_space<hbm>>
        %dma_wait3A_85 = tpu.memref_squeeze %dma_wait3A_84 : memref<1x5x16x125xi32, #tpu.memory_space<hbm>> -> memref<5x16x125xi32, #tpu.memory_space<hbm>>
        %dma_wait3A_86 = arith.constant 0 : i32
        %dma_wait3A_87 = arith.constant 0 : i32
        %dma_wait3A_88 = tpu.memref_slice %dma_wait3A_85[%add3A_17, %dma_wait3A_86, %dma_wait3A_87] : memref<5x16x125xi32, #tpu.memory_space<hbm>> -> memref<1x16x125xi32, #tpu.memory_space<hbm>>
        %dma_wait3A_89 = tpu.memref_squeeze %dma_wait3A_88 : memref<1x16x125xi32, #tpu.memory_space<hbm>> -> memref<16x125xi32, #tpu.memory_space<hbm>>
        tpu.wait_dma2 semaphore(%run_scoped3A : memref<!tpu.dma_semaphore, #tpu.memory_space<semaphore_mem>>) src(%dma_wait3A_89 : memref<16x125xi32, #tpu.memory_space<hbm>>) dst(%arg10 : memref<16x125xi32, #tpu.memory_space<vmem>>)
        tpu.yield
      }) : () -> ()
      %dma_start3A = arith.constant 0 : i32
      %dma_start3A_18 = arith.constant 0 : i32
      %dma_start3A_19 = tpu.memref_slice %arg9[%dma_start3A, %dma_start3A_18] : memref<16x125xi32, #tpu.memory_space<vmem>> -> memref<1x125xi32, #tpu.memory_space<vmem>>
      %dma_start3A_20 = tpu.memref_squeeze %dma_start3A_19 : memref<1x125xi32, #tpu.memory_space<vmem>> -> memref<125xi32, #tpu.memory_space<vmem>>
      %dma_start3A_21 = arith.constant 0 : i32
      %dma_start3A_22 = arith.constant 0 : i32
      %dma_start3A_23 = tpu.memref_slice %arg2[%dma_start3A_21, %dma_start3A_22] : memref<10000x128xbf16, #tpu.memory_space<hbm>> -> memref<10000x128xbf16, #tpu.memory_space<hbm>>
      tpu.enqueue_indirect_dma source(%dma_start3A_23 : memref<10000x128xbf16, #tpu.memory_space<hbm>>) target(%arg11 : memref<125x128xbf16, #tpu.memory_space<vmem>>) offsets(%dma_start3A_20 : memref<125xi32, #tpu.memory_space<vmem>>) semaphore(%arg15 : memref<!tpu.dma_semaphore, #tpu.memory_space<semaphore_mem>>)
      %dma_start3A_24 = arith.constant 1 : i32
      %dma_start3A_25 = arith.constant 0 : i32
      %dma_start3A_26 = tpu.memref_slice %arg9[%dma_start3A_24, %dma_start3A_25] : memref<16x125xi32, #tpu.memory_space<vmem>> -> memref<1x125xi32, #tpu.memory_space<vmem>>
      %dma_start3A_27 = tpu.memref_squeeze %dma_start3A_26 : memref<1x125xi32, #tpu.memory_space<vmem>> -> memref<125xi32, #tpu.memory_space<vmem>>
      %dma_start3A_28 = arith.constant 0 : i32
      %dma_start3A_29 = arith.constant 0 : i32
      %dma_start3A_30 = tpu.memref_slice %arg2[%dma_start3A_28, %dma_start3A_29] : memref<10000x128xbf16, #tpu.memory_space<hbm>> -> memref<10000x128xbf16, #tpu.memory_space<hbm>>
      tpu.enqueue_indirect_dma source(%dma_start3A_30 : memref<10000x128xbf16, #tpu.memory_space<hbm>>) target(%arg12 : memref<125x128xbf16, #tpu.memory_space<vmem>>) offsets(%dma_start3A_27 : memref<125xi32, #tpu.memory_space<vmem>>) semaphore(%arg16 : memref<!tpu.dma_semaphore, #tpu.memory_space<semaphore_mem>>)
      %dma_start3A_31 = arith.constant 2 : i32
      %dma_start3A_32 = arith.constant 0 : i32
      %dma_start3A_33 = tpu.memref_slice %arg9[%dma_start3A_31, %dma_start3A_32] : memref<16x125xi32, #tpu.memory_space<vmem>> -> memref<1x125xi32, #tpu.memory_space<vmem>>
      %dma_start3A_34 = tpu.memref_squeeze %dma_start3A_33 : memref<1x125xi32, #tpu.memory_space<vmem>> -> memref<125xi32, #tpu.memory_space<vmem>>
      %dma_start3A_35 = arith.constant 0 : i32
      %dma_start3A_36 = arith.constant 0 : i32
      %dma_start3A_37 = tpu.memref_slice %arg2[%dma_start3A_35, %dma_start3A_36] : memref<10000x128xbf16, #tpu.memory_space<hbm>> -> memref<10000x128xbf16, #tpu.memory_space<hbm>>
      tpu.enqueue_indirect_dma source(%dma_start3A_37 : memref<10000x128xbf16, #tpu.memory_space<hbm>>) target(%arg13 : memref<125x128xbf16, #tpu.memory_space<vmem>>) offsets(%dma_start3A_34 : memref<125xi32, #tpu.memory_space<vmem>>) semaphore(%arg17 : memref<!tpu.dma_semaphore, #tpu.memory_space<semaphore_mem>>)
      %scan3A_38 = arith.constant 0 : i32
      %scan3A_39 = arith.constant 4 : i32
      %scan3A_40 = arith.addi %scan3A_38, %scan3A_39 : i32
      %scan3A_41 = arith.constant 1 : i32
      scf.for %scan3A_54 = %scan3A_38 to %scan3A_40 step %scan3A_41  : i32 {
        %mul3A_55 = arith.constant 4 : i32
        %mul3A_56 = arith.muli %scan3A_54, %mul3A_55 : i32
        %add3A_57 = arith.constant 0 : i32
        %add3A_58 = arith.addi %add3A_57, %mul3A_56 : i32
        %add3A_59 = arith.constant 0 : i32
        %add3A_60 = arith.addi %add3A_58, %add3A_59 : i32
        %dma_wait3A_61 = arith.constant 0 : i32
        %dma_wait3A_62 = tpu.memref_slice %arg9[%add3A_60, %dma_wait3A_61] : memref<16x125xi32, #tpu.memory_space<vmem>> -> memref<1x125xi32, #tpu.memory_space<vmem>>
        %dma_wait3A_63 = tpu.memref_squeeze %dma_wait3A_62 : memref<1x125xi32, #tpu.memory_space<vmem>> -> memref<125xi32, #tpu.memory_space<vmem>>
        %dma_wait3A_64 = arith.constant 0 : i32
        %dma_wait3A_65 = arith.constant 0 : i32
        %dma_wait3A_66 = tpu.memref_slice %arg2[%dma_wait3A_64, %dma_wait3A_65] : memref<10000x128xbf16, #tpu.memory_space<hbm>> -> memref<10000x128xbf16, #tpu.memory_space<hbm>>
        tpu.wait_indirect_dma semaphore(%arg15 : memref<!tpu.dma_semaphore, #tpu.memory_space<semaphore_mem>>) src(%dma_wait3A_66 : memref<10000x128xbf16, #tpu.memory_space<hbm>>) dst(%arg11 : memref<125x128xbf16, #tpu.memory_space<vmem>>)
        %dma_start3A_67 = arith.constant 0 : i32
        %dma_start3A_68 = tpu.memref_slice %arg10[%add3A_60, %dma_start3A_67] : memref<16x125xi32, #tpu.memory_space<vmem>> -> memref<1x125xi32, #tpu.memory_space<vmem>>
        %dma_start3A_69 = tpu.memref_squeeze %dma_start3A_68 : memref<1x125xi32, #tpu.memory_space<vmem>> -> memref<125xi32, #tpu.memory_space<vmem>>
        %dma_start3A_70 = arith.constant 0 : i32
        %dma_start3A_71 = arith.constant 0 : i32
        %dma_start3A_72 = tpu.memref_slice %arg23[%dma_start3A_70, %dma_start3A_71] : memref<10000x128xbf16, #tpu.memory_space<vmem_shared>> -> memref<10000x128xbf16, #tpu.memory_space<vmem_shared>>
        tpu.enqueue_indirect_dma source(%arg11 : memref<125x128xbf16, #tpu.memory_space<vmem>>) target(%dma_start3A_72 : memref<10000x128xbf16, #tpu.memory_space<vmem_shared>>) offsets(%dma_start3A_69 : memref<125xi32, #tpu.memory_space<vmem>>) semaphore(%arg19 : memref<!tpu.dma_semaphore, #tpu.memory_space<semaphore_mem>>) {add = true}
        %dma_start3A_73 = arith.constant 0 : i32
        %dma_start3A_74 = tpu.memref_slice %arg10[%add3A_60, %dma_start3A_73] : memref<16x125xi32, #tpu.memory_space<vmem>> -> memref<1x125xi32, #tpu.memory_space<vmem>>
        %dma_start3A_75 = tpu.memref_squeeze %dma_start3A_74 : memref<1x125xi32, #tpu.memory_space<vmem>> -> memref<125xi32, #tpu.memory_space<vmem>>
        %dma_start3A_76 = arith.constant 0 : i32
        %dma_start3A_77 = arith.constant 0 : i32
        %dma_start3A_78 = tpu.memref_slice %arg25[%dma_start3A_76, %dma_start3A_77] : memref<10000x16xf32, #tpu.memory_space<vmem_shared>> -> memref<10000x16xf32, #tpu.memory_space<vmem_shared>>
        tpu.enqueue_indirect_dma source(%arg24 : memref<125x16xf32, #tpu.memory_space<vmem>>) target(%dma_start3A_78 : memref<10000x16xf32, #tpu.memory_space<vmem_shared>>) offsets(%dma_start3A_75 : memref<125xi32, #tpu.memory_space<vmem>>) semaphore(%arg26 : memref<!tpu.dma_semaphore, #tpu.memory_space<semaphore_mem>>) {add = true}
        %ge3A = arith.constant 1 : i32
        %ge3A_79 = arith.cmpi sge, %add3A_60, %ge3A : i32
        %convert_element_type3A = arith.extui %ge3A_79 : i1 to i32
        %cond3A = arith.constant 0 : i32
        %cond3A_80 = arith.cmpi ne, %convert_element_type3A, %cond3A : i32
        scf.if %cond3A_80 {
          %dma_wait3A_183 = arith.constant 0 : i32
          %dma_wait3A_184 = arith.constant 0 : i32
          %dma_wait3A_185 = tpu.memref_slice %arg10[%dma_wait3A_183, %dma_wait3A_184] : memref<16x125xi32, #tpu.memory_space<vmem>> -> memref<1x125xi32, #tpu.memory_space<vmem>>
          %dma_wait3A_186 = tpu.memref_squeeze %dma_wait3A_185 : memref<1x125xi32, #tpu.memory_space<vmem>> -> memref<125xi32, #tpu.memory_space<vmem>>
          %dma_wait3A_187 = arith.constant 0 : i32
          %dma_wait3A_188 = arith.constant 0 : i32
          %dma_wait3A_189 = tpu.memref_slice %arg23[%dma_wait3A_187, %dma_wait3A_188] : memref<10000x128xbf16, #tpu.memory_space<vmem_shared>> -> memref<10000x128xbf16, #tpu.memory_space<vmem_shared>>
          tpu.wait_indirect_dma semaphore(%arg22 : memref<!tpu.dma_semaphore, #tpu.memory_space<semaphore_mem>>) src(%arg14 : memref<125x128xbf16, #tpu.memory_space<vmem>>) dst(%dma_wait3A_189 : memref<10000x128xbf16, #tpu.memory_space<vmem_shared>>)
        } else {
        }
        %add3A_81 = arith.constant 3 : i32
        %add3A_82 = arith.addi %add3A_60, %add3A_81 : i32
        %lt3A = arith.constant 16 : i32
        %lt3A_83 = arith.cmpi slt, %add3A_82, %lt3A : i32
        %convert_element_type3A_84 = arith.extui %lt3A_83 : i1 to i32
        %cond3A_85 = arith.constant 0 : i32
        %cond3A_86 = arith.cmpi ne, %convert_element_type3A_84, %cond3A_85 : i32
        scf.if %cond3A_86 {
          %add3A_183 = arith.constant 3 : i32
          %add3A_184 = arith.addi %add3A_60, %add3A_183 : i32
          %dma_start3A_185 = arith.constant 0 : i32
          %dma_start3A_186 = tpu.memref_slice %arg9[%add3A_184, %dma_start3A_185] : memref<16x125xi32, #tpu.memory_space<vmem>> -> memref<1x125xi32, #tpu.memory_space<vmem>>
          %dma_start3A_187 = tpu.memref_squeeze %dma_start3A_186 : memref<1x125xi32, #tpu.memory_space<vmem>> -> memref<125xi32, #tpu.memory_space<vmem>>
          %dma_start3A_188 = arith.constant 0 : i32
          %dma_start3A_189 = arith.constant 0 : i32
          %dma_start3A_190 = tpu.memref_slice %arg2[%dma_start3A_188, %dma_start3A_189] : memref<10000x128xbf16, #tpu.memory_space<hbm>> -> memref<10000x128xbf16, #tpu.memory_space<hbm>>
          tpu.enqueue_indirect_dma source(%dma_start3A_190 : memref<10000x128xbf16, #tpu.memory_space<hbm>>) target(%arg14 : memref<125x128xbf16, #tpu.memory_space<vmem>>) offsets(%dma_start3A_187 : memref<125xi32, #tpu.memory_space<vmem>>) semaphore(%arg18 : memref<!tpu.dma_semaphore, #tpu.memory_space<semaphore_mem>>)
        } else {
        }
        %add3A_87 = arith.constant 1 : i32
        %add3A_88 = arith.addi %add3A_58, %add3A_87 : i32
        %dma_wait3A_89 = arith.constant 0 : i32
        %dma_wait3A_90 = tpu.memref_slice %arg9[%add3A_88, %dma_wait3A_89] : memref<16x125xi32, #tpu.memory_space<vmem>> -> memref<1x125xi32, #tpu.memory_space<vmem>>
        %dma_wait3A_91 = tpu.memref_squeeze %dma_wait3A_90 : memref<1x125xi32, #tpu.memory_space<vmem>> -> memref<125xi32, #tpu.memory_space<vmem>>
        %dma_wait3A_92 = arith.constant 0 : i32
        %dma_wait3A_93 = arith.constant 0 : i32
        %dma_wait3A_94 = tpu.memref_slice %arg2[%dma_wait3A_92, %dma_wait3A_93] : memref<10000x128xbf16, #tpu.memory_space<hbm>> -> memref<10000x128xbf16, #tpu.memory_space<hbm>>
        tpu.wait_indirect_dma semaphore(%arg16 : memref<!tpu.dma_semaphore, #tpu.memory_space<semaphore_mem>>) src(%dma_wait3A_94 : memref<10000x128xbf16, #tpu.memory_space<hbm>>) dst(%arg12 : memref<125x128xbf16, #tpu.memory_space<vmem>>)
        %dma_start3A_95 = arith.constant 0 : i32
        %dma_start3A_96 = tpu.memref_slice %arg10[%add3A_88, %dma_start3A_95] : memref<16x125xi32, #tpu.memory_space<vmem>> -> memref<1x125xi32, #tpu.memory_space<vmem>>
        %dma_start3A_97 = tpu.memref_squeeze %dma_start3A_96 : memref<1x125xi32, #tpu.memory_space<vmem>> -> memref<125xi32, #tpu.memory_space<vmem>>
        %dma_start3A_98 = arith.constant 0 : i32
        %dma_start3A_99 = arith.constant 0 : i32
        %dma_start3A_100 = tpu.memref_slice %arg23[%dma_start3A_98, %dma_start3A_99] : memref<10000x128xbf16, #tpu.memory_space<vmem_shared>> -> memref<10000x128xbf16, #tpu.memory_space<vmem_shared>>
        tpu.enqueue_indirect_dma source(%arg12 : memref<125x128xbf16, #tpu.memory_space<vmem>>) target(%dma_start3A_100 : memref<10000x128xbf16, #tpu.memory_space<vmem_shared>>) offsets(%dma_start3A_97 : memref<125xi32, #tpu.memory_space<vmem>>) semaphore(%arg20 : memref<!tpu.dma_semaphore, #tpu.memory_space<semaphore_mem>>) {add = true}
        %dma_start3A_101 = arith.constant 0 : i32
        %dma_start3A_102 = tpu.memref_slice %arg10[%add3A_88, %dma_start3A_101] : memref<16x125xi32, #tpu.memory_space<vmem>> -> memref<1x125xi32, #tpu.memory_space<vmem>>
        %dma_start3A_103 = tpu.memref_squeeze %dma_start3A_102 : memref<1x125xi32, #tpu.memory_space<vmem>> -> memref<125xi32, #tpu.memory_space<vmem>>
        %dma_start3A_104 = arith.constant 0 : i32
        %dma_start3A_105 = arith.constant 0 : i32
        %dma_start3A_106 = tpu.memref_slice %arg25[%dma_start3A_104, %dma_start3A_105] : memref<10000x16xf32, #tpu.memory_space<vmem_shared>> -> memref<10000x16xf32, #tpu.memory_space<vmem_shared>>
        tpu.enqueue_indirect_dma source(%arg24 : memref<125x16xf32, #tpu.memory_space<vmem>>) target(%dma_start3A_106 : memref<10000x16xf32, #tpu.memory_space<vmem_shared>>) offsets(%dma_start3A_103 : memref<125xi32, #tpu.memory_space<vmem>>) semaphore(%arg26 : memref<!tpu.dma_semaphore, #tpu.memory_space<semaphore_mem>>) {add = true}
        %ge3A_107 = arith.constant 1 : i32
        %ge3A_108 = arith.cmpi sge, %add3A_88, %ge3A_107 : i32
        %convert_element_type3A_109 = arith.extui %ge3A_108 : i1 to i32
        %cond3A_110 = arith.constant 0 : i32
        %cond3A_111 = arith.cmpi ne, %convert_element_type3A_109, %cond3A_110 : i32
        scf.if %cond3A_111 {
          %dma_wait3A_183 = arith.constant 0 : i32
          %dma_wait3A_184 = arith.constant 0 : i32
          %dma_wait3A_185 = tpu.memref_slice %arg10[%dma_wait3A_183, %dma_wait3A_184] : memref<16x125xi32, #tpu.memory_space<vmem>> -> memref<1x125xi32, #tpu.memory_space<vmem>>
          %dma_wait3A_186 = tpu.memref_squeeze %dma_wait3A_185 : memref<1x125xi32, #tpu.memory_space<vmem>> -> memref<125xi32, #tpu.memory_space<vmem>>
          %dma_wait3A_187 = arith.constant 0 : i32
          %dma_wait3A_188 = arith.constant 0 : i32
          %dma_wait3A_189 = tpu.memref_slice %arg23[%dma_wait3A_187, %dma_wait3A_188] : memref<10000x128xbf16, #tpu.memory_space<vmem_shared>> -> memref<10000x128xbf16, #tpu.memory_space<vmem_shared>>
          tpu.wait_indirect_dma semaphore(%arg19 : memref<!tpu.dma_semaphore, #tpu.memory_space<semaphore_mem>>) src(%arg11 : memref<125x128xbf16, #tpu.memory_space<vmem>>) dst(%dma_wait3A_189 : memref<10000x128xbf16, #tpu.memory_space<vmem_shared>>)
        } else {
        }
        %add3A_112 = arith.constant 3 : i32
        %add3A_113 = arith.addi %add3A_88, %add3A_112 : i32
        %lt3A_114 = arith.constant 16 : i32
        %lt3A_115 = arith.cmpi slt, %add3A_113, %lt3A_114 : i32
        %convert_element_type3A_116 = arith.extui %lt3A_115 : i1 to i32
        %cond3A_117 = arith.constant 0 : i32
        %cond3A_118 = arith.cmpi ne, %convert_element_type3A_116, %cond3A_117 : i32
        scf.if %cond3A_118 {
          %add3A_183 = arith.constant 3 : i32
          %add3A_184 = arith.addi %add3A_88, %add3A_183 : i32
          %dma_start3A_185 = arith.constant 0 : i32
          %dma_start3A_186 = tpu.memref_slice %arg9[%add3A_184, %dma_start3A_185] : memref<16x125xi32, #tpu.memory_space<vmem>> -> memref<1x125xi32, #tpu.memory_space<vmem>>
          %dma_start3A_187 = tpu.memref_squeeze %dma_start3A_186 : memref<1x125xi32, #tpu.memory_space<vmem>> -> memref<125xi32, #tpu.memory_space<vmem>>
          %dma_start3A_188 = arith.constant 0 : i32
          %dma_start3A_189 = arith.constant 0 : i32
          %dma_start3A_190 = tpu.memref_slice %arg2[%dma_start3A_188, %dma_start3A_189] : memref<10000x128xbf16, #tpu.memory_space<hbm>> -> memref<10000x128xbf16, #tpu.memory_space<hbm>>
          tpu.enqueue_indirect_dma source(%dma_start3A_190 : memref<10000x128xbf16, #tpu.memory_space<hbm>>) target(%arg11 : memref<125x128xbf16, #tpu.memory_space<vmem>>) offsets(%dma_start3A_187 : memref<125xi32, #tpu.memory_space<vmem>>) semaphore(%arg15 : memref<!tpu.dma_semaphore, #tpu.memory_space<semaphore_mem>>)
        } else {
        }
        %add3A_119 = arith.constant 2 : i32
        %add3A_120 = arith.addi %add3A_58, %add3A_119 : i32
        %dma_wait3A_121 = arith.constant 0 : i32
        %dma_wait3A_122 = tpu.memref_slice %arg9[%add3A_120, %dma_wait3A_121] : memref<16x125xi32, #tpu.memory_space<vmem>> -> memref<1x125xi32, #tpu.memory_space<vmem>>
        %dma_wait3A_123 = tpu.memref_squeeze %dma_wait3A_122 : memref<1x125xi32, #tpu.memory_space<vmem>> -> memref<125xi32, #tpu.memory_space<vmem>>
        %dma_wait3A_124 = arith.constant 0 : i32
        %dma_wait3A_125 = arith.constant 0 : i32
        %dma_wait3A_126 = tpu.memref_slice %arg2[%dma_wait3A_124, %dma_wait3A_125] : memref<10000x128xbf16, #tpu.memory_space<hbm>> -> memref<10000x128xbf16, #tpu.memory_space<hbm>>
        tpu.wait_indirect_dma semaphore(%arg17 : memref<!tpu.dma_semaphore, #tpu.memory_space<semaphore_mem>>) src(%dma_wait3A_126 : memref<10000x128xbf16, #tpu.memory_space<hbm>>) dst(%arg13 : memref<125x128xbf16, #tpu.memory_space<vmem>>)
        %dma_start3A_127 = arith.constant 0 : i32
        %dma_start3A_128 = tpu.memref_slice %arg10[%add3A_120, %dma_start3A_127] : memref<16x125xi32, #tpu.memory_space<vmem>> -> memref<1x125xi32, #tpu.memory_space<vmem>>
        %dma_start3A_129 = tpu.memref_squeeze %dma_start3A_128 : memref<1x125xi32, #tpu.memory_space<vmem>> -> memref<125xi32, #tpu.memory_space<vmem>>
        %dma_start3A_130 = arith.constant 0 : i32
        %dma_start3A_131 = arith.constant 0 : i32
        %dma_start3A_132 = tpu.memref_slice %arg23[%dma_start3A_130, %dma_start3A_131] : memref<10000x128xbf16, #tpu.memory_space<vmem_shared>> -> memref<10000x128xbf16, #tpu.memory_space<vmem_shared>>
        tpu.enqueue_indirect_dma source(%arg13 : memref<125x128xbf16, #tpu.memory_space<vmem>>) target(%dma_start3A_132 : memref<10000x128xbf16, #tpu.memory_space<vmem_shared>>) offsets(%dma_start3A_129 : memref<125xi32, #tpu.memory_space<vmem>>) semaphore(%arg21 : memref<!tpu.dma_semaphore, #tpu.memory_space<semaphore_mem>>) {add = true}
        %dma_start3A_133 = arith.constant 0 : i32
        %dma_start3A_134 = tpu.memref_slice %arg10[%add3A_120, %dma_start3A_133] : memref<16x125xi32, #tpu.memory_space<vmem>> -> memref<1x125xi32, #tpu.memory_space<vmem>>
        %dma_start3A_135 = tpu.memref_squeeze %dma_start3A_134 : memref<1x125xi32, #tpu.memory_space<vmem>> -> memref<125xi32, #tpu.memory_space<vmem>>
        %dma_start3A_136 = arith.constant 0 : i32
        %dma_start3A_137 = arith.constant 0 : i32
        %dma_start3A_138 = tpu.memref_slice %arg25[%dma_start3A_136, %dma_start3A_137] : memref<10000x16xf32, #tpu.memory_space<vmem_shared>> -> memref<10000x16xf32, #tpu.memory_space<vmem_shared>>
        tpu.enqueue_indirect_dma source(%arg24 : memref<125x16xf32, #tpu.memory_space<vmem>>) target(%dma_start3A_138 : memref<10000x16xf32, #tpu.memory_space<vmem_shared>>) offsets(%dma_start3A_135 : memref<125xi32, #tpu.memory_space<vmem>>) semaphore(%arg26 : memref<!tpu.dma_semaphore, #tpu.memory_space<semaphore_mem>>) {add = true}
        %ge3A_139 = arith.constant 1 : i32
        %ge3A_140 = arith.cmpi sge, %add3A_120, %ge3A_139 : i32
        %convert_element_type3A_141 = arith.extui %ge3A_140 : i1 to i32
        %cond3A_142 = arith.constant 0 : i32
        %cond3A_143 = arith.cmpi ne, %convert_element_type3A_141, %cond3A_142 : i32
        scf.if %cond3A_143 {
          %dma_wait3A_183 = arith.constant 0 : i32
          %dma_wait3A_184 = arith.constant 0 : i32
          %dma_wait3A_185 = tpu.memref_slice %arg10[%dma_wait3A_183, %dma_wait3A_184] : memref<16x125xi32, #tpu.memory_space<vmem>> -> memref<1x125xi32, #tpu.memory_space<vmem>>
          %dma_wait3A_186 = tpu.memref_squeeze %dma_wait3A_185 : memref<1x125xi32, #tpu.memory_space<vmem>> -> memref<125xi32, #tpu.memory_space<vmem>>
          %dma_wait3A_187 = arith.constant 0 : i32
          %dma_wait3A_188 = arith.constant 0 : i32
          %dma_wait3A_189 = tpu.memref_slice %arg23[%dma_wait3A_187, %dma_wait3A_188] : memref<10000x128xbf16, #tpu.memory_space<vmem_shared>> -> memref<10000x128xbf16, #tpu.memory_space<vmem_shared>>
          tpu.wait_indirect_dma semaphore(%arg20 : memref<!tpu.dma_semaphore, #tpu.memory_space<semaphore_mem>>) src(%arg12 : memref<125x128xbf16, #tpu.memory_space<vmem>>) dst(%dma_wait3A_189 : memref<10000x128xbf16, #tpu.memory_space<vmem_shared>>)
        } else {
        }
        %add3A_144 = arith.constant 3 : i32
        %add3A_145 = arith.addi %add3A_120, %add3A_144 : i32
        %lt3A_146 = arith.constant 16 : i32
        %lt3A_147 = arith.cmpi slt, %add3A_145, %lt3A_146 : i32
        %convert_element_type3A_148 = arith.extui %lt3A_147 : i1 to i32
        %cond3A_149 = arith.constant 0 : i32
        %cond3A_150 = arith.cmpi ne, %convert_element_type3A_148, %cond3A_149 : i32
        scf.if %cond3A_150 {
          %add3A_183 = arith.constant 3 : i32
          %add3A_184 = arith.addi %add3A_120, %add3A_183 : i32
          %dma_start3A_185 = arith.constant 0 : i32
          %dma_start3A_186 = tpu.memref_slice %arg9[%add3A_184, %dma_start3A_185] : memref<16x125xi32, #tpu.memory_space<vmem>> -> memref<1x125xi32, #tpu.memory_space<vmem>>
          %dma_start3A_187 = tpu.memref_squeeze %dma_start3A_186 : memref<1x125xi32, #tpu.memory_space<vmem>> -> memref<125xi32, #tpu.memory_space<vmem>>
          %dma_start3A_188 = arith.constant 0 : i32
          %dma_start3A_189 = arith.constant 0 : i32
          %dma_start3A_190 = tpu.memref_slice %arg2[%dma_start3A_188, %dma_start3A_189] : memref<10000x128xbf16, #tpu.memory_space<hbm>> -> memref<10000x128xbf16, #tpu.memory_space<hbm>>
          tpu.enqueue_indirect_dma source(%dma_start3A_190 : memref<10000x128xbf16, #tpu.memory_space<hbm>>) target(%arg12 : memref<125x128xbf16, #tpu.memory_space<vmem>>) offsets(%dma_start3A_187 : memref<125xi32, #tpu.memory_space<vmem>>) semaphore(%arg16 : memref<!tpu.dma_semaphore, #tpu.memory_space<semaphore_mem>>)
        } else {
        }
        %add3A_151 = arith.constant 3 : i32
        %add3A_152 = arith.addi %add3A_58, %add3A_151 : i32
        %dma_wait3A_153 = arith.constant 0 : i32
        %dma_wait3A_154 = tpu.memref_slice %arg9[%add3A_152, %dma_wait3A_153] : memref<16x125xi32, #tpu.memory_space<vmem>> -> memref<1x125xi32, #tpu.memory_space<vmem>>
        %dma_wait3A_155 = tpu.memref_squeeze %dma_wait3A_154 : memref<1x125xi32, #tpu.memory_space<vmem>> -> memref<125xi32, #tpu.memory_space<vmem>>
        %dma_wait3A_156 = arith.constant 0 : i32
        %dma_wait3A_157 = arith.constant 0 : i32
        %dma_wait3A_158 = tpu.memref_slice %arg2[%dma_wait3A_156, %dma_wait3A_157] : memref<10000x128xbf16, #tpu.memory_space<hbm>> -> memref<10000x128xbf16, #tpu.memory_space<hbm>>
        tpu.wait_indirect_dma semaphore(%arg18 : memref<!tpu.dma_semaphore, #tpu.memory_space<semaphore_mem>>) src(%dma_wait3A_158 : memref<10000x128xbf16, #tpu.memory_space<hbm>>) dst(%arg14 : memref<125x128xbf16, #tpu.memory_space<vmem>>)
        %dma_start3A_159 = arith.constant 0 : i32
        %dma_start3A_160 = tpu.memref_slice %arg10[%add3A_152, %dma_start3A_159] : memref<16x125xi32, #tpu.memory_space<vmem>> -> memref<1x125xi32, #tpu.memory_space<vmem>>
        %dma_start3A_161 = tpu.memref_squeeze %dma_start3A_160 : memref<1x125xi32, #tpu.memory_space<vmem>> -> memref<125xi32, #tpu.memory_space<vmem>>
        %dma_start3A_162 = arith.constant 0 : i32
        %dma_start3A_163 = arith.constant 0 : i32
        %dma_start3A_164 = tpu.memref_slice %arg23[%dma_start3A_162, %dma_start3A_163] : memref<10000x128xbf16, #tpu.memory_space<vmem_shared>> -> memref<10000x128xbf16, #tpu.memory_space<vmem_shared>>
        tpu.enqueue_indirect_dma source(%arg14 : memref<125x128xbf16, #tpu.memory_space<vmem>>) target(%dma_start3A_164 : memref<10000x128xbf16, #tpu.memory_space<vmem_shared>>) offsets(%dma_start3A_161 : memref<125xi32, #tpu.memory_space<vmem>>) semaphore(%arg22 : memref<!tpu.dma_semaphore, #tpu.memory_space<semaphore_mem>>) {add = true}
        %dma_start3A_165 = arith.constant 0 : i32
        %dma_start3A_166 = tpu.memref_slice %arg10[%add3A_152, %dma_start3A_165] : memref<16x125xi32, #tpu.memory_space<vmem>> -> memref<1x125xi32, #tpu.memory_space<vmem>>
        %dma_start3A_167 = tpu.memref_squeeze %dma_start3A_166 : memref<1x125xi32, #tpu.memory_space<vmem>> -> memref<125xi32, #tpu.memory_space<vmem>>
        %dma_start3A_168 = arith.constant 0 : i32
        %dma_start3A_169 = arith.constant 0 : i32
        %dma_start3A_170 = tpu.memref_slice %arg25[%dma_start3A_168, %dma_start3A_169] : memref<10000x16xf32, #tpu.memory_space<vmem_shared>> -> memref<10000x16xf32, #tpu.memory_space<vmem_shared>>
        tpu.enqueue_indirect_dma source(%arg24 : memref<125x16xf32, #tpu.memory_space<vmem>>) target(%dma_start3A_170 : memref<10000x16xf32, #tpu.memory_space<vmem_shared>>) offsets(%dma_start3A_167 : memref<125xi32, #tpu.memory_space<vmem>>) semaphore(%arg26 : memref<!tpu.dma_semaphore, #tpu.memory_space<semaphore_mem>>) {add = true}
        %ge3A_171 = arith.constant 1 : i32
        %ge3A_172 = arith.cmpi sge, %add3A_152, %ge3A_171 : i32
        %convert_element_type3A_173 = arith.extui %ge3A_172 : i1 to i32
        %cond3A_174 = arith.constant 0 : i32
        %cond3A_175 = arith.cmpi ne, %convert_element_type3A_173, %cond3A_174 : i32
        scf.if %cond3A_175 {
          %dma_wait3A_183 = arith.constant 0 : i32
          %dma_wait3A_184 = arith.constant 0 : i32
          %dma_wait3A_185 = tpu.memref_slice %arg10[%dma_wait3A_183, %dma_wait3A_184] : memref<16x125xi32, #tpu.memory_space<vmem>> -> memref<1x125xi32, #tpu.memory_space<vmem>>
          %dma_wait3A_186 = tpu.memref_squeeze %dma_wait3A_185 : memref<1x125xi32, #tpu.memory_space<vmem>> -> memref<125xi32, #tpu.memory_space<vmem>>
          %dma_wait3A_187 = arith.constant 0 : i32
          %dma_wait3A_188 = arith.constant 0 : i32
          %dma_wait3A_189 = tpu.memref_slice %arg23[%dma_wait3A_187, %dma_wait3A_188] : memref<10000x128xbf16, #tpu.memory_space<vmem_shared>> -> memref<10000x128xbf16, #tpu.memory_space<vmem_shared>>
          tpu.wait_indirect_dma semaphore(%arg21 : memref<!tpu.dma_semaphore, #tpu.memory_space<semaphore_mem>>) src(%arg13 : memref<125x128xbf16, #tpu.memory_space<vmem>>) dst(%dma_wait3A_189 : memref<10000x128xbf16, #tpu.memory_space<vmem_shared>>)
        } else {
        }
        %add3A_176 = arith.constant 3 : i32
        %add3A_177 = arith.addi %add3A_152, %add3A_176 : i32
        %lt3A_178 = arith.constant 16 : i32
        %lt3A_179 = arith.cmpi slt, %add3A_177, %lt3A_178 : i32
        %convert_element_type3A_180 = arith.extui %lt3A_179 : i1 to i32
        %cond3A_181 = arith.constant 0 : i32
        %cond3A_182 = arith.cmpi ne, %convert_element_type3A_180, %cond3A_181 : i32
        scf.if %cond3A_182 {
          %add3A_183 = arith.constant 3 : i32
          %add3A_184 = arith.addi %add3A_152, %add3A_183 : i32
          %dma_start3A_185 = arith.constant 0 : i32
          %dma_start3A_186 = tpu.memref_slice %arg9[%add3A_184, %dma_start3A_185] : memref<16x125xi32, #tpu.memory_space<vmem>> -> memref<1x125xi32, #tpu.memory_space<vmem>>
          %dma_start3A_187 = tpu.memref_squeeze %dma_start3A_186 : memref<1x125xi32, #tpu.memory_space<vmem>> -> memref<125xi32, #tpu.memory_space<vmem>>
          %dma_start3A_188 = arith.constant 0 : i32
          %dma_start3A_189 = arith.constant 0 : i32
          %dma_start3A_190 = tpu.memref_slice %arg2[%dma_start3A_188, %dma_start3A_189] : memref<10000x128xbf16, #tpu.memory_space<hbm>> -> memref<10000x128xbf16, #tpu.memory_space<hbm>>
          tpu.enqueue_indirect_dma source(%dma_start3A_190 : memref<10000x128xbf16, #tpu.memory_space<hbm>>) target(%arg13 : memref<125x128xbf16, #tpu.memory_space<vmem>>) offsets(%dma_start3A_187 : memref<125xi32, #tpu.memory_space<vmem>>) semaphore(%arg17 : memref<!tpu.dma_semaphore, #tpu.memory_space<semaphore_mem>>)
        } else {
        }
      }
      %scan3A_42 = arith.constant 4 : i32
      %dma_wait3A = arith.constant 0 : i32
      %dma_wait3A_43 = arith.constant 0 : i32
      %dma_wait3A_44 = tpu.memref_slice %arg10[%dma_wait3A, %dma_wait3A_43] : memref<16x125xi32, #tpu.memory_space<vmem>> -> memref<1x125xi32, #tpu.memory_space<vmem>>
      %dma_wait3A_45 = tpu.memref_squeeze %dma_wait3A_44 : memref<1x125xi32, #tpu.memory_space<vmem>> -> memref<125xi32, #tpu.memory_space<vmem>>
      %dma_wait3A_46 = arith.constant 0 : i32
      %dma_wait3A_47 = arith.constant 0 : i32
      %dma_wait3A_48 = tpu.memref_slice %arg23[%dma_wait3A_46, %dma_wait3A_47] : memref<10000x128xbf16, #tpu.memory_space<vmem_shared>> -> memref<10000x128xbf16, #tpu.memory_space<vmem_shared>>
      tpu.wait_indirect_dma semaphore(%arg22 : memref<!tpu.dma_semaphore, #tpu.memory_space<semaphore_mem>>) src(%arg14 : memref<125x128xbf16, #tpu.memory_space<vmem>>) dst(%dma_wait3A_48 : memref<10000x128xbf16, #tpu.memory_space<vmem_shared>>)
      %scan3A_49 = arith.constant 0 : i32
      %scan3A_50 = arith.constant 16 : i32
      %scan3A_51 = arith.addi %scan3A_49, %scan3A_50 : i32
      %scan3A_52 = arith.constant 1 : i32
      scf.for %scan3A_54 = %scan3A_49 to %scan3A_51 step %scan3A_52  : i32 {
        %mul3A_55 = arith.constant 1 : i32
        %mul3A_56 = arith.muli %scan3A_54, %mul3A_55 : i32
        %add3A_57 = arith.constant 0 : i32
        %add3A_58 = arith.addi %add3A_57, %mul3A_56 : i32
        %dma_wait3A_59 = arith.constant 0 : i32
        %dma_wait3A_60 = arith.constant 0 : i32
        %dma_wait3A_61 = tpu.memref_slice %arg10[%dma_wait3A_59, %dma_wait3A_60] : memref<16x125xi32, #tpu.memory_space<vmem>> -> memref<1x125xi32, #tpu.memory_space<vmem>>
        %dma_wait3A_62 = tpu.memref_squeeze %dma_wait3A_61 : memref<1x125xi32, #tpu.memory_space<vmem>> -> memref<125xi32, #tpu.memory_space<vmem>>
        %dma_wait3A_63 = arith.constant 0 : i32
        %dma_wait3A_64 = arith.constant 0 : i32
        %dma_wait3A_65 = tpu.memref_slice %arg25[%dma_wait3A_63, %dma_wait3A_64] : memref<10000x16xf32, #tpu.memory_space<vmem_shared>> -> memref<10000x16xf32, #tpu.memory_space<vmem_shared>>
        tpu.wait_indirect_dma semaphore(%arg26 : memref<!tpu.dma_semaphore, #tpu.memory_space<semaphore_mem>>) src(%arg24 : memref<125x16xf32, #tpu.memory_space<vmem>>) dst(%dma_wait3A_65 : memref<10000x16xf32, #tpu.memory_space<vmem_shared>>)
      }
      %scan3A_53 = arith.constant 16 : i32
    }
    %scan3A_11 = arith.constant 5 : i32
    %barrier3A_12 = arith.constant 0 : index
    tpu.barrier barrier_id(%barrier3A_12)
    "tpu.region"() ({
      %run_scoped3A = tpu.sem_alloc : memref<!tpu.dma_semaphore, #tpu.memory_space<semaphore_mem>>
      %dma_start3A = arith.constant 0 : i32
      %dma_start3A_13 = arith.constant 0 : i32
      %dma_start3A_14 = tpu.memref_slice %arg7[%arg0, %dma_start3A, %dma_start3A_13] : memref<2x10000x128xbf16, #tpu.memory_space<hbm>> -> memref<1x10000x128xbf16, #tpu.memory_space<hbm>>
      %dma_start3A_15 = tpu.memref_squeeze %dma_start3A_14 : memref<1x10000x128xbf16, #tpu.memory_space<hbm>> -> memref<10000x128xbf16, #tpu.memory_space<hbm>>
      %dma_start3A_16 = arith.constant 0 : i32
      %dma_start3A_17 = tpu.memref_slice %dma_start3A_15[%mul3A_2, %dma_start3A_16] : memref<10000x128xbf16, #tpu.memory_space<hbm>> -> memref<625x128xbf16, #tpu.memory_space<hbm>>
      %dma_start3A_18 = arith.constant 0 : i32
      %dma_start3A_19 = tpu.memref_slice %arg23[%mul3A_2, %dma_start3A_18] : memref<10000x128xbf16, #tpu.memory_space<vmem_shared>> -> memref<625x128xbf16, #tpu.memory_space<vmem_shared>>
      tpu.enqueue_dma source(%dma_start3A_19 : memref<625x128xbf16, #tpu.memory_space<vmem_shared>>) target(%dma_start3A_17 : memref<625x128xbf16, #tpu.memory_space<hbm>>) target_semaphore(%run_scoped3A : memref<!tpu.dma_semaphore, #tpu.memory_space<semaphore_mem>>)
      %dma_wait3A = arith.constant 0 : i32
      %dma_wait3A_20 = arith.constant 0 : i32
      %dma_wait3A_21 = tpu.memref_slice %arg7[%arg0, %dma_wait3A, %dma_wait3A_20] : memref<2x10000x128xbf16, #tpu.memory_space<hbm>> -> memref<1x10000x128xbf16, #tpu.memory_space<hbm>>
      %dma_wait3A_22 = tpu.memref_squeeze %dma_wait3A_21 : memref<1x10000x128xbf16, #tpu.memory_space<hbm>> -> memref<10000x128xbf16, #tpu.memory_space<hbm>>
      %dma_wait3A_23 = arith.constant 0 : i32
      %dma_wait3A_24 = tpu.memref_slice %dma_wait3A_22[%mul3A_2, %dma_wait3A_23] : memref<10000x128xbf16, #tpu.memory_space<hbm>> -> memref<625x128xbf16, #tpu.memory_space<hbm>>
      %dma_wait3A_25 = arith.constant 0 : i32
      %dma_wait3A_26 = tpu.memref_slice %arg23[%mul3A_2, %dma_wait3A_25] : memref<10000x128xbf16, #tpu.memory_space<vmem_shared>> -> memref<625x128xbf16, #tpu.memory_space<vmem_shared>>
      tpu.wait_dma2 semaphore(%run_scoped3A : memref<!tpu.dma_semaphore, #tpu.memory_space<semaphore_mem>>) src(%dma_wait3A_26 : memref<625x128xbf16, #tpu.memory_space<vmem_shared>>) dst(%dma_wait3A_24 : memref<625x128xbf16, #tpu.memory_space<hbm>>)
      tpu.yield
    }) : () -> ()
    "tpu.region"() ({
      %run_scoped3A = tpu.sem_alloc : memref<!tpu.dma_semaphore, #tpu.memory_space<semaphore_mem>>
      %dma_start3A = arith.constant 0 : i32
      %dma_start3A_13 = arith.constant 0 : i32
      %dma_start3A_14 = tpu.memref_slice %arg8[%arg0, %dma_start3A, %dma_start3A_13] : memref<2x10000x16xf32, #tpu.memory_space<hbm>> -> memref<1x10000x16xf32, #tpu.memory_space<hbm>>
      %dma_start3A_15 = tpu.memref_squeeze %dma_start3A_14 : memref<1x10000x16xf32, #tpu.memory_space<hbm>> -> memref<10000x16xf32, #tpu.memory_space<hbm>>
      %dma_start3A_16 = arith.constant 0 : i32
      %dma_start3A_17 = tpu.memref_slice %dma_start3A_15[%mul3A_2, %dma_start3A_16] : memref<10000x16xf32, #tpu.memory_space<hbm>> -> memref<625x16xf32, #tpu.memory_space<hbm>>
      %dma_start3A_18 = arith.constant 0 : i32
      %dma_start3A_19 = tpu.memref_slice %arg25[%mul3A_2, %dma_start3A_18] : memref<10000x16xf32, #tpu.memory_space<vmem_shared>> -> memref<625x16xf32, #tpu.memory_space<vmem_shared>>
      tpu.enqueue_dma source(%dma_start3A_19 : memref<625x16xf32, #tpu.memory_space<vmem_shared>>) target(%dma_start3A_17 : memref<625x16xf32, #tpu.memory_space<hbm>>) target_semaphore(%run_scoped3A : memref<!tpu.dma_semaphore, #tpu.memory_space<semaphore_mem>>)
      %dma_wait3A = arith.constant 0 : i32
      %dma_wait3A_20 = arith.constant 0 : i32
      %dma_wait3A_21 = tpu.memref_slice %arg8[%arg0, %dma_wait3A, %dma_wait3A_20] : memref<2x10000x16xf32, #tpu.memory_space<hbm>> -> memref<1x10000x16xf32, #tpu.memory_space<hbm>>
      %dma_wait3A_22 = tpu.memref_squeeze %dma_wait3A_21 : memref<1x10000x16xf32, #tpu.memory_space<hbm>> -> memref<10000x16xf32, #tpu.memory_space<hbm>>
      %dma_wait3A_23 = arith.constant 0 : i32
      %dma_wait3A_24 = tpu.memref_slice %dma_wait3A_22[%mul3A_2, %dma_wait3A_23] : memref<10000x16xf32, #tpu.memory_space<hbm>> -> memref<625x16xf32, #tpu.memory_space<hbm>>
      %dma_wait3A_25 = arith.constant 0 : i32
      %dma_wait3A_26 = tpu.memref_slice %arg25[%mul3A_2, %dma_wait3A_25] : memref<10000x16xf32, #tpu.memory_space<vmem_shared>> -> memref<625x16xf32, #tpu.memory_space<vmem_shared>>
      tpu.wait_dma2 semaphore(%run_scoped3A : memref<!tpu.dma_semaphore, #tpu.memory_space<semaphore_mem>>) src(%dma_wait3A_26 : memref<625x16xf32, #tpu.memory_space<vmem_shared>>) dst(%dma_wait3A_24 : memref<625x16xf32, #tpu.memory_space<hbm>>)
      tpu.yield
    }) : () -> ()
    return
  }
}

#map = affine_map<(d0, d1) -> (0, 0)>
#map1 = affine_map<(d0, d1) -> (0, 0, 0, 0)>
#map2 = affine_map<(d0, d1) -> (0, 0, 0)>
module attributes {stable_mosaic.version = 14 : i64} {
  func.func @sc_agg(%arg0: i32, %arg1: i32, %arg2: memref<10000x128xbf16, #tpu.memory_space<hbm>>, %arg3: memref<32x5x16x125xi32, #tpu.memory_space<hbm>>, %arg4: memref<32x5x16x125xi32, #tpu.memory_space<hbm>>, %arg5: memref<625x128xbf16, #tpu.memory_space<hbm>>, %arg6: memref<2x10000x128xbf16, #tpu.memory_space<hbm>>, %arg7: memref<16x125xi32, #tpu.memory_space<vmem>>, %arg8: memref<16x125xi32, #tpu.memory_space<vmem>>, %arg9: memref<125x128xbf16, #tpu.memory_space<vmem>>, %arg10: memref<125x128xbf16, #tpu.memory_space<vmem>>, %arg11: memref<125x128xbf16, #tpu.memory_space<vmem>>, %arg12: memref<125x128xbf16, #tpu.memory_space<vmem>>, %arg13: memref<!tpu.dma_semaphore, #tpu.memory_space<semaphore_mem>>, %arg14: memref<!tpu.dma_semaphore, #tpu.memory_space<semaphore_mem>>, %arg15: memref<!tpu.dma_semaphore, #tpu.memory_space<semaphore_mem>>, %arg16: memref<!tpu.dma_semaphore, #tpu.memory_space<semaphore_mem>>, %arg17: memref<!tpu.dma_semaphore, #tpu.memory_space<semaphore_mem>>, %arg18: memref<!tpu.dma_semaphore, #tpu.memory_space<semaphore_mem>>, %arg19: memref<!tpu.dma_semaphore, #tpu.memory_space<semaphore_mem>>, %arg20: memref<!tpu.dma_semaphore, #tpu.memory_space<semaphore_mem>>, %arg21: memref<10000x128xbf16, #tpu.memory_space<vmem_shared>>) attributes {dimension_semantics = [#tpu.dimension_semantics<core_parallel>, #tpu.dimension_semantics<subcore_parallel>], iteration_bounds = array<i64: 2, 16>, scalar_prefetch = 0 : i64, scratch_operands = 15 : i64, tpu.core_type = #tpu.core_type<sc_vector_subcore>, window_params = [{transform_indices = #map}, {transform_indices = #map1}, {transform_indices = #map1}, {transform_indices = #map}, {transform_indices = #map2}]} {
    %mul3A = arith.constant 2 : i32
    %mul3A_0 = arith.muli %arg1, %mul3A : i32
    %add3A = arith.addi %mul3A_0, %arg0 : i32
    %mul3A_1 = arith.constant 625 : i32
    %mul3A_2 = arith.muli %arg1, %mul3A_1 : i32
    "tpu.region"() ({
      %run_scoped3A = tpu.sem_alloc : memref<!tpu.dma_semaphore, #tpu.memory_space<semaphore_mem>>
      %dma_start3A = arith.constant 0 : i32
      %dma_start3A_8 = tpu.memref_slice %arg21[%mul3A_2, %dma_start3A] : memref<10000x128xbf16, #tpu.memory_space<vmem_shared>> -> memref<625x128xbf16, #tpu.memory_space<vmem_shared>>
      tpu.enqueue_dma source(%arg5 : memref<625x128xbf16, #tpu.memory_space<hbm>>) target(%dma_start3A_8 : memref<625x128xbf16, #tpu.memory_space<vmem_shared>>) target_semaphore(%run_scoped3A : memref<!tpu.dma_semaphore, #tpu.memory_space<semaphore_mem>>)
      %dma_wait3A = arith.constant 0 : i32
      %dma_wait3A_9 = tpu.memref_slice %arg21[%mul3A_2, %dma_wait3A] : memref<10000x128xbf16, #tpu.memory_space<vmem_shared>> -> memref<625x128xbf16, #tpu.memory_space<vmem_shared>>
      tpu.wait_dma2 semaphore(%run_scoped3A : memref<!tpu.dma_semaphore, #tpu.memory_space<semaphore_mem>>) src(%arg5 : memref<625x128xbf16, #tpu.memory_space<hbm>>) dst(%dma_wait3A_9 : memref<625x128xbf16, #tpu.memory_space<vmem_shared>>)
      tpu.yield
    }) : () -> ()
    %barrier3A = arith.constant 0 : index
    tpu.barrier barrier_id(%barrier3A)
    %scan3A = arith.constant 0 : i32
    %scan3A_3 = arith.constant 5 : i32
    %scan3A_4 = arith.addi %scan3A, %scan3A_3 : i32
    %scan3A_5 = arith.constant 1 : i32
    scf.for %scan3A_8 = %scan3A to %scan3A_4 step %scan3A_5  : i32 {
      %mul3A_9 = arith.constant 1 : i32
      %mul3A_10 = arith.muli %scan3A_8, %mul3A_9 : i32
      %add3A_11 = arith.constant 0 : i32
      %add3A_12 = arith.addi %add3A_11, %mul3A_10 : i32
      "tpu.region"() ({
        %run_scoped3A = tpu.sem_alloc : memref<!tpu.dma_semaphore, #tpu.memory_space<semaphore_mem>>
        %dma_start3A_44 = arith.constant 0 : i32
        %dma_start3A_45 = arith.constant 0 : i32
        %dma_start3A_46 = arith.constant 0 : i32
        %dma_start3A_47 = tpu.memref_slice %arg3[%add3A, %dma_start3A_44, %dma_start3A_45, %dma_start3A_46] : memref<32x5x16x125xi32, #tpu.memory_space<hbm>> -> memref<1x5x16x125xi32, #tpu.memory_space<hbm>>
        %dma_start3A_48 = tpu.memref_squeeze %dma_start3A_47 : memref<1x5x16x125xi32, #tpu.memory_space<hbm>> -> memref<5x16x125xi32, #tpu.memory_space<hbm>>
        %dma_start3A_49 = arith.constant 0 : i32
        %dma_start3A_50 = arith.constant 0 : i32
        %dma_start3A_51 = tpu.memref_slice %dma_start3A_48[%add3A_12, %dma_start3A_49, %dma_start3A_50] : memref<5x16x125xi32, #tpu.memory_space<hbm>> -> memref<1x16x125xi32, #tpu.memory_space<hbm>>
        %dma_start3A_52 = tpu.memref_squeeze %dma_start3A_51 : memref<1x16x125xi32, #tpu.memory_space<hbm>> -> memref<16x125xi32, #tpu.memory_space<hbm>>
        %dma_start3A_53 = arith.constant 0 : i32
        %dma_start3A_54 = arith.constant 0 : i32
        %dma_start3A_55 = arith.constant 0 : i32
        %dma_start3A_56 = tpu.memref_slice %arg3[%add3A, %dma_start3A_53, %dma_start3A_54, %dma_start3A_55] : memref<32x5x16x125xi32, #tpu.memory_space<hbm>> -> memref<1x5x16x125xi32, #tpu.memory_space<hbm>>
        %dma_start3A_57 = tpu.memref_squeeze %dma_start3A_56 : memref<1x5x16x125xi32, #tpu.memory_space<hbm>> -> memref<5x16x125xi32, #tpu.memory_space<hbm>>
        %dma_start3A_58 = arith.constant 0 : i32
        %dma_start3A_59 = arith.constant 0 : i32
        %dma_start3A_60 = tpu.memref_slice %dma_start3A_57[%add3A_12, %dma_start3A_58, %dma_start3A_59] : memref<5x16x125xi32, #tpu.memory_space<hbm>> -> memref<1x16x125xi32, #tpu.memory_space<hbm>>
        %dma_start3A_61 = tpu.memref_squeeze %dma_start3A_60 : memref<1x16x125xi32, #tpu.memory_space<hbm>> -> memref<16x125xi32, #tpu.memory_space<hbm>>
        tpu.enqueue_dma source(%dma_start3A_61 : memref<16x125xi32, #tpu.memory_space<hbm>>) target(%arg7 : memref<16x125xi32, #tpu.memory_space<vmem>>) target_semaphore(%run_scoped3A : memref<!tpu.dma_semaphore, #tpu.memory_space<semaphore_mem>>)
        %dma_wait3A_62 = arith.constant 0 : i32
        %dma_wait3A_63 = arith.constant 0 : i32
        %dma_wait3A_64 = arith.constant 0 : i32
        %dma_wait3A_65 = tpu.memref_slice %arg3[%add3A, %dma_wait3A_62, %dma_wait3A_63, %dma_wait3A_64] : memref<32x5x16x125xi32, #tpu.memory_space<hbm>> -> memref<1x5x16x125xi32, #tpu.memory_space<hbm>>
        %dma_wait3A_66 = tpu.memref_squeeze %dma_wait3A_65 : memref<1x5x16x125xi32, #tpu.memory_space<hbm>> -> memref<5x16x125xi32, #tpu.memory_space<hbm>>
        %dma_wait3A_67 = arith.constant 0 : i32
        %dma_wait3A_68 = arith.constant 0 : i32
        %dma_wait3A_69 = tpu.memref_slice %dma_wait3A_66[%add3A_12, %dma_wait3A_67, %dma_wait3A_68] : memref<5x16x125xi32, #tpu.memory_space<hbm>> -> memref<1x16x125xi32, #tpu.memory_space<hbm>>
        %dma_wait3A_70 = tpu.memref_squeeze %dma_wait3A_69 : memref<1x16x125xi32, #tpu.memory_space<hbm>> -> memref<16x125xi32, #tpu.memory_space<hbm>>
        %dma_wait3A_71 = arith.constant 0 : i32
        %dma_wait3A_72 = arith.constant 0 : i32
        %dma_wait3A_73 = arith.constant 0 : i32
        %dma_wait3A_74 = tpu.memref_slice %arg3[%add3A, %dma_wait3A_71, %dma_wait3A_72, %dma_wait3A_73] : memref<32x5x16x125xi32, #tpu.memory_space<hbm>> -> memref<1x5x16x125xi32, #tpu.memory_space<hbm>>
        %dma_wait3A_75 = tpu.memref_squeeze %dma_wait3A_74 : memref<1x5x16x125xi32, #tpu.memory_space<hbm>> -> memref<5x16x125xi32, #tpu.memory_space<hbm>>
        %dma_wait3A_76 = arith.constant 0 : i32
        %dma_wait3A_77 = arith.constant 0 : i32
        %dma_wait3A_78 = tpu.memref_slice %dma_wait3A_75[%add3A_12, %dma_wait3A_76, %dma_wait3A_77] : memref<5x16x125xi32, #tpu.memory_space<hbm>> -> memref<1x16x125xi32, #tpu.memory_space<hbm>>
        %dma_wait3A_79 = tpu.memref_squeeze %dma_wait3A_78 : memref<1x16x125xi32, #tpu.memory_space<hbm>> -> memref<16x125xi32, #tpu.memory_space<hbm>>
        tpu.wait_dma2 semaphore(%run_scoped3A : memref<!tpu.dma_semaphore, #tpu.memory_space<semaphore_mem>>) src(%dma_wait3A_79 : memref<16x125xi32, #tpu.memory_space<hbm>>) dst(%arg7 : memref<16x125xi32, #tpu.memory_space<vmem>>)
        tpu.yield
      }) : () -> ()
      "tpu.region"() ({
        %run_scoped3A = tpu.sem_alloc : memref<!tpu.dma_semaphore, #tpu.memory_space<semaphore_mem>>
        %dma_start3A_44 = arith.constant 0 : i32
        %dma_start3A_45 = arith.constant 0 : i32
        %dma_start3A_46 = arith.constant 0 : i32
        %dma_start3A_47 = tpu.memref_slice %arg4[%add3A, %dma_start3A_44, %dma_start3A_45, %dma_start3A_46] : memref<32x5x16x125xi32, #tpu.memory_space<hbm>> -> memref<1x5x16x125xi32, #tpu.memory_space<hbm>>
        %dma_start3A_48 = tpu.memref_squeeze %dma_start3A_47 : memref<1x5x16x125xi32, #tpu.memory_space<hbm>> -> memref<5x16x125xi32, #tpu.memory_space<hbm>>
        %dma_start3A_49 = arith.constant 0 : i32
        %dma_start3A_50 = arith.constant 0 : i32
        %dma_start3A_51 = tpu.memref_slice %dma_start3A_48[%add3A_12, %dma_start3A_49, %dma_start3A_50] : memref<5x16x125xi32, #tpu.memory_space<hbm>> -> memref<1x16x125xi32, #tpu.memory_space<hbm>>
        %dma_start3A_52 = tpu.memref_squeeze %dma_start3A_51 : memref<1x16x125xi32, #tpu.memory_space<hbm>> -> memref<16x125xi32, #tpu.memory_space<hbm>>
        %dma_start3A_53 = arith.constant 0 : i32
        %dma_start3A_54 = arith.constant 0 : i32
        %dma_start3A_55 = arith.constant 0 : i32
        %dma_start3A_56 = tpu.memref_slice %arg4[%add3A, %dma_start3A_53, %dma_start3A_54, %dma_start3A_55] : memref<32x5x16x125xi32, #tpu.memory_space<hbm>> -> memref<1x5x16x125xi32, #tpu.memory_space<hbm>>
        %dma_start3A_57 = tpu.memref_squeeze %dma_start3A_56 : memref<1x5x16x125xi32, #tpu.memory_space<hbm>> -> memref<5x16x125xi32, #tpu.memory_space<hbm>>
        %dma_start3A_58 = arith.constant 0 : i32
        %dma_start3A_59 = arith.constant 0 : i32
        %dma_start3A_60 = tpu.memref_slice %dma_start3A_57[%add3A_12, %dma_start3A_58, %dma_start3A_59] : memref<5x16x125xi32, #tpu.memory_space<hbm>> -> memref<1x16x125xi32, #tpu.memory_space<hbm>>
        %dma_start3A_61 = tpu.memref_squeeze %dma_start3A_60 : memref<1x16x125xi32, #tpu.memory_space<hbm>> -> memref<16x125xi32, #tpu.memory_space<hbm>>
        tpu.enqueue_dma source(%dma_start3A_61 : memref<16x125xi32, #tpu.memory_space<hbm>>) target(%arg8 : memref<16x125xi32, #tpu.memory_space<vmem>>) target_semaphore(%run_scoped3A : memref<!tpu.dma_semaphore, #tpu.memory_space<semaphore_mem>>)
        %dma_wait3A_62 = arith.constant 0 : i32
        %dma_wait3A_63 = arith.constant 0 : i32
        %dma_wait3A_64 = arith.constant 0 : i32
        %dma_wait3A_65 = tpu.memref_slice %arg4[%add3A, %dma_wait3A_62, %dma_wait3A_63, %dma_wait3A_64] : memref<32x5x16x125xi32, #tpu.memory_space<hbm>> -> memref<1x5x16x125xi32, #tpu.memory_space<hbm>>
        %dma_wait3A_66 = tpu.memref_squeeze %dma_wait3A_65 : memref<1x5x16x125xi32, #tpu.memory_space<hbm>> -> memref<5x16x125xi32, #tpu.memory_space<hbm>>
        %dma_wait3A_67 = arith.constant 0 : i32
        %dma_wait3A_68 = arith.constant 0 : i32
        %dma_wait3A_69 = tpu.memref_slice %dma_wait3A_66[%add3A_12, %dma_wait3A_67, %dma_wait3A_68] : memref<5x16x125xi32, #tpu.memory_space<hbm>> -> memref<1x16x125xi32, #tpu.memory_space<hbm>>
        %dma_wait3A_70 = tpu.memref_squeeze %dma_wait3A_69 : memref<1x16x125xi32, #tpu.memory_space<hbm>> -> memref<16x125xi32, #tpu.memory_space<hbm>>
        %dma_wait3A_71 = arith.constant 0 : i32
        %dma_wait3A_72 = arith.constant 0 : i32
        %dma_wait3A_73 = arith.constant 0 : i32
        %dma_wait3A_74 = tpu.memref_slice %arg4[%add3A, %dma_wait3A_71, %dma_wait3A_72, %dma_wait3A_73] : memref<32x5x16x125xi32, #tpu.memory_space<hbm>> -> memref<1x5x16x125xi32, #tpu.memory_space<hbm>>
        %dma_wait3A_75 = tpu.memref_squeeze %dma_wait3A_74 : memref<1x5x16x125xi32, #tpu.memory_space<hbm>> -> memref<5x16x125xi32, #tpu.memory_space<hbm>>
        %dma_wait3A_76 = arith.constant 0 : i32
        %dma_wait3A_77 = arith.constant 0 : i32
        %dma_wait3A_78 = tpu.memref_slice %dma_wait3A_75[%add3A_12, %dma_wait3A_76, %dma_wait3A_77] : memref<5x16x125xi32, #tpu.memory_space<hbm>> -> memref<1x16x125xi32, #tpu.memory_space<hbm>>
        %dma_wait3A_79 = tpu.memref_squeeze %dma_wait3A_78 : memref<1x16x125xi32, #tpu.memory_space<hbm>> -> memref<16x125xi32, #tpu.memory_space<hbm>>
        tpu.wait_dma2 semaphore(%run_scoped3A : memref<!tpu.dma_semaphore, #tpu.memory_space<semaphore_mem>>) src(%dma_wait3A_79 : memref<16x125xi32, #tpu.memory_space<hbm>>) dst(%arg8 : memref<16x125xi32, #tpu.memory_space<vmem>>)
        tpu.yield
      }) : () -> ()
      %dma_start3A = arith.constant 0 : i32
      %dma_start3A_13 = arith.constant 0 : i32
      %dma_start3A_14 = tpu.memref_slice %arg7[%dma_start3A, %dma_start3A_13] : memref<16x125xi32, #tpu.memory_space<vmem>> -> memref<1x125xi32, #tpu.memory_space<vmem>>
      %dma_start3A_15 = tpu.memref_squeeze %dma_start3A_14 : memref<1x125xi32, #tpu.memory_space<vmem>> -> memref<125xi32, #tpu.memory_space<vmem>>
      %dma_start3A_16 = arith.constant 0 : i32
      %dma_start3A_17 = arith.constant 0 : i32
      %dma_start3A_18 = tpu.memref_slice %arg2[%dma_start3A_16, %dma_start3A_17] : memref<10000x128xbf16, #tpu.memory_space<hbm>> -> memref<10000x128xbf16, #tpu.memory_space<hbm>>
      tpu.enqueue_indirect_dma source(%dma_start3A_18 : memref<10000x128xbf16, #tpu.memory_space<hbm>>) target(%arg9 : memref<125x128xbf16, #tpu.memory_space<vmem>>) offsets(%dma_start3A_15 : memref<125xi32, #tpu.memory_space<vmem>>) semaphore(%arg13 : memref<!tpu.dma_semaphore, #tpu.memory_space<semaphore_mem>>)
      %dma_start3A_19 = arith.constant 1 : i32
      %dma_start3A_20 = arith.constant 0 : i32
      %dma_start3A_21 = tpu.memref_slice %arg7[%dma_start3A_19, %dma_start3A_20] : memref<16x125xi32, #tpu.memory_space<vmem>> -> memref<1x125xi32, #tpu.memory_space<vmem>>
      %dma_start3A_22 = tpu.memref_squeeze %dma_start3A_21 : memref<1x125xi32, #tpu.memory_space<vmem>> -> memref<125xi32, #tpu.memory_space<vmem>>
      %dma_start3A_23 = arith.constant 0 : i32
      %dma_start3A_24 = arith.constant 0 : i32
      %dma_start3A_25 = tpu.memref_slice %arg2[%dma_start3A_23, %dma_start3A_24] : memref<10000x128xbf16, #tpu.memory_space<hbm>> -> memref<10000x128xbf16, #tpu.memory_space<hbm>>
      tpu.enqueue_indirect_dma source(%dma_start3A_25 : memref<10000x128xbf16, #tpu.memory_space<hbm>>) target(%arg10 : memref<125x128xbf16, #tpu.memory_space<vmem>>) offsets(%dma_start3A_22 : memref<125xi32, #tpu.memory_space<vmem>>) semaphore(%arg14 : memref<!tpu.dma_semaphore, #tpu.memory_space<semaphore_mem>>)
      %dma_start3A_26 = arith.constant 2 : i32
      %dma_start3A_27 = arith.constant 0 : i32
      %dma_start3A_28 = tpu.memref_slice %arg7[%dma_start3A_26, %dma_start3A_27] : memref<16x125xi32, #tpu.memory_space<vmem>> -> memref<1x125xi32, #tpu.memory_space<vmem>>
      %dma_start3A_29 = tpu.memref_squeeze %dma_start3A_28 : memref<1x125xi32, #tpu.memory_space<vmem>> -> memref<125xi32, #tpu.memory_space<vmem>>
      %dma_start3A_30 = arith.constant 0 : i32
      %dma_start3A_31 = arith.constant 0 : i32
      %dma_start3A_32 = tpu.memref_slice %arg2[%dma_start3A_30, %dma_start3A_31] : memref<10000x128xbf16, #tpu.memory_space<hbm>> -> memref<10000x128xbf16, #tpu.memory_space<hbm>>
      tpu.enqueue_indirect_dma source(%dma_start3A_32 : memref<10000x128xbf16, #tpu.memory_space<hbm>>) target(%arg11 : memref<125x128xbf16, #tpu.memory_space<vmem>>) offsets(%dma_start3A_29 : memref<125xi32, #tpu.memory_space<vmem>>) semaphore(%arg15 : memref<!tpu.dma_semaphore, #tpu.memory_space<semaphore_mem>>)
      %scan3A_33 = arith.constant 0 : i32
      %scan3A_34 = arith.constant 4 : i32
      %scan3A_35 = arith.addi %scan3A_33, %scan3A_34 : i32
      %scan3A_36 = arith.constant 1 : i32
      scf.for %scan3A_44 = %scan3A_33 to %scan3A_35 step %scan3A_36  : i32 {
        %mul3A_45 = arith.constant 4 : i32
        %mul3A_46 = arith.muli %scan3A_44, %mul3A_45 : i32
        %add3A_47 = arith.constant 0 : i32
        %add3A_48 = arith.addi %add3A_47, %mul3A_46 : i32
        %add3A_49 = arith.constant 0 : i32
        %add3A_50 = arith.addi %add3A_48, %add3A_49 : i32
        %dma_wait3A_51 = arith.constant 0 : i32
        %dma_wait3A_52 = tpu.memref_slice %arg7[%add3A_50, %dma_wait3A_51] : memref<16x125xi32, #tpu.memory_space<vmem>> -> memref<1x125xi32, #tpu.memory_space<vmem>>
        %dma_wait3A_53 = tpu.memref_squeeze %dma_wait3A_52 : memref<1x125xi32, #tpu.memory_space<vmem>> -> memref<125xi32, #tpu.memory_space<vmem>>
        %dma_wait3A_54 = arith.constant 0 : i32
        %dma_wait3A_55 = arith.constant 0 : i32
        %dma_wait3A_56 = tpu.memref_slice %arg2[%dma_wait3A_54, %dma_wait3A_55] : memref<10000x128xbf16, #tpu.memory_space<hbm>> -> memref<10000x128xbf16, #tpu.memory_space<hbm>>
        tpu.wait_indirect_dma semaphore(%arg13 : memref<!tpu.dma_semaphore, #tpu.memory_space<semaphore_mem>>) src(%dma_wait3A_56 : memref<10000x128xbf16, #tpu.memory_space<hbm>>) dst(%arg9 : memref<125x128xbf16, #tpu.memory_space<vmem>>)
        %dma_start3A_57 = arith.constant 0 : i32
        %dma_start3A_58 = tpu.memref_slice %arg8[%add3A_50, %dma_start3A_57] : memref<16x125xi32, #tpu.memory_space<vmem>> -> memref<1x125xi32, #tpu.memory_space<vmem>>
        %dma_start3A_59 = tpu.memref_squeeze %dma_start3A_58 : memref<1x125xi32, #tpu.memory_space<vmem>> -> memref<125xi32, #tpu.memory_space<vmem>>
        %dma_start3A_60 = arith.constant 0 : i32
        %dma_start3A_61 = arith.constant 0 : i32
        %dma_start3A_62 = tpu.memref_slice %arg21[%dma_start3A_60, %dma_start3A_61] : memref<10000x128xbf16, #tpu.memory_space<vmem_shared>> -> memref<10000x128xbf16, #tpu.memory_space<vmem_shared>>
        tpu.enqueue_indirect_dma source(%arg9 : memref<125x128xbf16, #tpu.memory_space<vmem>>) target(%dma_start3A_62 : memref<10000x128xbf16, #tpu.memory_space<vmem_shared>>) offsets(%dma_start3A_59 : memref<125xi32, #tpu.memory_space<vmem>>) semaphore(%arg17 : memref<!tpu.dma_semaphore, #tpu.memory_space<semaphore_mem>>) {add = true}
        %ge3A = arith.constant 1 : i32
        %ge3A_63 = arith.cmpi sge, %add3A_50, %ge3A : i32
        %convert_element_type3A = arith.extui %ge3A_63 : i1 to i32
        %cond3A = arith.constant 0 : i32
        %cond3A_64 = arith.cmpi ne, %convert_element_type3A, %cond3A : i32
        scf.if %cond3A_64 {
          %dma_wait3A_149 = arith.constant 0 : i32
          %dma_wait3A_150 = arith.constant 0 : i32
          %dma_wait3A_151 = tpu.memref_slice %arg8[%dma_wait3A_149, %dma_wait3A_150] : memref<16x125xi32, #tpu.memory_space<vmem>> -> memref<1x125xi32, #tpu.memory_space<vmem>>
          %dma_wait3A_152 = tpu.memref_squeeze %dma_wait3A_151 : memref<1x125xi32, #tpu.memory_space<vmem>> -> memref<125xi32, #tpu.memory_space<vmem>>
          %dma_wait3A_153 = arith.constant 0 : i32
          %dma_wait3A_154 = arith.constant 0 : i32
          %dma_wait3A_155 = tpu.memref_slice %arg21[%dma_wait3A_153, %dma_wait3A_154] : memref<10000x128xbf16, #tpu.memory_space<vmem_shared>> -> memref<10000x128xbf16, #tpu.memory_space<vmem_shared>>
          tpu.wait_indirect_dma semaphore(%arg20 : memref<!tpu.dma_semaphore, #tpu.memory_space<semaphore_mem>>) src(%arg12 : memref<125x128xbf16, #tpu.memory_space<vmem>>) dst(%dma_wait3A_155 : memref<10000x128xbf16, #tpu.memory_space<vmem_shared>>)
        } else {
        }
        %add3A_65 = arith.constant 3 : i32
        %add3A_66 = arith.addi %add3A_50, %add3A_65 : i32
        %lt3A = arith.constant 16 : i32
        %lt3A_67 = arith.cmpi slt, %add3A_66, %lt3A : i32
        %convert_element_type3A_68 = arith.extui %lt3A_67 : i1 to i32
        %cond3A_69 = arith.constant 0 : i32
        %cond3A_70 = arith.cmpi ne, %convert_element_type3A_68, %cond3A_69 : i32
        scf.if %cond3A_70 {
          %add3A_149 = arith.constant 3 : i32
          %add3A_150 = arith.addi %add3A_50, %add3A_149 : i32
          %dma_start3A_151 = arith.constant 0 : i32
          %dma_start3A_152 = tpu.memref_slice %arg7[%add3A_150, %dma_start3A_151] : memref<16x125xi32, #tpu.memory_space<vmem>> -> memref<1x125xi32, #tpu.memory_space<vmem>>
          %dma_start3A_153 = tpu.memref_squeeze %dma_start3A_152 : memref<1x125xi32, #tpu.memory_space<vmem>> -> memref<125xi32, #tpu.memory_space<vmem>>
          %dma_start3A_154 = arith.constant 0 : i32
          %dma_start3A_155 = arith.constant 0 : i32
          %dma_start3A_156 = tpu.memref_slice %arg2[%dma_start3A_154, %dma_start3A_155] : memref<10000x128xbf16, #tpu.memory_space<hbm>> -> memref<10000x128xbf16, #tpu.memory_space<hbm>>
          tpu.enqueue_indirect_dma source(%dma_start3A_156 : memref<10000x128xbf16, #tpu.memory_space<hbm>>) target(%arg12 : memref<125x128xbf16, #tpu.memory_space<vmem>>) offsets(%dma_start3A_153 : memref<125xi32, #tpu.memory_space<vmem>>) semaphore(%arg16 : memref<!tpu.dma_semaphore, #tpu.memory_space<semaphore_mem>>)
        } else {
        }
        %add3A_71 = arith.constant 1 : i32
        %add3A_72 = arith.addi %add3A_48, %add3A_71 : i32
        %dma_wait3A_73 = arith.constant 0 : i32
        %dma_wait3A_74 = tpu.memref_slice %arg7[%add3A_72, %dma_wait3A_73] : memref<16x125xi32, #tpu.memory_space<vmem>> -> memref<1x125xi32, #tpu.memory_space<vmem>>
        %dma_wait3A_75 = tpu.memref_squeeze %dma_wait3A_74 : memref<1x125xi32, #tpu.memory_space<vmem>> -> memref<125xi32, #tpu.memory_space<vmem>>
        %dma_wait3A_76 = arith.constant 0 : i32
        %dma_wait3A_77 = arith.constant 0 : i32
        %dma_wait3A_78 = tpu.memref_slice %arg2[%dma_wait3A_76, %dma_wait3A_77] : memref<10000x128xbf16, #tpu.memory_space<hbm>> -> memref<10000x128xbf16, #tpu.memory_space<hbm>>
        tpu.wait_indirect_dma semaphore(%arg14 : memref<!tpu.dma_semaphore, #tpu.memory_space<semaphore_mem>>) src(%dma_wait3A_78 : memref<10000x128xbf16, #tpu.memory_space<hbm>>) dst(%arg10 : memref<125x128xbf16, #tpu.memory_space<vmem>>)
        %dma_start3A_79 = arith.constant 0 : i32
        %dma_start3A_80 = tpu.memref_slice %arg8[%add3A_72, %dma_start3A_79] : memref<16x125xi32, #tpu.memory_space<vmem>> -> memref<1x125xi32, #tpu.memory_space<vmem>>
        %dma_start3A_81 = tpu.memref_squeeze %dma_start3A_80 : memref<1x125xi32, #tpu.memory_space<vmem>> -> memref<125xi32, #tpu.memory_space<vmem>>
        %dma_start3A_82 = arith.constant 0 : i32
        %dma_start3A_83 = arith.constant 0 : i32
        %dma_start3A_84 = tpu.memref_slice %arg21[%dma_start3A_82, %dma_start3A_83] : memref<10000x128xbf16, #tpu.memory_space<vmem_shared>> -> memref<10000x128xbf16, #tpu.memory_space<vmem_shared>>
        tpu.enqueue_indirect_dma source(%arg10 : memref<125x128xbf16, #tpu.memory_space<vmem>>) target(%dma_start3A_84 : memref<10000x128xbf16, #tpu.memory_space<vmem_shared>>) offsets(%dma_start3A_81 : memref<125xi32, #tpu.memory_space<vmem>>) semaphore(%arg18 : memref<!tpu.dma_semaphore, #tpu.memory_space<semaphore_mem>>) {add = true}
        %ge3A_85 = arith.constant 1 : i32
        %ge3A_86 = arith.cmpi sge, %add3A_72, %ge3A_85 : i32
        %convert_element_type3A_87 = arith.extui %ge3A_86 : i1 to i32
        %cond3A_88 = arith.constant 0 : i32
        %cond3A_89 = arith.cmpi ne, %convert_element_type3A_87, %cond3A_88 : i32
        scf.if %cond3A_89 {
          %dma_wait3A_149 = arith.constant 0 : i32
          %dma_wait3A_150 = arith.constant 0 : i32
          %dma_wait3A_151 = tpu.memref_slice %arg8[%dma_wait3A_149, %dma_wait3A_150] : memref<16x125xi32, #tpu.memory_space<vmem>> -> memref<1x125xi32, #tpu.memory_space<vmem>>
          %dma_wait3A_152 = tpu.memref_squeeze %dma_wait3A_151 : memref<1x125xi32, #tpu.memory_space<vmem>> -> memref<125xi32, #tpu.memory_space<vmem>>
          %dma_wait3A_153 = arith.constant 0 : i32
          %dma_wait3A_154 = arith.constant 0 : i32
          %dma_wait3A_155 = tpu.memref_slice %arg21[%dma_wait3A_153, %dma_wait3A_154] : memref<10000x128xbf16, #tpu.memory_space<vmem_shared>> -> memref<10000x128xbf16, #tpu.memory_space<vmem_shared>>
          tpu.wait_indirect_dma semaphore(%arg17 : memref<!tpu.dma_semaphore, #tpu.memory_space<semaphore_mem>>) src(%arg9 : memref<125x128xbf16, #tpu.memory_space<vmem>>) dst(%dma_wait3A_155 : memref<10000x128xbf16, #tpu.memory_space<vmem_shared>>)
        } else {
        }
        %add3A_90 = arith.constant 3 : i32
        %add3A_91 = arith.addi %add3A_72, %add3A_90 : i32
        %lt3A_92 = arith.constant 16 : i32
        %lt3A_93 = arith.cmpi slt, %add3A_91, %lt3A_92 : i32
        %convert_element_type3A_94 = arith.extui %lt3A_93 : i1 to i32
        %cond3A_95 = arith.constant 0 : i32
        %cond3A_96 = arith.cmpi ne, %convert_element_type3A_94, %cond3A_95 : i32
        scf.if %cond3A_96 {
          %add3A_149 = arith.constant 3 : i32
          %add3A_150 = arith.addi %add3A_72, %add3A_149 : i32
          %dma_start3A_151 = arith.constant 0 : i32
          %dma_start3A_152 = tpu.memref_slice %arg7[%add3A_150, %dma_start3A_151] : memref<16x125xi32, #tpu.memory_space<vmem>> -> memref<1x125xi32, #tpu.memory_space<vmem>>
          %dma_start3A_153 = tpu.memref_squeeze %dma_start3A_152 : memref<1x125xi32, #tpu.memory_space<vmem>> -> memref<125xi32, #tpu.memory_space<vmem>>
          %dma_start3A_154 = arith.constant 0 : i32
          %dma_start3A_155 = arith.constant 0 : i32
          %dma_start3A_156 = tpu.memref_slice %arg2[%dma_start3A_154, %dma_start3A_155] : memref<10000x128xbf16, #tpu.memory_space<hbm>> -> memref<10000x128xbf16, #tpu.memory_space<hbm>>
          tpu.enqueue_indirect_dma source(%dma_start3A_156 : memref<10000x128xbf16, #tpu.memory_space<hbm>>) target(%arg9 : memref<125x128xbf16, #tpu.memory_space<vmem>>) offsets(%dma_start3A_153 : memref<125xi32, #tpu.memory_space<vmem>>) semaphore(%arg13 : memref<!tpu.dma_semaphore, #tpu.memory_space<semaphore_mem>>)
        } else {
        }
        %add3A_97 = arith.constant 2 : i32
        %add3A_98 = arith.addi %add3A_48, %add3A_97 : i32
        %dma_wait3A_99 = arith.constant 0 : i32
        %dma_wait3A_100 = tpu.memref_slice %arg7[%add3A_98, %dma_wait3A_99] : memref<16x125xi32, #tpu.memory_space<vmem>> -> memref<1x125xi32, #tpu.memory_space<vmem>>
        %dma_wait3A_101 = tpu.memref_squeeze %dma_wait3A_100 : memref<1x125xi32, #tpu.memory_space<vmem>> -> memref<125xi32, #tpu.memory_space<vmem>>
        %dma_wait3A_102 = arith.constant 0 : i32
        %dma_wait3A_103 = arith.constant 0 : i32
        %dma_wait3A_104 = tpu.memref_slice %arg2[%dma_wait3A_102, %dma_wait3A_103] : memref<10000x128xbf16, #tpu.memory_space<hbm>> -> memref<10000x128xbf16, #tpu.memory_space<hbm>>
        tpu.wait_indirect_dma semaphore(%arg15 : memref<!tpu.dma_semaphore, #tpu.memory_space<semaphore_mem>>) src(%dma_wait3A_104 : memref<10000x128xbf16, #tpu.memory_space<hbm>>) dst(%arg11 : memref<125x128xbf16, #tpu.memory_space<vmem>>)
        %dma_start3A_105 = arith.constant 0 : i32
        %dma_start3A_106 = tpu.memref_slice %arg8[%add3A_98, %dma_start3A_105] : memref<16x125xi32, #tpu.memory_space<vmem>> -> memref<1x125xi32, #tpu.memory_space<vmem>>
        %dma_start3A_107 = tpu.memref_squeeze %dma_start3A_106 : memref<1x125xi32, #tpu.memory_space<vmem>> -> memref<125xi32, #tpu.memory_space<vmem>>
        %dma_start3A_108 = arith.constant 0 : i32
        %dma_start3A_109 = arith.constant 0 : i32
        %dma_start3A_110 = tpu.memref_slice %arg21[%dma_start3A_108, %dma_start3A_109] : memref<10000x128xbf16, #tpu.memory_space<vmem_shared>> -> memref<10000x128xbf16, #tpu.memory_space<vmem_shared>>
        tpu.enqueue_indirect_dma source(%arg11 : memref<125x128xbf16, #tpu.memory_space<vmem>>) target(%dma_start3A_110 : memref<10000x128xbf16, #tpu.memory_space<vmem_shared>>) offsets(%dma_start3A_107 : memref<125xi32, #tpu.memory_space<vmem>>) semaphore(%arg19 : memref<!tpu.dma_semaphore, #tpu.memory_space<semaphore_mem>>) {add = true}
        %ge3A_111 = arith.constant 1 : i32
        %ge3A_112 = arith.cmpi sge, %add3A_98, %ge3A_111 : i32
        %convert_element_type3A_113 = arith.extui %ge3A_112 : i1 to i32
        %cond3A_114 = arith.constant 0 : i32
        %cond3A_115 = arith.cmpi ne, %convert_element_type3A_113, %cond3A_114 : i32
        scf.if %cond3A_115 {
          %dma_wait3A_149 = arith.constant 0 : i32
          %dma_wait3A_150 = arith.constant 0 : i32
          %dma_wait3A_151 = tpu.memref_slice %arg8[%dma_wait3A_149, %dma_wait3A_150] : memref<16x125xi32, #tpu.memory_space<vmem>> -> memref<1x125xi32, #tpu.memory_space<vmem>>
          %dma_wait3A_152 = tpu.memref_squeeze %dma_wait3A_151 : memref<1x125xi32, #tpu.memory_space<vmem>> -> memref<125xi32, #tpu.memory_space<vmem>>
          %dma_wait3A_153 = arith.constant 0 : i32
          %dma_wait3A_154 = arith.constant 0 : i32
          %dma_wait3A_155 = tpu.memref_slice %arg21[%dma_wait3A_153, %dma_wait3A_154] : memref<10000x128xbf16, #tpu.memory_space<vmem_shared>> -> memref<10000x128xbf16, #tpu.memory_space<vmem_shared>>
          tpu.wait_indirect_dma semaphore(%arg18 : memref<!tpu.dma_semaphore, #tpu.memory_space<semaphore_mem>>) src(%arg10 : memref<125x128xbf16, #tpu.memory_space<vmem>>) dst(%dma_wait3A_155 : memref<10000x128xbf16, #tpu.memory_space<vmem_shared>>)
        } else {
        }
        %add3A_116 = arith.constant 3 : i32
        %add3A_117 = arith.addi %add3A_98, %add3A_116 : i32
        %lt3A_118 = arith.constant 16 : i32
        %lt3A_119 = arith.cmpi slt, %add3A_117, %lt3A_118 : i32
        %convert_element_type3A_120 = arith.extui %lt3A_119 : i1 to i32
        %cond3A_121 = arith.constant 0 : i32
        %cond3A_122 = arith.cmpi ne, %convert_element_type3A_120, %cond3A_121 : i32
        scf.if %cond3A_122 {
          %add3A_149 = arith.constant 3 : i32
          %add3A_150 = arith.addi %add3A_98, %add3A_149 : i32
          %dma_start3A_151 = arith.constant 0 : i32
          %dma_start3A_152 = tpu.memref_slice %arg7[%add3A_150, %dma_start3A_151] : memref<16x125xi32, #tpu.memory_space<vmem>> -> memref<1x125xi32, #tpu.memory_space<vmem>>
          %dma_start3A_153 = tpu.memref_squeeze %dma_start3A_152 : memref<1x125xi32, #tpu.memory_space<vmem>> -> memref<125xi32, #tpu.memory_space<vmem>>
          %dma_start3A_154 = arith.constant 0 : i32
          %dma_start3A_155 = arith.constant 0 : i32
          %dma_start3A_156 = tpu.memref_slice %arg2[%dma_start3A_154, %dma_start3A_155] : memref<10000x128xbf16, #tpu.memory_space<hbm>> -> memref<10000x128xbf16, #tpu.memory_space<hbm>>
          tpu.enqueue_indirect_dma source(%dma_start3A_156 : memref<10000x128xbf16, #tpu.memory_space<hbm>>) target(%arg10 : memref<125x128xbf16, #tpu.memory_space<vmem>>) offsets(%dma_start3A_153 : memref<125xi32, #tpu.memory_space<vmem>>) semaphore(%arg14 : memref<!tpu.dma_semaphore, #tpu.memory_space<semaphore_mem>>)
        } else {
        }
        %add3A_123 = arith.constant 3 : i32
        %add3A_124 = arith.addi %add3A_48, %add3A_123 : i32
        %dma_wait3A_125 = arith.constant 0 : i32
        %dma_wait3A_126 = tpu.memref_slice %arg7[%add3A_124, %dma_wait3A_125] : memref<16x125xi32, #tpu.memory_space<vmem>> -> memref<1x125xi32, #tpu.memory_space<vmem>>
        %dma_wait3A_127 = tpu.memref_squeeze %dma_wait3A_126 : memref<1x125xi32, #tpu.memory_space<vmem>> -> memref<125xi32, #tpu.memory_space<vmem>>
        %dma_wait3A_128 = arith.constant 0 : i32
        %dma_wait3A_129 = arith.constant 0 : i32
        %dma_wait3A_130 = tpu.memref_slice %arg2[%dma_wait3A_128, %dma_wait3A_129] : memref<10000x128xbf16, #tpu.memory_space<hbm>> -> memref<10000x128xbf16, #tpu.memory_space<hbm>>
        tpu.wait_indirect_dma semaphore(%arg16 : memref<!tpu.dma_semaphore, #tpu.memory_space<semaphore_mem>>) src(%dma_wait3A_130 : memref<10000x128xbf16, #tpu.memory_space<hbm>>) dst(%arg12 : memref<125x128xbf16, #tpu.memory_space<vmem>>)
        %dma_start3A_131 = arith.constant 0 : i32
        %dma_start3A_132 = tpu.memref_slice %arg8[%add3A_124, %dma_start3A_131] : memref<16x125xi32, #tpu.memory_space<vmem>> -> memref<1x125xi32, #tpu.memory_space<vmem>>
        %dma_start3A_133 = tpu.memref_squeeze %dma_start3A_132 : memref<1x125xi32, #tpu.memory_space<vmem>> -> memref<125xi32, #tpu.memory_space<vmem>>
        %dma_start3A_134 = arith.constant 0 : i32
        %dma_start3A_135 = arith.constant 0 : i32
        %dma_start3A_136 = tpu.memref_slice %arg21[%dma_start3A_134, %dma_start3A_135] : memref<10000x128xbf16, #tpu.memory_space<vmem_shared>> -> memref<10000x128xbf16, #tpu.memory_space<vmem_shared>>
        tpu.enqueue_indirect_dma source(%arg12 : memref<125x128xbf16, #tpu.memory_space<vmem>>) target(%dma_start3A_136 : memref<10000x128xbf16, #tpu.memory_space<vmem_shared>>) offsets(%dma_start3A_133 : memref<125xi32, #tpu.memory_space<vmem>>) semaphore(%arg20 : memref<!tpu.dma_semaphore, #tpu.memory_space<semaphore_mem>>) {add = true}
        %ge3A_137 = arith.constant 1 : i32
        %ge3A_138 = arith.cmpi sge, %add3A_124, %ge3A_137 : i32
        %convert_element_type3A_139 = arith.extui %ge3A_138 : i1 to i32
        %cond3A_140 = arith.constant 0 : i32
        %cond3A_141 = arith.cmpi ne, %convert_element_type3A_139, %cond3A_140 : i32
        scf.if %cond3A_141 {
          %dma_wait3A_149 = arith.constant 0 : i32
          %dma_wait3A_150 = arith.constant 0 : i32
          %dma_wait3A_151 = tpu.memref_slice %arg8[%dma_wait3A_149, %dma_wait3A_150] : memref<16x125xi32, #tpu.memory_space<vmem>> -> memref<1x125xi32, #tpu.memory_space<vmem>>
          %dma_wait3A_152 = tpu.memref_squeeze %dma_wait3A_151 : memref<1x125xi32, #tpu.memory_space<vmem>> -> memref<125xi32, #tpu.memory_space<vmem>>
          %dma_wait3A_153 = arith.constant 0 : i32
          %dma_wait3A_154 = arith.constant 0 : i32
          %dma_wait3A_155 = tpu.memref_slice %arg21[%dma_wait3A_153, %dma_wait3A_154] : memref<10000x128xbf16, #tpu.memory_space<vmem_shared>> -> memref<10000x128xbf16, #tpu.memory_space<vmem_shared>>
          tpu.wait_indirect_dma semaphore(%arg19 : memref<!tpu.dma_semaphore, #tpu.memory_space<semaphore_mem>>) src(%arg11 : memref<125x128xbf16, #tpu.memory_space<vmem>>) dst(%dma_wait3A_155 : memref<10000x128xbf16, #tpu.memory_space<vmem_shared>>)
        } else {
        }
        %add3A_142 = arith.constant 3 : i32
        %add3A_143 = arith.addi %add3A_124, %add3A_142 : i32
        %lt3A_144 = arith.constant 16 : i32
        %lt3A_145 = arith.cmpi slt, %add3A_143, %lt3A_144 : i32
        %convert_element_type3A_146 = arith.extui %lt3A_145 : i1 to i32
        %cond3A_147 = arith.constant 0 : i32
        %cond3A_148 = arith.cmpi ne, %convert_element_type3A_146, %cond3A_147 : i32
        scf.if %cond3A_148 {
          %add3A_149 = arith.constant 3 : i32
          %add3A_150 = arith.addi %add3A_124, %add3A_149 : i32
          %dma_start3A_151 = arith.constant 0 : i32
          %dma_start3A_152 = tpu.memref_slice %arg7[%add3A_150, %dma_start3A_151] : memref<16x125xi32, #tpu.memory_space<vmem>> -> memref<1x125xi32, #tpu.memory_space<vmem>>
          %dma_start3A_153 = tpu.memref_squeeze %dma_start3A_152 : memref<1x125xi32, #tpu.memory_space<vmem>> -> memref<125xi32, #tpu.memory_space<vmem>>
          %dma_start3A_154 = arith.constant 0 : i32
          %dma_start3A_155 = arith.constant 0 : i32
          %dma_start3A_156 = tpu.memref_slice %arg2[%dma_start3A_154, %dma_start3A_155] : memref<10000x128xbf16, #tpu.memory_space<hbm>> -> memref<10000x128xbf16, #tpu.memory_space<hbm>>
          tpu.enqueue_indirect_dma source(%dma_start3A_156 : memref<10000x128xbf16, #tpu.memory_space<hbm>>) target(%arg11 : memref<125x128xbf16, #tpu.memory_space<vmem>>) offsets(%dma_start3A_153 : memref<125xi32, #tpu.memory_space<vmem>>) semaphore(%arg15 : memref<!tpu.dma_semaphore, #tpu.memory_space<semaphore_mem>>)
        } else {
        }
      }
      %scan3A_37 = arith.constant 4 : i32
      %dma_wait3A = arith.constant 0 : i32
      %dma_wait3A_38 = arith.constant 0 : i32
      %dma_wait3A_39 = tpu.memref_slice %arg8[%dma_wait3A, %dma_wait3A_38] : memref<16x125xi32, #tpu.memory_space<vmem>> -> memref<1x125xi32, #tpu.memory_space<vmem>>
      %dma_wait3A_40 = tpu.memref_squeeze %dma_wait3A_39 : memref<1x125xi32, #tpu.memory_space<vmem>> -> memref<125xi32, #tpu.memory_space<vmem>>
      %dma_wait3A_41 = arith.constant 0 : i32
      %dma_wait3A_42 = arith.constant 0 : i32
      %dma_wait3A_43 = tpu.memref_slice %arg21[%dma_wait3A_41, %dma_wait3A_42] : memref<10000x128xbf16, #tpu.memory_space<vmem_shared>> -> memref<10000x128xbf16, #tpu.memory_space<vmem_shared>>
      tpu.wait_indirect_dma semaphore(%arg20 : memref<!tpu.dma_semaphore, #tpu.memory_space<semaphore_mem>>) src(%arg12 : memref<125x128xbf16, #tpu.memory_space<vmem>>) dst(%dma_wait3A_43 : memref<10000x128xbf16, #tpu.memory_space<vmem_shared>>)
    }
    %scan3A_6 = arith.constant 5 : i32
    %barrier3A_7 = arith.constant 0 : index
    tpu.barrier barrier_id(%barrier3A_7)
    "tpu.region"() ({
      %run_scoped3A = tpu.sem_alloc : memref<!tpu.dma_semaphore, #tpu.memory_space<semaphore_mem>>
      %dma_start3A = arith.constant 0 : i32
      %dma_start3A_8 = arith.constant 0 : i32
      %dma_start3A_9 = tpu.memref_slice %arg6[%arg0, %dma_start3A, %dma_start3A_8] : memref<2x10000x128xbf16, #tpu.memory_space<hbm>> -> memref<1x10000x128xbf16, #tpu.memory_space<hbm>>
      %dma_start3A_10 = tpu.memref_squeeze %dma_start3A_9 : memref<1x10000x128xbf16, #tpu.memory_space<hbm>> -> memref<10000x128xbf16, #tpu.memory_space<hbm>>
      %dma_start3A_11 = arith.constant 0 : i32
      %dma_start3A_12 = tpu.memref_slice %dma_start3A_10[%mul3A_2, %dma_start3A_11] : memref<10000x128xbf16, #tpu.memory_space<hbm>> -> memref<625x128xbf16, #tpu.memory_space<hbm>>
      %dma_start3A_13 = arith.constant 0 : i32
      %dma_start3A_14 = tpu.memref_slice %arg21[%mul3A_2, %dma_start3A_13] : memref<10000x128xbf16, #tpu.memory_space<vmem_shared>> -> memref<625x128xbf16, #tpu.memory_space<vmem_shared>>
      tpu.enqueue_dma source(%dma_start3A_14 : memref<625x128xbf16, #tpu.memory_space<vmem_shared>>) target(%dma_start3A_12 : memref<625x128xbf16, #tpu.memory_space<hbm>>) target_semaphore(%run_scoped3A : memref<!tpu.dma_semaphore, #tpu.memory_space<semaphore_mem>>)
      %dma_wait3A = arith.constant 0 : i32
      %dma_wait3A_15 = arith.constant 0 : i32
      %dma_wait3A_16 = tpu.memref_slice %arg6[%arg0, %dma_wait3A, %dma_wait3A_15] : memref<2x10000x128xbf16, #tpu.memory_space<hbm>> -> memref<1x10000x128xbf16, #tpu.memory_space<hbm>>
      %dma_wait3A_17 = tpu.memref_squeeze %dma_wait3A_16 : memref<1x10000x128xbf16, #tpu.memory_space<hbm>> -> memref<10000x128xbf16, #tpu.memory_space<hbm>>
      %dma_wait3A_18 = arith.constant 0 : i32
      %dma_wait3A_19 = tpu.memref_slice %dma_wait3A_17[%mul3A_2, %dma_wait3A_18] : memref<10000x128xbf16, #tpu.memory_space<hbm>> -> memref<625x128xbf16, #tpu.memory_space<hbm>>
      %dma_wait3A_20 = arith.constant 0 : i32
      %dma_wait3A_21 = tpu.memref_slice %arg21[%mul3A_2, %dma_wait3A_20] : memref<10000x128xbf16, #tpu.memory_space<vmem_shared>> -> memref<625x128xbf16, #tpu.memory_space<vmem_shared>>
      tpu.wait_dma2 semaphore(%run_scoped3A : memref<!tpu.dma_semaphore, #tpu.memory_space<semaphore_mem>>) src(%dma_wait3A_21 : memref<625x128xbf16, #tpu.memory_space<vmem_shared>>) dst(%dma_wait3A_19 : memref<625x128xbf16, #tpu.memory_space<hbm>>)
      tpu.yield
    }) : () -> ()
    return
  }
}

module attributes {stable_mosaic.version = 14 : i64} {
  func.func @_tc1_body(%arg0: i32, %arg1: memref<2x1000x128xbf16, #tpu.memory_space<vmem>>, %arg2: memref<2x1000x16xf32, #tpu.memory_space<vmem>>, %arg3: memref<1000x128xf32, #tpu.memory_space<vmem>>, %arg4: memref<128x256xf32, #tpu.memory_space<vmem>>, %arg5: memref<128x256xf32, #tpu.memory_space<vmem>>, %arg6: memref<1x256xf32, #tpu.memory_space<vmem>>, %arg7: memref<256x128xf32, #tpu.memory_space<vmem>>, %arg8: memref<256x128xf32, #tpu.memory_space<vmem>>, %arg9: memref<1x128xf32, #tpu.memory_space<vmem>>, %arg10: memref<1000x128xbf16, #tpu.memory_space<vmem>>, %arg11: memref<1000x128xf32, #tpu.memory_space<vmem>>, %arg12: memref<1000x1xf32, #tpu.memory_space<vmem>>) attributes {dimension_semantics = [#tpu.dimension_semantics<arbitrary>], iteration_bounds = array<i64: 10>, scalar_prefetch = 0 : i64, scratch_operands = 0 : i64, tpu.core_type = #tpu.core_type<tc>, window_params = [{transform_indices = @transform_0, window_bounds = array<i64: 2, 1000, 128>}, {transform_indices = @transform_1, window_bounds = array<i64: 2, 1000, 16>}, {transform_indices = @transform_2, window_bounds = array<i64: 1000, 128>}, {pipeline_mode = #tpu.pipeline_mode<synchronous>, transform_indices = @transform_3, window_bounds = array<i64: 128, 256>}, {pipeline_mode = #tpu.pipeline_mode<synchronous>, transform_indices = @transform_4, window_bounds = array<i64: 128, 256>}, {pipeline_mode = #tpu.pipeline_mode<synchronous>, transform_indices = @transform_5, window_bounds = array<i64: 1, 256>}, {pipeline_mode = #tpu.pipeline_mode<synchronous>, transform_indices = @transform_6, window_bounds = array<i64: 256, 128>}, {pipeline_mode = #tpu.pipeline_mode<synchronous>, transform_indices = @transform_7, window_bounds = array<i64: 256, 128>}, {pipeline_mode = #tpu.pipeline_mode<synchronous>, transform_indices = @transform_8, window_bounds = array<i64: 1, 128>}, {transform_indices = @transform_9, window_bounds = array<i64: 1000, 128>}, {transform_indices = @transform_10, window_bounds = array<i64: 1000, 128>}, {transform_indices = @transform_11, window_bounds = array<i64: 1000, 1>}]} {
    %get3A = arith.constant 0 : index
    %get3A_0 = arith.constant 0 : index
    %get3A_1 = arith.constant 0 : index
    %get3A_2 = vector.load %arg1[%get3A, %get3A_0, %get3A_1] : memref<2x1000x128xbf16, #tpu.memory_space<vmem>>, vector<1x1000x128xbf16>
    %get3A_3 = vector.shape_cast %get3A_2 : vector<1x1000x128xbf16> to vector<1000x128xbf16>
    %convert_element_type3A = arith.extf %get3A_3 : vector<1000x128xbf16> to vector<1000x128xf32>
    %get3A_4 = arith.constant 1 : index
    %get3A_5 = arith.constant 0 : index
    %get3A_6 = arith.constant 0 : index
    %get3A_7 = vector.load %arg1[%get3A_4, %get3A_5, %get3A_6] : memref<2x1000x128xbf16, #tpu.memory_space<vmem>>, vector<1x1000x128xbf16>
    %get3A_8 = vector.shape_cast %get3A_7 : vector<1x1000x128xbf16> to vector<1000x128xbf16>
    %convert_element_type3A_9 = arith.extf %get3A_8 : vector<1000x128xbf16> to vector<1000x128xf32>
    %add3A = arith.addf %convert_element_type3A, %convert_element_type3A_9 : vector<1000x128xf32>
    %get3A_10 = arith.constant 0 : index
    %get3A_11 = arith.constant 0 : index
    %get3A_12 = arith.constant 0 : index
    %get3A_13 = vector.load %arg2[%get3A_10, %get3A_11, %get3A_12] : memref<2x1000x16xf32, #tpu.memory_space<vmem>>, vector<1x1000x16xf32>
    %get3A_14 = vector.shape_cast %get3A_13 : vector<1x1000x16xf32> to vector<1000x16xf32>
    %get3A_15 = arith.constant 1 : index
    %get3A_16 = arith.constant 0 : index
    %get3A_17 = arith.constant 0 : index
    %get3A_18 = vector.load %arg2[%get3A_15, %get3A_16, %get3A_17] : memref<2x1000x16xf32, #tpu.memory_space<vmem>>, vector<1x1000x16xf32>
    %get3A_19 = vector.shape_cast %get3A_18 : vector<1x1000x16xf32> to vector<1000x16xf32>
    %add3A_20 = arith.addf %get3A_14, %get3A_19 : vector<1000x16xf32>
    %slice3A = vector.extract_strided_slice %add3A_20 {offsets = [0, 0], sizes = [1000, 1], strides = [1, 1]} : vector<1000x16xf32> to vector<1000x1xf32>
    %max3A = arith.constant 1.000000e+00 : f32
    %max3A_21 = vector.broadcast %max3A : f32 to vector<1000x1xf32>
    %max3A_22 = arith.maximumf %slice3A, %max3A_21 : vector<1000x1xf32>
    %div3A = arith.constant 1.000000e+00 : f32
    %div3A_23 = vector.broadcast %div3A : f32 to vector<1000x1xf32>
    %div3A_24 = arith.divf %div3A_23, %max3A_22 : vector<1000x1xf32>
    %mul3A = vector.broadcast %div3A_24 : vector<1000x1xf32> to vector<1000x128xf32>
    %mul3A_25 = arith.mulf %add3A, %mul3A : vector<1000x128xf32>
    %get3A_26 = arith.constant 0 : index
    %get3A_27 = arith.constant 0 : index
    %get3A_28 = vector.load %arg4[%get3A_26, %get3A_27] : memref<128x256xf32, #tpu.memory_space<vmem>>, vector<128x256xf32>
    %dot_general3A = arith.constant dense<0.000000e+00> : vector<1000x256xf32>
    %dot_general3A_29 = tpu.matmul %mul3A_25, %get3A_28, %dot_general3A {dimension_numbers = #tpu.dot_dimension_numbers<[1], [0], [0], [1], [0, 0, 1, 1], [], []>, transpose_lhs_hint = false} : vector<1000x128xf32>, vector<128x256xf32>, vector<1000x256xf32> -> vector<1000x256xf32>
    %get3A_30 = arith.constant 0 : index
    %get3A_31 = arith.constant 0 : index
    %get3A_32 = vector.load %arg3[%get3A_30, %get3A_31] : memref<1000x128xf32, #tpu.memory_space<vmem>>, vector<1000x128xf32>
    %get3A_33 = arith.constant 0 : index
    %get3A_34 = arith.constant 0 : index
    %get3A_35 = vector.load %arg5[%get3A_33, %get3A_34] : memref<128x256xf32, #tpu.memory_space<vmem>>, vector<128x256xf32>
    %dot_general3A_36 = arith.constant dense<0.000000e+00> : vector<1000x256xf32>
    %dot_general3A_37 = tpu.matmul %get3A_32, %get3A_35, %dot_general3A_36 {dimension_numbers = #tpu.dot_dimension_numbers<[1], [0], [0], [1], [0, 0, 1, 1], [], []>, transpose_lhs_hint = false} : vector<1000x128xf32>, vector<128x256xf32>, vector<1000x256xf32> -> vector<1000x256xf32>
    %add3A_38 = arith.addf %dot_general3A_29, %dot_general3A_37 : vector<1000x256xf32>
    %get3A_39 = arith.constant 0 : index
    %get3A_40 = arith.constant 0 : index
    %get3A_41 = vector.load %arg6[%get3A_39, %get3A_40] : memref<1x256xf32, #tpu.memory_space<vmem>>, vector<1x256xf32>
    %add3A_42 = vector.broadcast %get3A_41 : vector<1x256xf32> to vector<1000x256xf32>
    %add3A_43 = arith.addf %add3A_38, %add3A_42 : vector<1000x256xf32>
    %max3A_44 = arith.constant 0.000000e+00 : f32
    %max3A_45 = vector.broadcast %max3A_44 : f32 to vector<1000x256xf32>
    %max3A_46 = arith.maximumf %add3A_43, %max3A_45 : vector<1000x256xf32>
    %get3A_47 = arith.constant 0 : index
    %get3A_48 = arith.constant 0 : index
    %get3A_49 = vector.load %arg7[%get3A_47, %get3A_48] : memref<256x128xf32, #tpu.memory_space<vmem>>, vector<256x128xf32>
    %dot_general3A_50 = arith.constant dense<0.000000e+00> : vector<1000x128xf32>
    %dot_general3A_51 = tpu.matmul %max3A_46, %get3A_49, %dot_general3A_50 {dimension_numbers = #tpu.dot_dimension_numbers<[1], [0], [0], [1], [0, 0, 1, 1], [], []>, transpose_lhs_hint = false} : vector<1000x256xf32>, vector<256x128xf32>, vector<1000x128xf32> -> vector<1000x128xf32>
    %convert_element_type3A_52 = arith.truncf %dot_general3A_51 : vector<1000x128xf32> to vector<1000x128xbf16>
    %swap3A = arith.constant 0 : index
    %swap3A_53 = arith.constant 0 : index
    %swap3A_54 = vector.load %arg10[%swap3A, %swap3A_53] : memref<1000x128xbf16, #tpu.memory_space<vmem>>, vector<1000x128xbf16>
    tpu.vector_store %arg10[%swap3A, %swap3A_53], %convert_element_type3A_52 {strides = array<i32>} : memref<1000x128xbf16, #tpu.memory_space<vmem>>, vector<1000x128xbf16>,
    %get3A_55 = arith.constant 0 : index
    %get3A_56 = arith.constant 0 : index
    %get3A_57 = vector.load %arg8[%get3A_55, %get3A_56] : memref<256x128xf32, #tpu.memory_space<vmem>>, vector<256x128xf32>
    %dot_general3A_58 = arith.constant dense<0.000000e+00> : vector<1000x128xf32>
    %dot_general3A_59 = tpu.matmul %max3A_46, %get3A_57, %dot_general3A_58 {dimension_numbers = #tpu.dot_dimension_numbers<[1], [0], [0], [1], [0, 0, 1, 1], [], []>, transpose_lhs_hint = false} : vector<1000x256xf32>, vector<256x128xf32>, vector<1000x128xf32> -> vector<1000x128xf32>
    %get3A_60 = arith.constant 0 : index
    %get3A_61 = arith.constant 0 : index
    %get3A_62 = vector.load %arg9[%get3A_60, %get3A_61] : memref<1x128xf32, #tpu.memory_space<vmem>>, vector<1x128xf32>
    %add3A_63 = vector.broadcast %get3A_62 : vector<1x128xf32> to vector<1000x128xf32>
    %add3A_64 = arith.addf %dot_general3A_59, %add3A_63 : vector<1000x128xf32>
    %swap3A_65 = arith.constant 0 : index
    %swap3A_66 = arith.constant 0 : index
    %swap3A_67 = vector.load %arg11[%swap3A_65, %swap3A_66] : memref<1000x128xf32, #tpu.memory_space<vmem>>, vector<1000x128xf32>
    tpu.vector_store %arg11[%swap3A_65, %swap3A_66], %add3A_64 {strides = array<i32>} : memref<1000x128xf32, #tpu.memory_space<vmem>>, vector<1000x128xf32>,
    %swap3A_68 = arith.constant 0 : index
    %swap3A_69 = arith.constant 0 : index
    %swap3A_70 = vector.load %arg12[%swap3A_68, %swap3A_69] : memref<1000x1xf32, #tpu.memory_space<vmem>>, vector<1000x1xf32>
    tpu.vector_store %arg12[%swap3A_68, %swap3A_69], %div3A_24 {strides = array<i32>} : memref<1000x1xf32, #tpu.memory_space<vmem>>, vector<1000x1xf32>,
    return
  }
  func.func @transform_0(%arg0: i32) -> (i32, i32, i32) {
    %c0_i32 = arith.constant 0 : i32
    %c0_i32_0 = arith.constant 0 : i32
    %c0_i32_1 = arith.constant 0 : i32
    return %c0_i32, %arg0, %c0_i32_0 : i32, i32, i32
  }
  func.func @transform_1(%arg0: i32) -> (i32, i32, i32) {
    %c0_i32 = arith.constant 0 : i32
    %c0_i32_0 = arith.constant 0 : i32
    %c0_i32_1 = arith.constant 0 : i32
    return %c0_i32, %arg0, %c0_i32_0 : i32, i32, i32
  }
  func.func @transform_2(%arg0: i32) -> (i32, i32) {
    %c0_i32 = arith.constant 0 : i32
    %c0_i32_0 = arith.constant 0 : i32
    return %arg0, %c0_i32 : i32, i32
  }
  func.func @transform_3(%arg0: i32) -> (i32, i32) {
    %c0_i32 = arith.constant 0 : i32
    %c0_i32_0 = arith.constant 0 : i32
    %c0_i32_1 = arith.constant 0 : i32
    return %c0_i32, %c0_i32_0 : i32, i32
  }
  func.func @transform_4(%arg0: i32) -> (i32, i32) {
    %c0_i32 = arith.constant 0 : i32
    %c0_i32_0 = arith.constant 0 : i32
    %c0_i32_1 = arith.constant 0 : i32
    return %c0_i32, %c0_i32_0 : i32, i32
  }
  func.func @transform_5(%arg0: i32) -> (i32, i32) {
    %c0_i32 = arith.constant 0 : i32
    %c0_i32_0 = arith.constant 0 : i32
    %c0_i32_1 = arith.constant 0 : i32
    return %c0_i32, %c0_i32_0 : i32, i32
  }
  func.func @transform_6(%arg0: i32) -> (i32, i32) {
    %c0_i32 = arith.constant 0 : i32
    %c0_i32_0 = arith.constant 0 : i32
    %c0_i32_1 = arith.constant 0 : i32
    return %c0_i32, %c0_i32_0 : i32, i32
  }
  func.func @transform_7(%arg0: i32) -> (i32, i32) {
    %c0_i32 = arith.constant 0 : i32
    %c0_i32_0 = arith.constant 0 : i32
    %c0_i32_1 = arith.constant 0 : i32
    return %c0_i32, %c0_i32_0 : i32, i32
  }
  func.func @transform_8(%arg0: i32) -> (i32, i32) {
    %c0_i32 = arith.constant 0 : i32
    %c0_i32_0 = arith.constant 0 : i32
    %c0_i32_1 = arith.constant 0 : i32
    return %c0_i32, %c0_i32_0 : i32, i32
  }
  func.func @transform_9(%arg0: i32) -> (i32, i32) {
    %c0_i32 = arith.constant 0 : i32
    %c0_i32_0 = arith.constant 0 : i32
    return %arg0, %c0_i32 : i32, i32
  }
  func.func @transform_10(%arg0: i32) -> (i32, i32) {
    %c0_i32 = arith.constant 0 : i32
    %c0_i32_0 = arith.constant 0 : i32
    return %arg0, %c0_i32 : i32, i32
  }
  func.func @transform_11(%arg0: i32) -> (i32, i32) {
    %c0_i32 = arith.constant 0 : i32
    %c0_i32_0 = arith.constant 0 : i32
    return %arg0, %c0_i32 : i32, i32
  }
}

module attributes {stable_mosaic.version = 14 : i64} {
  func.func @_tc2_body(%arg0: i32, %arg1: memref<2x1000x128xbf16, #tpu.memory_space<vmem>>, %arg2: memref<1000x1xf32, #tpu.memory_space<vmem>>, %arg3: memref<1000x128xf32, #tpu.memory_space<vmem>>, %arg4: memref<1000x128xf32, #tpu.memory_space<vmem>>) attributes {dimension_semantics = [#tpu.dimension_semantics<arbitrary>], iteration_bounds = array<i64: 10>, scalar_prefetch = 0 : i64, scratch_operands = 0 : i64, tpu.core_type = #tpu.core_type<tc>, window_params = [{transform_indices = @transform_0, window_bounds = array<i64: 2, 1000, 128>}, {transform_indices = @transform_1, window_bounds = array<i64: 1000, 1>}, {transform_indices = @transform_2, window_bounds = array<i64: 1000, 128>}, {transform_indices = @transform_3, window_bounds = array<i64: 1000, 128>}]} {
    %get3A = arith.constant 0 : index
    %get3A_0 = arith.constant 0 : index
    %get3A_1 = arith.constant 0 : index
    %get3A_2 = vector.load %arg1[%get3A, %get3A_0, %get3A_1] : memref<2x1000x128xbf16, #tpu.memory_space<vmem>>, vector<1x1000x128xbf16>
    %get3A_3 = vector.shape_cast %get3A_2 : vector<1x1000x128xbf16> to vector<1000x128xbf16>
    %convert_element_type3A = arith.extf %get3A_3 : vector<1000x128xbf16> to vector<1000x128xf32>
    %get3A_4 = arith.constant 1 : index
    %get3A_5 = arith.constant 0 : index
    %get3A_6 = arith.constant 0 : index
    %get3A_7 = vector.load %arg1[%get3A_4, %get3A_5, %get3A_6] : memref<2x1000x128xbf16, #tpu.memory_space<vmem>>, vector<1x1000x128xbf16>
    %get3A_8 = vector.shape_cast %get3A_7 : vector<1x1000x128xbf16> to vector<1000x128xbf16>
    %convert_element_type3A_9 = arith.extf %get3A_8 : vector<1000x128xbf16> to vector<1000x128xf32>
    %add3A = arith.addf %convert_element_type3A, %convert_element_type3A_9 : vector<1000x128xf32>
    %get3A_10 = arith.constant 0 : index
    %get3A_11 = arith.constant 0 : index
    %get3A_12 = vector.load %arg2[%get3A_10, %get3A_11] : memref<1000x1xf32, #tpu.memory_space<vmem>>, vector<1000x1xf32>
    %mul3A = vector.broadcast %get3A_12 : vector<1000x1xf32> to vector<1000x128xf32>
    %mul3A_13 = arith.mulf %add3A, %mul3A : vector<1000x128xf32>
    %get3A_14 = arith.constant 0 : index
    %get3A_15 = arith.constant 0 : index
    %get3A_16 = vector.load %arg3[%get3A_14, %get3A_15] : memref<1000x128xf32, #tpu.memory_space<vmem>>, vector<1000x128xf32>
    %add3A_17 = arith.addf %mul3A_13, %get3A_16 : vector<1000x128xf32>
    %swap3A = arith.constant 0 : index
    %swap3A_18 = arith.constant 0 : index
    %swap3A_19 = vector.load %arg4[%swap3A, %swap3A_18] : memref<1000x128xf32, #tpu.memory_space<vmem>>, vector<1000x128xf32>
    tpu.vector_store %arg4[%swap3A, %swap3A_18], %add3A_17 {strides = array<i32>} : memref<1000x128xf32, #tpu.memory_space<vmem>>, vector<1000x128xf32>,
    return
  }
  func.func @transform_0(%arg0: i32) -> (i32, i32, i32) {
    %c0_i32 = arith.constant 0 : i32
    %c0_i32_0 = arith.constant 0 : i32
    %c0_i32_1 = arith.constant 0 : i32
    return %c0_i32, %arg0, %c0_i32_0 : i32, i32, i32
  }
  func.func @transform_1(%arg0: i32) -> (i32, i32) {
    %c0_i32 = arith.constant 0 : i32
    %c0_i32_0 = arith.constant 0 : i32
    return %arg0, %c0_i32 : i32, i32
  }
  func.func @transform_2(%arg0: i32) -> (i32, i32) {
    %c0_i32 = arith.constant 0 : i32
    %c0_i32_0 = arith.constant 0 : i32
    return %arg0, %c0_i32 : i32, i32
  }
  func.func @transform_3(%arg0: i32) -> (i32, i32) {
    %c0_i32 = arith.constant 0 : i32
    %c0_i32_0 = arith.constant 0 : i32
    return %arg0, %c0_i32 : i32, i32
  }
}

</mosaic_0001>

<sc_bundles>
// kernel: kernel.6.cloned.1.call-start
scs
__scs_entry_jumppad:
0x0: {  	(pc) =	sbr.rel $0x88, $3  }
0x1: {  	(tag) =	ssettag $0x0;
	lr =	simm.s32 $0x1  }
0x2: {  	[smem:$0x3F99] =	sst lr;
	_ =	strace $0xD0000000  }
0x3: {  	_ = 	snop  }
0x4: {  	_ = 	snop  }
0x5: {  	_ = 	snop  }
0x6: {  	_ = 	snop  }
0x7: {  	_ = 	snop  }
__scs_overlays_trampoline_lowered:
0x8: {  	[smem:$0x3FA8] =	sst s0  }
0x9: {  	[smem:$0x3FA9] =	sst s1  }
0xa: {  	[smem:$0x3FAA] =	sst s2  }
0xb: {  	[smem:$0x3FAB] =	sst s3  }
0xc: {  	[smem:$0x3FAC] =	sst s4  }
0xd: {  	[smem:$0x3FAD] =	sst s5  }
0xe: {  	[smem:$0x3FAE] =	sst s6  }
0xf: {  	[smem:$0x3FAF] =	sst s7  }
0x10: {  	[smem:$0x3FB0] =	sst s8  }
0x11: {  	[smem:$0x3FB1] =	sst s9;
	s0 =	simm.s32 @!p0 $0x0  }
0x12: {  	s1 =	sld [smem:$0x3F97];
	s0 =	simm.s32 @p0 $0x1  }
0x13: {  	[smem:$0x3FB2] =	sst s0;
	s0 =	simm.s32 @!p1 $0x0  }
0x14: {  	s2 =	sld [smem:$0x3F96];
	s0 =	simm.s32 @p1 $0x1  }
0x15: {  	[smem:$0x3FB3] =	sst s0;
	s0 =	simm.s32 @!p2 $0x0  }
0x16: {  	s3 =	sld [smem:$0x3FDB];
	s0 =	simm.s32 @p2 $0x1  }
0x17: {  	s4 =	simm.s32 $0x1BF5;
	[smem:$0x3FB5] =	sst s0  }
0x18: {  	s0 =	sld [smem:$0x3F98];
	_ =	swait.ge [sflag:s4], $0x0  }
0x19: {  	s7 =	sld [smem:$0x3F99]  }
0x1a: {  	s8 =	sadd.s32 $0xFFFFE003, lr  }
0x1b: {  	s9 =	sadd.s32 $0xFFFFFEF7, lr;
	s5 =	simm.s32 $0xFFFFFFFF;
	p2 =	slt.u32 s8, $0xFFFFF086  }
0x1c: {  	p1 =	slt.u32 s9, $0xF7A;
	s5 =	simm.s32 @!p2 $0x0  }
0x1d: {  	s5 =	simm.s32 @p1 $0x1;
	p0 =	seq.s32 s7, s2  }
0x1e: {  	s7 =	smul.u32 @!p0 $0xF7A, s2;
	p2 =	seq.s32 @!p0 s5, $0x0  }
0x1f: {  	s9 =	smul.u32 $0xF7A, s1;
	s8 =	simm.s32 @!p0 $0x1BF5;
	p2 =	por !p2, p0  }
0x20: {  	[sflag:s8] =	ssyncset.s32 @!p0 $0xFFFFF086;
	s6 =	sadd.s32 @!p0 s3, s7;
	s7 =	simm.s32 @!p0 $0x108  }
0x21: {  	s3 =	sadd.s32 s3, s9;
	s6 =	sadd.s32 @!p0 $0x88, s6;
	s7 =	simm.s32 @p2 $0x1082  }
0x22: {  	[simem:s7], [sflag:s8] =	dma.local @!p0 [hbm:s6], $0xF7A  }
0x23: {  	s9 =	sor.u32 $0xD0000000, s2;
	s6 =	simm.s32 $0x108;
	_ =	swait.ge @!p0 [sflag:s8], $0x0  }
0x24: {  	s3 =	sadd.s32 $0x88, s3;
	s6 =	simm.s32 @!p1 $0x1082;
	[sflag:s4] =	ssyncset.s32 $0xFFFFF086  }
0x25: {  	[simem:s6], [sflag:s4] =	dma.local [hbm:s3], $0xF7A  }
0x26: {  	[smem:$0x3F99] =	sst s1;
	(tag) =	ssettag s2;
	_ =	strace s9  }
0x27: {  	s1 =	sld [smem:$0x3FA9]  }
0x28: {  	s2 =	sld [smem:$0x3FAA]  }
0x29: {  	s4 =	sld [smem:$0x3FAC]  }
0x2a: {  	p0 =	seq.s32 s5, $0x0;
	s5 =	sld [smem:$0x3FAD]  }
0x2b: {  	s6 =	sld [smem:$0x3FAE]  }
0x2c: {  	s7 =	sld [smem:$0x3FAF]  }
0x2d: {  	s3 =	simm.s32 $0x108;
	s8 =	sld [smem:$0x3FB0]  }
0x2e: {  	s3 =	simm.s32 @!p0 $0x1082;
	s9 =	sld [smem:$0x3FB1]  }
0x2f: {  	lr =	sadd.s32 s0, s3;
	s0 =	sld [smem:$0x3FA8]  }
0x30: {  	s3 =	sld [smem:$0x3FAB]  }
0x31: {  	[smem:$0x3FB4] =	sst s10  }
0x32: {  	s10 =	sld [smem:$0x3FB2];
	_ =	sdelay $0x3  }
0x33: {  	p0 =	seq.s32 s10, $0x1;
	s10 =	sld [smem:$0x3FB4];
	_ =	sdelay $0x3  }
0x34: {  	[smem:$0x3FB4] =	sst s10  }
0x35: {  	s10 =	sld [smem:$0x3FB3];
	_ =	sdelay $0x3  }
0x36: {  	p1 =	seq.s32 s10, $0x1;
	s10 =	sld [smem:$0x3FB4];
	_ =	sdelay $0x3  }
0x37: {  	[smem:$0x3FB4] =	sst s10  }
0x38: {  	s10 =	sld [smem:$0x3FB5]  }
0x39: {  	_ = 	snop;
	(pc) =	sbr.ind lr, $3  }
0x3a: {  	_ = 	snop  }
0x3b: {  	_ = 	snop  }
0x3c: {  	p2 =	seq.s32 s10, $0x1;
	s10 =	sld [smem:$0x3FB4]  }
0x3d: {  	_ =	shalt  }
0x3e: {  	_ =	shalt  }
0x3f: {  	_ =	shalt  }
0x40: {  	_ =	shalt  }
0x41: {  	_ =	shalt  }
0x42: {  	_ =	shalt  }
0x43: {  	_ =	shalt  }
0x44: {  	_ =	shalt  }
0x45: {  	_ =	shalt  }
0x46: {  	_ =	shalt  }
0x47: {  	_ =	shalt  }
0x48: {  	_ =	shalt  }
0x49: {  	_ =	shalt  }
0x4a: {  	_ =	shalt  }
0x4b: {  	_ =	shalt  }
0x4c: {  	_ =	shalt  }
0x4d: {  	_ =	shalt  }
0x4e: {  	_ =	shalt  }
0x4f: {  	_ =	shalt  }
0x50: {  	_ =	shalt  }
0x51: {  	_ =	shalt  }
0x52: {  	_ =	shalt  }
0x53: {  	_ =	shalt  }
0x54: {  	_ =	shalt  }
0x55: {  	_ =	shalt  }
0x56: {  	_ =	shalt  }
0x57: {  	_ =	shalt  }
0x58: {  	_ =	shalt  }
0x59: {  	_ =	shalt  }
0x5a: {  	_ =	shalt  }
0x5b: {  	_ =	shalt  }
0x5c: {  	_ =	shalt  }
0x5d: {  	_ =	shalt  }
0x5e: {  	_ =	shalt  }
0x5f: {  	_ =	shalt  }
0x60: {  	_ =	shalt  }
0x61: {  	_ =	shalt  }
0x62: {  	_ =	shalt  }
0x63: {  	_ =	shalt  }
0x64: {  	_ =	shalt  }
0x65: {  	_ =	shalt  }
0x66: {  	_ =	shalt  }
0x67: {  	_ =	shalt  }
0x68: {  	_ =	shalt  }
0x69: {  	_ =	shalt  }
0x6a: {  	_ =	shalt  }
0x6b: {  	_ =	shalt  }
0x6c: {  	_ =	shalt  }
0x6d: {  	_ =	shalt  }
0x6e: {  	_ =	shalt  }
0x6f: {  	_ =	shalt  }
0x70: {  	_ =	shalt  }
0x71: {  	_ =	shalt  }
0x72: {  	_ =	shalt  }
0x73: {  	_ =	shalt  }
0x74: {  	_ =	shalt  }
0x75: {  	_ =	shalt  }
0x76: {  	_ =	shalt  }
0x77: {  	_ =	shalt  }
0x78: {  	_ =	shalt  }
0x79: {  	_ =	shalt  }
0x7a: {  	_ =	shalt  }
0x7b: {  	_ =	shalt  }
0x7c: {  	_ =	shalt  }
0x7d: {  	_ =	shalt  }
0x7e: {  	_ =	shalt  }
0x7f: {  	_ =	shalt  }
0x80: {  	_ =	shalt  }
0x81: {  	_ =	shalt  }
0x82: {  	_ =	shalt  }
0x83: {  	_ =	shalt  }
0x84: {  	_ =	shalt  }
0x85: {  	_ =	shalt  }
0x86: {  	_ =	shalt  }
0x87: {  	_ =	shalt  }
.Lfunc_end0:
.L_simem_size_0:
called_computation_lowered:
.L_overlay_start_0:
0x88: {  	s2 =	sld [smem:$0x3FD9]  }
0x89: {  	s3 =	sld [smem:$0x3FFE];
	_ =	sdelay $0x1  }
0x8a: {  	s1 =	srdreg.scid  }
0x8b: {  	s0 =	sand.u32 $0x1, s1  }
0x8c: {  	s17 =	sshll.u32 s0, $0xA;
	s2 =	sadd.s32 s3, s2  }
0x8d: {  	s2 =	sadd.s32 s2, s17  }
0x8e: {  	[smem:$0x3FC0] =	sst s2  }
0x8f: {  	_ = 	snop  }
0x90: {  	s2 =	sld [smem:$0x3FD0];
	(tm) =	ssettm $0x1  }
0x91: {  	s18 =	sld [smem:$0x3FFB];
	_ =	sdelay $0x3  }
0x92: {  	_ =	strace s18  }
0x93: {  	s3 =	sld [smem:$0x3FFC];
	_ =	sdelay $0x3  }
0x94: {  	_ =	strace s3  }
0x95: {  	s3 =	sld [smem:$0x3FFD];
	_ =	sdelay $0x3  }
0x96: {  	_ =	strace s3  }
0x97: {  	_ =	strace $0x8FFFFFFF  }
0x98: {  	s19 =	sld [smem:$0x3FDB];
	_ =	sdelay $0x1  }
0x99: {  	s4 =	simm.s32 $_scs_section_size  }
0x9a: {  	s5 =	simm.s32 $_size__tile_overlayer_lowered;
	s6 =	simm.s32 $_tile_overlayer_lowered  }
0x9b: {  	s22 =	simm.s32 $0x1BFF;
	s21 =	sshll.u32 s6, $0x1;
	s3 =	sadd.s32 s4, s19  }
0x9c: {  	s7 =	simm.s32 $0x0;
	s20 =	sshll.u32 s5, $0x1;
	s5 =	sadd.s32 s21, s3  }
0x9d: {  	[timem:s7], [sflag:s22] =	dma.local [hbm:s5], s20  }
0x9e: {  	_ =	swait.ge [sflag:s22], s20  }
0x9f: {  	s4 =	ssub.s32 $0x0, s20;
	[sflag:s22] =	ssyncset.done $0x0  }
0xa0: {  	[sflag:s22] =	ssyncadd.s32 s4;
	_ =	sdelay $0x1  }
0xa1: {  	s23 =	simm.s32 $0x1B8B  }
0xa2: {  	_ =	swait.ge [sflag:s23], $0x1  }
0xa3: {  	[sflag:s23] =	ssyncset.done $0x0  }
0xa4: {  	s25 =	simm.s32 $0x1B8E;
	s24 =	sld [smem:$0x3FFE];
	[sflag:s23] =	ssyncadd.s32 $0xFFFFFFFF  }
0xa5: {  	s26 =	simm.s32 $execute0_lowered;
	[smem:$0x3FD2] =	sst s25  }
0xa6: {  	s5 =	sshll.u32 s26, $0x1;
	_ =	strace $0x80000046;
	[dreg:$0x1] =	wrdreg $0xFFFFFFFF  }
0xa7: {  	s28 =	simm.s32 $_size_execute0_lowered;
	s3 =	sadd.s32 s3, s5;
	[dreg:$0x0] =	wrdreg $0x0  }
0xa8: {  	s5 =	sshll.u32 s28, $0x1;
	[dreg:$0x2] =	wrdreg s3  }
0xa9: {  	[dreg:$0x3] =	wrdreg s5  }
0xaa: {  	[dreg:$0x4] =	wrdreg $0xC0  }
0xab: {  	_ =	task [dreg:s7], $0x5FFFF  }
0xac: {  	[dreg:$0x1] =	wrdreg $0xFFFFFFFF  }
0xad: {  	[dreg:$0x0] =	wrdreg $0x60  }
0xae: {  	[dreg:$0x2] =	wrdreg s24  }
0xaf: {  	[dreg:$0x3] =	wrdreg s2  }
0xb0: {  	[dreg:$0x4] =	wrdreg $0x8D000  }
0xb1: {  	[dreg:$0x5] =	wrdreg $0x131100  }
0xb2: {  	[dreg:$0x6] =	wrdreg $0x9  }
0xb3: {  	_ =	task.clear_ibuf [dreg:s7], $0x7FFFF;
	_ =	strace $0x90000046  }
0xb4: {  	s29 =	simm.s32 $0x9;
	_ =	strace $0x80000048  }
0xb5: {  	_ =	swait.ge [sflag:s29], $0x1  }
0xb6: {  	[sflag:s29] =	ssyncadd.s32 $0xFFFFFFFF  }
0xb7: {  	_ =	strace $0x90000048  }
0xb8: {  	_ =	sfence  }
0xb9: {  	s30 =	sld [smem:$0x0];
	_ =	sdelay $0x2  }
0xba: {  	s31 =	sshll.u32 s1, $0xD;
	s1 =	sshrl.u32 s1, $0x2  }
0xbb: {  	s3 =	sand.u32 $0x4000, s31;
	s1 =	sadd.s32 s1, s30  }
0xbc: {  	s0 =	sor.u32 s3, s0;
	s1 =	sshll.u32 s1, $0x11  }
0xbd: {  	s0 =	sor.u32 s1, s0  }
0xbe: {  	s0 =	sadd.s32 $0x8F2B, s0  }
0xbf: {  	[sflag:s0] =	ssyncadd.remote.s32 $0x1  }
0xc0: {  	_ =	sfence.sel $0xFFFF  }
0xc1: {  	[dreg:$0x0] =	wrdreg $0xFFFFFFFF;
	(pc) =	sbr.abs _section_cstart, $3  }
0xc2: {  	[dreg:$0x1] =	wrdreg $0xFFFFFFFF  }
0xc3: {  	_ =	task.clear_ibuf [dreg:s7], $0x2FFFF;
	_ =	strace $0x9FFFFFFF  }
0xc4: {  	(tm) =	ssettm $0x7FFFFFFF  }
0xc5: {  	_ =	shalt  }
tec
execute0_lowered:
.L_overlay_start_1:
0x0: {  	(tag) =	ssettag $0x1  }
0x1: {  	s0 =	rddreg [dreg:$0x0]  }
0x2: {  	s1 =	rddreg [dreg:$0x1]  }
0x3: {  	s2 =	rddreg [dreg:$0x2]  }
0x4: {  	s4 =	srdreg.scid;
	s13 =	stileid.u32  }
0x5: {  	s3 =	rddreg [dreg:$0x3];
	s15 =	simm.s32 $0x0;
	s25 =	simm.s32 $0x80  }
0x6: {  	s26 =	simm.s32 $0x100;
	s14 =	simm.s32 $0x280;
	s29 =	simm.s32 $0x6  }
0x7: {  	s30 =	simm.s32 $0x4;
	s28 =	simm.s32 $0xA00;
	s31 =	simm.s32 $0xA80  }
0x8: {  	s6 =	sand.u32 $0x1, s4;
	s5 =	sshll.u32 s13, $0x1;
	[smem:$0x7FF] =	sst s15  }
0x9: {  	s8 =	smul.u32 $0x13880, s13;
	s9 =	sadd.s32 $0x1600, s0;
	s11 =	sadd.s32 $0x2A400, s0  }
0xa: {  	s20 =	sshll.u32 s13, $0x6;
	_ =	strace $0x80000047;
	[dreg:$0x16] =	wrdreg s9  }
0xb: {  	s21 =	smul.u32 $0x2710, s13;
	s15 =	simm.s32 $0x300;
	[dreg:$0x17] =	wrdreg s11  }
0xc: {  	s13 =	simm.s32 $0x800;
	s5 =	sor.u32 s6, s5;
	[dreg:$0x7] =	wrdreg s25  }
0xd: {  	s16 =	smul.u32 $0x4E20, s6;
	s10 =	ssub.s32 $0x2, s6;
	[dreg:$0x8] =	wrdreg s26  }
0xe: {  	s6 =	smul.u32 $0x13880, s6;
	s22 =	sor.u32 $0x1C0A, s20;
	[dreg:$0xb] =	wrdreg s14  }
0xf: {  	s11 =	simm.s32 $0x180;
	[dreg:$0xc] =	wrdreg s15;
	s14 =	simm.s32 $0x7D  }
0x10: {  	s15 =	simm.s32 $0x1000;
	s20 =	simm.s32 $0x580;
	s25 =	simm.s32 $0x700  }
0x11: {  	s26 =	simm.s32 $0x780;
	s7 =	smul.u32 $0x500, s5;
	s5 =	sadd.s32 $0x2A00, s0  }
0x12: {  	s17 =	sshrl.u32 s10, $0x1;
	s12 =	sshrl.u32 s8, $0x1;
	[dreg:$0x9] =	wrdreg s11  }
0x13: {  	s24 =	sadd.s32 s21, s3;
	s8 =	sshrl.u32 s8, $0x4;
	[dreg:$0x11] =	wrdreg s20  }
0x14: {  	s4 =	sshrl.u32 s21, $0x3;
	s11 =	simm.s32 $0xA;
	[dreg:$0x14] =	wrdreg s25  }
0x15: {  	s21 =	simm.s32 $0x600;
	s20 =	simm.s32 $0x6DC0;
	[dreg:$0x15] =	wrdreg s26  }
0x16: {  	s25 =	simm.s32 $0x5;
	s26 =	simm.s32 $0x3;
	[dreg:$0x18] =	wrdreg s22  }
0x17: {  	s18 =	ssub.s32 s10, s17;
	s19 =	sadd.s32 s12, s2;
	s1 =	sadd.s32 s1, s6  }
0x18: {  	s12 =	simm.s32 $0x200;
	s24 =	sshrl.u32 s24, $0x3;
	[dreg:$0x12] =	wrdreg s21  }
0x19: {  	s17 =	simm.s32 $0x400;
	s21 =	simm.s32 $0x2;
	[dreg:$0xa] =	wrdreg s12  }
0x1a: {  	s6 =	simm.s32 $0x8;
	s7 =	sadd.s32 s7, s0;
	[dreg:$0xe] =	wrdreg s17  }
0x1b: {  	s0 =	sadd.s32 s16, s0;
	s9 =	smax.u32 s18, $0x1;
	[dreg:$0x1b] =	wrdreg s24  }
0x1c: {  	s10 =	sshrl.u32 s19, $0x3;
	s16 =	simm.s32 $0x380;
	[dreg:$0x19] =	wrdreg s9  }
0x1d: {  	s18 =	simm.s32 $0x480;
	s19 =	simm.s32 $0x500;
	[dreg:$0xd] =	wrdreg s16  }
0x1e: {  	s17 =	simm.s32 $0x4E80;
	s1 =	sadd.s32 s8, s1;
	[dreg:$0xf] =	wrdreg s18  }
0x1f: {  	s12 =	simm.s32 $0x880;
	s8 =	simm.s32 $0x900;
	[dreg:$0x10] =	wrdreg s19  }
0x20: {  	s23 =	sadd.s32 $0x20400, s7;
	s7 =	sadd.s32 $0x16400, s7;
	[dreg:$0x1c] =	wrdreg s1  }
0x21: {  	s0 =	sadd.s32 $0x2AA00, s0;
	s16 =	simm.s32 $0x2F40;
	[dreg:$0x1a] =	wrdreg s10  }
0x22: {  	s18 =	simm.s32 $0x1;
	s19 =	simm.s32 $0x12940;
	[dreg:$0x5] =	wrdreg s23  }
0x23: {  	s1 =	simm.s32 $0x7;
	[dreg:$0x6] =	wrdreg s7;
	s23 =	simm.s32 $0x680  }
0x24: {  	s0 =	sadd.s32 s4, s0;
	s7 =	simm.s32 $0x9;
	[dreg:$0x13] =	wrdreg s23  }
0x25: {  	v0 =	vimm.f32 $1.000000000e+00;
	[dreg:$0x1d] =	wrdreg s0;
	s0 =	simm.s32 $0x0;
	s23 =	simm.s32 $0x980  }
.LBB2_1:
0x26: {  	[dreg:$0x1e] =	wrdreg s0  }
0x27: {  	s9 =	rddreg [dreg:$0x16]  }
0x28: {  	[spmem:s10], [sflag:s22] =	dma.local [hbm:s9], $0x1388  }
0x29: {  	_ =	swait.ge [sflag:s11], $0x1388  }
0x2a: {  	[sflag:s11] =	ssyncset.done $0x0  }
0x2b: {  	s10 =	rddreg [dreg:$0x17];
	[sflag:s11] =	ssyncadd.s32 $0xFFFFEC78  }
0x2c: {  	[spmem:s24], [sflag:s22] =	dma.local [hbm:s10], $0x4E2  }
0x2d: {  	_ =	swait.ge [sflag:s11], $0x4E2  }
0x2e: {  	[sflag:s11] =	ssyncset.done $0x0  }
0x2f: {  	s9 =	simm.s32 $0x40;
	s22 =	simm.s32 $0x0;
	[sflag:s11] =	ssyncadd.s32 $0xFFFFFB1E  }
.LBB2_2:
0x30: {  	p0 =	sne.s32 s9, $0x1F00;
	[tilespmem:s22+$0x12940] =	vst v0;
	s22 =	smov.u32 s9;
	s9 =	sadd.s32 $0x40, s9  }
.Ltmp0:
0x31: {  	(pc) =	sbr.rel @p0 .LBB2_2-.Ltmp0, $2  }
0x32: {  	_ =	sdelay $0x2  }
0x33: {  	s22 =	sshra.s32 s22, $0x2  }
0x34: {  	[tilespmem:s22+$0x12940] =	vst v0  }
0x35: {  	[bflag:$0x0] =	sbarrier.arrive $0xFFFF  }
0x36: {  	s9 =	rddreg [dreg:$0x5]  }
0x37: {  	s0 =	simm.s32 $0x0;
	s9 =	sadd.s32 $0x0, s9  }
0x38: {  	[tilespmem:s0], [sflag:$0xA] =	stream.linear.gather [hbm4b:s9+s0], $0x800, $0x38;
	[tilespmem:$0x15820] =	vst v63  }
0x39: {  	_ =	swait.ge [sflag:s11], $0x800  }
0x3a: {  	s24 =	rddreg [dreg:$0x6];
	[sflag:s11] =	ssyncset.done $0x0  }
0x3b: {  	[sflag:s11] =	ssyncadd.s32 $0xFFFFF800;
	s9 =	sadd.s32 $0x0, s24  }
0x3c: {  	[tilespmem:s13], [sflag:$0xA] =	stream.linear.gather [hbm4b:s9+s0], $0x800, $0x38;
	[tilespmem:$0x15820] =	vst v63  }
0x3d: {  	_ =	swait.ge [sflag:s11], $0x800  }
0x3e: {  	[sflag:s11] =	ssyncset.done $0x0  }
0x3f: {  	[sflag:s11] =	ssyncadd.s32 $0xFFFFF800  }
0x40: {  	[tilespmem:s15], [sflag:$0x1] =	stream.indirect.gather [hbm4b:s5+s14], $0x40, s0, s14, $0xb8;
	[tilespmem:$0x15820] =	vst v63  }
0x41: {  	s4 =	rddreg [dreg:$0x7]  }
0x42: {  	[tilespmem:s16], [sflag:$0x2] =	stream.indirect.gather [hbm4b:s5+s14], $0x40, s4, s14, $0xb8;
	[tilespmem:$0x15820] =	vst v63  }
0x43: {  	s10 =	rddreg [dreg:$0x8]  }
0x44: {  	[tilespmem:s17], [sflag:$0x3] =	stream.indirect.gather [hbm4b:s5+s14], $0x40, s10, s14, $0xb8;
	[tilespmem:$0x15820] =	vst v63  }
0x45: {  	_ =	swait.ge [sflag:s18], $0x1F40  }
0x46: {  	[sflag:s18] =	ssyncset.done $0x0  }
0x47: {  	[sflag:s18] =	ssyncadd.s32 $0xFFFFE0C0  }
0x48: {  	[spmem:s2] =	stream.indirect.scatter.add.bf16 [tilespmem:s15], [sflag:$0x5], $0x40, s13, s14, $0xb8;
	[tilespmem:$0x15820] =	vst v63  }
0x49: {  	_ = 	snop  }
0x4a: {  	[spmem:s3] =	stream.indirect.scatter.add.f32 [tilespmem:s19], [sflag:$0x9], $0x10, s13, s14, $0xb8;
	[tilespmem:$0x15820] =	vst v63  }
0x4b: {  	s24 =	rddreg [dreg:$0x9]  }
0x4c: {  	[tilespmem:s20], [sflag:$0x4] =	stream.indirect.gather [hbm4b:s5+s14], $0x40, s24, s14, $0xb8;
	[tilespmem:$0x15820] =	vst v63  }
0x4d: {  	_ =	swait.ge [sflag:s21], $0x1F40  }
0x4e: {  	[sflag:s21] =	ssyncset.done $0x0  }
0x4f: {  	[sflag:s21] =	ssyncadd.s32 $0xFFFFE0C0  }
0x50: {  	[spmem:s2] =	stream.indirect.scatter.add.bf16 [tilespmem:s16], [sflag:$0x6], $0x40, s12, s14, $0xb8;
	[tilespmem:$0x15820] =	vst v63  }
0x51: {  	_ = 	snop  }
0x52: {  	[spmem:s3] =	stream.indirect.scatter.add.f32 [tilespmem:s19], [sflag:$0x9], $0x10, s12, s14, $0xb8;
	[tilespmem:$0x15820] =	vst v63  }
0x53: {  	_ =	swait.ge [sflag:s25], $0x1F40  }
0x54: {  	[sflag:s25] =	ssyncset.done $0x0  }
0x55: {  	s4 =	rddreg [dreg:$0xa];
	[sflag:s25] =	ssyncadd.s32 $0xFFFFE0C0  }
0x56: {  	[tilespmem:s15], [sflag:$0x1] =	stream.indirect.gather [hbm4b:s5+s14], $0x40, s4, s14, $0xb8;
	[tilespmem:$0x15820] =	vst v63  }
0x57: {  	_ =	swait.ge [sflag:s26], $0x1F40  }
0x58: {  	[sflag:s26] =	ssyncset.done $0x0  }
0x59: {  	[sflag:s26] =	ssyncadd.s32 $0xFFFFE0C0  }
0x5a: {  	[spmem:s2] =	stream.indirect.scatter.add.bf16 [tilespmem:s17], [sflag:$0x7], $0x40, s8, s14, $0xb8;
	[tilespmem:$0x15820] =	vst v63  }
0x5b: {  	_ = 	snop  }
0x5c: {  	[spmem:s3] =	stream.indirect.scatter.add.f32 [tilespmem:s19], [sflag:$0x9], $0x10, s8, s14, $0xb8;
	[tilespmem:$0x15820] =	vst v63  }
0x5d: {  	_ =	swait.ge [sflag:s29], $0x1F40  }
0x5e: {  	[sflag:s29] =	ssyncset.done $0x0  }
0x5f: {  	s10 =	rddreg [dreg:$0xb];
	[sflag:s29] =	ssyncadd.s32 $0xFFFFE0C0  }
0x60: {  	[tilespmem:s16], [sflag:$0x2] =	stream.indirect.gather [hbm4b:s5+s14], $0x40, s10, s14, $0xb8;
	[tilespmem:$0x15820] =	vst v63  }
0x61: {  	_ =	swait.ge [sflag:s30], $0x1F40  }
0x62: {  	[sflag:s30] =	ssyncset.done $0x0  }
0x63: {  	[sflag:s30] =	ssyncadd.s32 $0xFFFFE0C0  }
0x64: {  	[spmem:s2] =	stream.indirect.scatter.add.bf16 [tilespmem:s20], [sflag:$0x8], $0x40, s23, s14, $0xb8;
	[tilespmem:$0x15820] =	vst v63  }
0x65: {  	_ = 	snop  }
0x66: {  	[spmem:s3] =	stream.indirect.scatter.add.f32 [tilespmem:s19], [sflag:$0x9], $0x10, s23, s14, $0xb8;
	[tilespmem:$0x15820] =	vst v63  }
0x67: {  	_ =	swait.ge [sflag:s1], $0x1F40  }
0x68: {  	[sflag:s1] =	ssyncset.done $0x0  }
0x69: {  	s22 =	rddreg [dreg:$0xc];
	[sflag:s1] =	ssyncadd.s32 $0xFFFFE0C0  }
0x6a: {  	[tilespmem:s17], [sflag:$0x3] =	stream.indirect.gather [hbm4b:s5+s14], $0x40, s22, s14, $0xb8;
	[tilespmem:$0x15820] =	vst v63  }
0x6b: {  	_ =	swait.ge [sflag:s18], $0x1F40  }
0x6c: {  	[sflag:s18] =	ssyncset.done $0x0  }
0x6d: {  	[sflag:s18] =	ssyncadd.s32 $0xFFFFE0C0  }
0x6e: {  	[spmem:s2] =	stream.indirect.scatter.add.bf16 [tilespmem:s15], [sflag:$0x5], $0x40, s28, s14, $0xb8;
	[tilespmem:$0x15820] =	vst v63  }
0x6f: {  	_ = 	snop  }
0x70: {  	[spmem:s3] =	stream.indirect.scatter.add.f32 [tilespmem:s19], [sflag:$0x9], $0x10, s28, s14, $0xb8;
	[tilespmem:$0x15820] =	vst v63  }
0x71: {  	_ =	swait.ge [sflag:s6], $0x1F40  }
0x72: {  	[sflag:s6] =	ssyncset.done $0x0  }
0x73: {  	s24 =	rddreg [dreg:$0xd];
	[sflag:s6] =	ssyncadd.s32 $0xFFFFE0C0  }
0x74: {  	[tilespmem:s20], [sflag:$0x4] =	stream.indirect.gather [hbm4b:s5+s14], $0x40, s24, s14, $0xb8;
	[tilespmem:$0x15820] =	vst v63  }
0x75: {  	_ =	swait.ge [sflag:s21], $0x1F40  }
0x76: {  	[sflag:s21] =	ssyncset.done $0x0  }
0x77: {  	[sflag:s21] =	ssyncadd.s32 $0xFFFFE0C0  }
0x78: {  	[spmem:s2] =	stream.indirect.scatter.add.bf16 [tilespmem:s16], [sflag:$0x6], $0x40, s31, s14, $0xb8;
	[tilespmem:$0x15820] =	vst v63  }
0x79: {  	_ = 	snop  }
0x7a: {  	[spmem:s3] =	stream.indirect.scatter.add.f32 [tilespmem:s19], [sflag:$0x9], $0x10, s31, s14, $0xb8;
	[tilespmem:$0x15820] =	vst v63  }
0x7b: {  	_ =	swait.ge [sflag:s25], $0x1F40  }
0x7c: {  	[sflag:s25] =	ssyncset.done $0x0  }
0x7d: {  	s4 =	rddreg [dreg:$0xe];
	[sflag:s25] =	ssyncadd.s32 $0xFFFFE0C0  }
0x7e: {  	[tilespmem:s15], [sflag:$0x1] =	stream.indirect.gather [hbm4b:s5+s14], $0x40, s4, s14, $0xb8;
	[tilespmem:$0x15820] =	vst v63  }
0x7f: {  	_ =	swait.ge [sflag:s26], $0x1F40  }
0x80: {  	[sflag:s26] =	ssyncset.done $0x0  }
0x81: {  	s4 =	simm.s32 $0xB00;
	[sflag:s26] =	ssyncadd.s32 $0xFFFFE0C0  }
0x82: {  	[spmem:s2] =	stream.indirect.scatter.add.bf16 [tilespmem:s17], [sflag:$0x7], $0x40, s4, s14, $0xb8;
	[tilespmem:$0x15820] =	vst v63  }
0x83: {  	_ = 	snop  }
0x84: {  	[spmem:s3] =	stream.indirect.scatter.add.f32 [tilespmem:s19], [sflag:$0x9], $0x10, s4, s14, $0xb8;
	[tilespmem:$0x15820] =	vst v63  }
0x85: {  	_ =	swait.ge [sflag:s29], $0x1F40  }
0x86: {  	[sflag:s29] =	ssyncset.done $0x0  }
0x87: {  	s10 =	rddreg [dreg:$0xf];
	[sflag:s29] =	ssyncadd.s32 $0xFFFFE0C0  }
0x88: {  	[tilespmem:s16], [sflag:$0x2] =	stream.indirect.gather [hbm4b:s5+s14], $0x40, s10, s14, $0xb8;
	[tilespmem:$0x15820] =	vst v63  }
0x89: {  	_ =	swait.ge [sflag:s30], $0x1F40  }
0x8a: {  	[sflag:s30] =	ssyncset.done $0x0  }
0x8b: {  	s4 =	simm.s32 $0xB80;
	[sflag:s30] =	ssyncadd.s32 $0xFFFFE0C0  }
0x8c: {  	[spmem:s2] =	stream.indirect.scatter.add.bf16 [tilespmem:s20], [sflag:$0x8], $0x40, s4, s14, $0xb8;
	[tilespmem:$0x15820] =	vst v63  }
0x8d: {  	_ = 	snop  }
0x8e: {  	[spmem:s3] =	stream.indirect.scatter.add.f32 [tilespmem:s19], [sflag:$0x9], $0x10, s4, s14, $0xb8;
	[tilespmem:$0x15820] =	vst v63  }
0x8f: {  	_ =	swait.ge [sflag:s1], $0x1F40  }
0x90: {  	[sflag:s1] =	ssyncset.done $0x0  }
0x91: {  	s22 =	rddreg [dreg:$0x10];
	[sflag:s1] =	ssyncadd.s32 $0xFFFFE0C0  }
0x92: {  	[tilespmem:s17], [sflag:$0x3] =	stream.indirect.gather [hbm4b:s5+s14], $0x40, s22, s14, $0xb8;
	[tilespmem:$0x15820] =	vst v63  }
0x93: {  	_ =	swait.ge [sflag:s18], $0x1F40  }
0x94: {  	[sflag:s18] =	ssyncset.done $0x0  }
0x95: {  	s24 =	simm.s32 $0xC00;
	[sflag:s18] =	ssyncadd.s32 $0xFFFFE0C0  }
0x96: {  	[spmem:s2] =	stream.indirect.scatter.add.bf16 [tilespmem:s15], [sflag:$0x5], $0x40, s24, s14, $0xb8;
	[tilespmem:$0x15820] =	vst v63  }
0x97: {  	_ = 	snop  }
0x98: {  	[spmem:s3] =	stream.indirect.scatter.add.f32 [tilespmem:s19], [sflag:$0x9], $0x10, s24, s14, $0xb8;
	[tilespmem:$0x15820] =	vst v63  }
0x99: {  	_ =	swait.ge [sflag:s6], $0x1F40  }
0x9a: {  	[sflag:s6] =	ssyncset.done $0x0  }
0x9b: {  	s10 =	rddreg [dreg:$0x11];
	[sflag:s6] =	ssyncadd.s32 $0xFFFFE0C0  }
0x9c: {  	[tilespmem:s20], [sflag:$0x4] =	stream.indirect.gather [hbm4b:s5+s14], $0x40, s10, s14, $0xb8;
	[tilespmem:$0x15820] =	vst v63  }
0x9d: {  	_ =	swait.ge [sflag:s21], $0x1F40  }
0x9e: {  	[sflag:s21] =	ssyncset.done $0x0  }
0x9f: {  	s22 =	simm.s32 $0xC80;
	[sflag:s21] =	ssyncadd.s32 $0xFFFFE0C0  }
0xa0: {  	[spmem:s2] =	stream.indirect.scatter.add.bf16 [tilespmem:s16], [sflag:$0x6], $0x40, s22, s14, $0xb8;
	[tilespmem:$0x15820] =	vst v63  }
0xa1: {  	_ = 	snop  }
0xa2: {  	[spmem:s3] =	stream.indirect.scatter.add.f32 [tilespmem:s19], [sflag:$0x9], $0x10, s22, s14, $0xb8;
	[tilespmem:$0x15820] =	vst v63  }
0xa3: {  	_ =	swait.ge [sflag:s25], $0x1F40  }
0xa4: {  	[sflag:s25] =	ssyncset.done $0x0  }
0xa5: {  	s24 =	rddreg [dreg:$0x12];
	[sflag:s25] =	ssyncadd.s32 $0xFFFFE0C0  }
0xa6: {  	[tilespmem:s15], [sflag:$0x1] =	stream.indirect.gather [hbm4b:s5+s14], $0x40, s24, s14, $0xb8;
	[tilespmem:$0x15820] =	vst v63  }
0xa7: {  	_ =	swait.ge [sflag:s26], $0x1F40  }
0xa8: {  	[sflag:s26] =	ssyncset.done $0x0  }
0xa9: {  	s10 =	simm.s32 $0xD00;
	[sflag:s26] =	ssyncadd.s32 $0xFFFFE0C0  }
0xaa: {  	[spmem:s2] =	stream.indirect.scatter.add.bf16 [tilespmem:s17], [sflag:$0x7], $0x40, s10, s14, $0xb8;
	[tilespmem:$0x15820] =	vst v63  }
0xab: {  	_ = 	snop  }
0xac: {  	[spmem:s3] =	stream.indirect.scatter.add.f32 [tilespmem:s19], [sflag:$0x9], $0x10, s10, s14, $0xb8;
	[tilespmem:$0x15820] =	vst v63  }
0xad: {  	_ =	swait.ge [sflag:s29], $0x1F40  }
0xae: {  	[sflag:s29] =	ssyncset.done $0x0  }
0xaf: {  	s22 =	rddreg [dreg:$0x13];
	[sflag:s29] =	ssyncadd.s32 $0xFFFFE0C0  }
0xb0: {  	[tilespmem:s16], [sflag:$0x2] =	stream.indirect.gather [hbm4b:s5+s14], $0x40, s22, s14, $0xb8;
	[tilespmem:$0x15820] =	vst v63  }
0xb1: {  	_ =	swait.ge [sflag:s30], $0x1F40  }
0xb2: {  	[sflag:s30] =	ssyncset.done $0x0  }
0xb3: {  	s24 =	simm.s32 $0xD80;
	[sflag:s30] =	ssyncadd.s32 $0xFFFFE0C0  }
0xb4: {  	[spmem:s2] =	stream.indirect.scatter.add.bf16 [tilespmem:s20], [sflag:$0x8], $0x40, s24, s14, $0xb8;
	[tilespmem:$0x15820] =	vst v63  }
0xb5: {  	_ = 	snop  }
0xb6: {  	[spmem:s3] =	stream.indirect.scatter.add.f32 [tilespmem:s19], [sflag:$0x9], $0x10, s24, s14, $0xb8;
	[tilespmem:$0x15820] =	vst v63  }
0xb7: {  	_ =	swait.ge [sflag:s1], $0x1F40  }
0xb8: {  	[sflag:s1] =	ssyncset.done $0x0  }
0xb9: {  	s10 =	rddreg [dreg:$0x14];
	[sflag:s1] =	ssyncadd.s32 $0xFFFFE0C0  }
0xba: {  	[tilespmem:s17], [sflag:$0x3] =	stream.indirect.gather [hbm4b:s5+s14], $0x40, s10, s14, $0xb8;
	[tilespmem:$0x15820] =	vst v63  }
0xbb: {  	_ =	swait.ge [sflag:s18], $0x1F40  }
0xbc: {  	[sflag:s18] =	ssyncset.done $0x0  }
0xbd: {  	s22 =	simm.s32 $0xE00;
	[sflag:s18] =	ssyncadd.s32 $0xFFFFE0C0  }
0xbe: {  	[spmem:s2] =	stream.indirect.scatter.add.bf16 [tilespmem:s15], [sflag:$0x5], $0x40, s22, s14, $0xb8;
	[tilespmem:$0x15820] =	vst v63  }
0xbf: {  	_ = 	snop  }
0xc0: {  	[spmem:s3] =	stream.indirect.scatter.add.f32 [tilespmem:s19], [sflag:$0x9], $0x10, s22, s14, $0xb8;
	[tilespmem:$0x15820] =	vst v63  }
0xc1: {  	_ =	swait.ge [sflag:s6], $0x1F40  }
0xc2: {  	[sflag:s6] =	ssyncset.done $0x0  }
0xc3: {  	s24 =	rddreg [dreg:$0x15];
	[sflag:s6] =	ssyncadd.s32 $0xFFFFE0C0  }
0xc4: {  	[tilespmem:s20], [sflag:$0x4] =	stream.indirect.gather [hbm4b:s5+s14], $0x40, s24, s14, $0xb8;
	[tilespmem:$0x15820] =	vst v63  }
0xc5: {  	_ =	swait.ge [sflag:s21], $0x1F40  }
0xc6: {  	[sflag:s21] =	ssyncset.done $0x0  }
0xc7: {  	s10 =	simm.s32 $0xE80;
	[sflag:s21] =	ssyncadd.s32 $0xFFFFE0C0  }
0xc8: {  	[spmem:s2] =	stream.indirect.scatter.add.bf16 [tilespmem:s16], [sflag:$0x6], $0x40, s10, s14, $0xb8;
	[tilespmem:$0x15820] =	vst v63  }
0xc9: {  	_ = 	snop  }
0xca: {  	[spmem:s3] =	stream.indirect.scatter.add.f32 [tilespmem:s19], [sflag:$0x9], $0x10, s10, s14, $0xb8;
	[tilespmem:$0x15820] =	vst v63  }
0xcb: {  	_ =	swait.ge [sflag:s25], $0x1F40  }
0xcc: {  	[sflag:s25] =	ssyncset.done $0x0  }
0xcd: {  	[sflag:s25] =	ssyncadd.s32 $0xFFFFE0C0  }
0xce: {  	_ =	swait.ge [sflag:s26], $0x1F40  }
0xcf: {  	[sflag:s26] =	ssyncset.done $0x0  }
0xd0: {  	s22 =	simm.s32 $0xF00;
	[sflag:s26] =	ssyncadd.s32 $0xFFFFE0C0  }
0xd1: {  	[spmem:s2] =	stream.indirect.scatter.add.bf16 [tilespmem:s17], [sflag:$0x7], $0x40, s22, s14, $0xb8;
	[tilespmem:$0x15820] =	vst v63  }
0xd2: {  	_ = 	snop  }
0xd3: {  	[spmem:s3] =	stream.indirect.scatter.add.f32 [tilespmem:s19], [sflag:$0x9], $0x10, s22, s14, $0xb8;
	[tilespmem:$0x15820] =	vst v63  }
0xd4: {  	_ =	swait.ge [sflag:s29], $0x1F40  }
0xd5: {  	[sflag:s29] =	ssyncset.done $0x0  }
0xd6: {  	[sflag:s29] =	ssyncadd.s32 $0xFFFFE0C0  }
0xd7: {  	_ =	swait.ge [sflag:s30], $0x1F40  }
0xd8: {  	[sflag:s30] =	ssyncset.done $0x0  }
0xd9: {  	s24 =	simm.s32 $0xF80;
	[sflag:s30] =	ssyncadd.s32 $0xFFFFE0C0  }
0xda: {  	[spmem:s2] =	stream.indirect.scatter.add.bf16 [tilespmem:s20], [sflag:$0x8], $0x40, s24, s14, $0xb8;
	[tilespmem:$0x15820] =	vst v63  }
0xdb: {  	_ = 	snop  }
0xdc: {  	[spmem:s3] =	stream.indirect.scatter.add.f32 [tilespmem:s19], [sflag:$0x9], $0x10, s24, s14, $0xb8;
	[tilespmem:$0x15820] =	vst v63  }
0xdd: {  	_ =	swait.ge [sflag:s1], $0x1F40  }
0xde: {  	[sflag:s1] =	ssyncset.done $0x0  }
0xdf: {  	[sflag:s1] =	ssyncadd.s32 $0xFFFFE0C0  }
0xe0: {  	_ =	swait.ge [sflag:s6], $0x1F40  }
0xe1: {  	[sflag:s6] =	ssyncset.done $0x0  }
0xe2: {  	[sflag:s6] =	ssyncadd.s32 $0xFFFFE0C0  }
0xe3: {  	_ =	swait.ge [sflag:s7], $0x7D0  }
0xe4: {  	[sflag:s7] =	ssyncset.done $0x0  }
0xe5: {  	[sflag:s7] =	ssyncadd.s32 $0xFFFFF830  }
0xe6: {  	_ =	swait.ge [sflag:s7], $0x7D0  }
0xe7: {  	[sflag:s7] =	ssyncset.done $0x0  }
0xe8: {  	[sflag:s7] =	ssyncadd.s32 $0xFFFFF830  }
0xe9: {  	_ =	swait.ge [sflag:s7], $0x7D0  }
0xea: {  	[sflag:s7] =	ssyncset.done $0x0  }
0xeb: {  	[sflag:s7] =	ssyncadd.s32 $0xFFFFF830  }
0xec: {  	_ =	swait.ge [sflag:s7], $0x7D0  }
0xed: {  	[sflag:s7] =	ssyncset.done $0x0  }
0xee: {  	[sflag:s7] =	ssyncadd.s32 $0xFFFFF830  }
0xef: {  	_ =	swait.ge [sflag:s7], $0x7D0  }
0xf0: {  	[sflag:s7] =	ssyncset.done $0x0  }
0xf1: {  	[sflag:s7] =	ssyncadd.s32 $0xFFFFF830  }
0xf2: {  	_ =	swait.ge [sflag:s7], $0x7D0  }
0xf3: {  	[sflag:s7] =	ssyncset.done $0x0  }
0xf4: {  	[sflag:s7] =	ssyncadd.s32 $0xFFFFF830  }
0xf5: {  	_ =	swait.ge [sflag:s7], $0x7D0  }
0xf6: {  	[sflag:s7] =	ssyncset.done $0x0  }
0xf7: {  	[sflag:s7] =	ssyncadd.s32 $0xFFFFF830  }
0xf8: {  	_ =	swait.ge [sflag:s7], $0x7D0  }
0xf9: {  	[sflag:s7] =	ssyncset.done $0x0  }
0xfa: {  	[sflag:s7] =	ssyncadd.s32 $0xFFFFF830  }
0xfb: {  	_ =	swait.ge [sflag:s7], $0x7D0  }
0xfc: {  	[sflag:s7] =	ssyncset.done $0x0  }
0xfd: {  	[sflag:s7] =	ssyncadd.s32 $0xFFFFF830  }
0xfe: {  	_ =	swait.ge [sflag:s7], $0x7D0  }
0xff: {  	[sflag:s7] =	ssyncset.done $0x0  }
0x100: {  	[sflag:s7] =	ssyncadd.s32 $0xFFFFF830  }
0x101: {  	_ =	swait.ge [sflag:s7], $0x7D0  }
0x102: {  	[sflag:s7] =	ssyncset.done $0x0  }
0x103: {  	[sflag:s7] =	ssyncadd.s32 $0xFFFFF830  }
0x104: {  	_ =	swait.ge [sflag:s7], $0x7D0  }
0x105: {  	[sflag:s7] =	ssyncset.done $0x0  }
0x106: {  	[sflag:s7] =	ssyncadd.s32 $0xFFFFF830  }
0x107: {  	_ =	swait.ge [sflag:s7], $0x7D0  }
0x108: {  	[sflag:s7] =	ssyncset.done $0x0  }
0x109: {  	[sflag:s7] =	ssyncadd.s32 $0xFFFFF830  }
0x10a: {  	_ =	swait.ge [sflag:s7], $0x7D0  }
0x10b: {  	[sflag:s7] =	ssyncset.done $0x0  }
0x10c: {  	[sflag:s7] =	ssyncadd.s32 $0xFFFFF830  }
0x10d: {  	_ =	swait.ge [sflag:s7], $0x7D0  }
0x10e: {  	[sflag:s7] =	ssyncset.done $0x0  }
0x10f: {  	[sflag:s7] =	ssyncadd.s32 $0xFFFFF830  }
0x110: {  	s9 =	simm.s32 $0x100;
	_ =	swait.ge [sflag:s7], $0x7D0  }
0x111: {  	s22 =	simm.s32 $0x200;
	s24 =	rddreg [dreg:$0x5];
	[sflag:s7] =	ssyncset.done $0x0  }
.LBB2_4:
0x112: {  	[sflag:s7] =	ssyncadd.s32 $0xFFFFF830;
	s24 =	sadd.s32 s9, s24  }
0x113: {  	[tilespmem:s0], [sflag:$0xA] =	stream.linear.gather [hbm4b:s24+s0], $0x800, $0x38;
	[tilespmem:$0x15820] =	vst v63  }
0x114: {  	_ =	swait.ge [sflag:s11], $0x800  }
0x115: {  	s24 =	rddreg [dreg:$0x6];
	[sflag:s11] =	ssyncset.done $0x0  }
0x116: {  	[sflag:s11] =	ssyncadd.s32 $0xFFFFF800;
	s24 =	sadd.s32 s9, s24  }
0x117: {  	[tilespmem:s13], [sflag:$0xA] =	stream.linear.gather [hbm4b:s24+s0], $0x800, $0x38;
	[tilespmem:$0x15820] =	vst v63  }
0x118: {  	_ =	swait.ge [sflag:s11], $0x800  }
0x119: {  	[sflag:s11] =	ssyncset.done $0x0  }
0x11a: {  	s10 =	smov.u32 s22;
	[sflag:s11] =	ssyncadd.s32 $0xFFFFF800  }
0x11b: {  	[tilespmem:s15], [sflag:$0x1] =	stream.indirect.gather [hbm4b:s5+s14], $0x40, s0, s14, $0xb8;
	[tilespmem:$0x15820] =	vst v63  }
0x11c: {  	s9 =	smov.u32 s10;
	s10 =	rddreg [dreg:$0x7]  }
0x11d: {  	[tilespmem:s16], [sflag:$0x2] =	stream.indirect.gather [hbm4b:s5+s14], $0x40, s10, s14, $0xb8;
	[tilespmem:$0x15820] =	vst v63  }
0x11e: {  	s24 =	rddreg [dreg:$0x8]  }
0x11f: {  	[tilespmem:s17], [sflag:$0x3] =	stream.indirect.gather [hbm4b:s5+s14], $0x40, s24, s14, $0xb8;
	[tilespmem:$0x15820] =	vst v63  }
0x120: {  	_ =	swait.ge [sflag:s18], $0x1F40  }
0x121: {  	[sflag:s18] =	ssyncset.done $0x0  }
0x122: {  	[sflag:s18] =	ssyncadd.s32 $0xFFFFE0C0  }
0x123: {  	[spmem:s2] =	stream.indirect.scatter.add.bf16 [tilespmem:s15], [sflag:$0x5], $0x40, s13, s14, $0xb8;
	[tilespmem:$0x15820] =	vst v63  }
0x124: {  	_ = 	snop  }
0x125: {  	[spmem:s3] =	stream.indirect.scatter.add.f32 [tilespmem:s19], [sflag:$0x9], $0x10, s13, s14, $0xb8;
	[tilespmem:$0x15820] =	vst v63  }
0x126: {  	s24 =	rddreg [dreg:$0x9]  }
0x127: {  	[tilespmem:s20], [sflag:$0x4] =	stream.indirect.gather [hbm4b:s5+s14], $0x40, s24, s14, $0xb8;
	[tilespmem:$0x15820] =	vst v63  }
0x128: {  	_ =	swait.ge [sflag:s21], $0x1F40  }
0x129: {  	[sflag:s21] =	ssyncset.done $0x0  }
0x12a: {  	[sflag:s21] =	ssyncadd.s32 $0xFFFFE0C0  }
0x12b: {  	[spmem:s2] =	stream.indirect.scatter.add.bf16 [tilespmem:s16], [sflag:$0x6], $0x40, s12, s14, $0xb8;
	[tilespmem:$0x15820] =	vst v63  }
0x12c: {  	_ = 	snop  }
0x12d: {  	[spmem:s3] =	stream.indirect.scatter.add.f32 [tilespmem:s19], [sflag:$0x9], $0x10, s12, s14, $0xb8;
	[tilespmem:$0x15820] =	vst v63  }
0x12e: {  	_ =	swait.ge [sflag:s25], $0x1F40  }
0x12f: {  	[sflag:s25] =	ssyncset.done $0x0  }
0x130: {  	s24 =	rddreg [dreg:$0xa];
	[sflag:s25] =	ssyncadd.s32 $0xFFFFE0C0  }
0x131: {  	[tilespmem:s15], [sflag:$0x1] =	stream.indirect.gather [hbm4b:s5+s14], $0x40, s24, s14, $0xb8;
	[tilespmem:$0x15820] =	vst v63  }
0x132: {  	_ =	swait.ge [sflag:s26], $0x1F40  }
0x133: {  	[sflag:s26] =	ssyncset.done $0x0  }
0x134: {  	[sflag:s26] =	ssyncadd.s32 $0xFFFFE0C0  }
0x135: {  	[spmem:s2] =	stream.indirect.scatter.add.bf16 [tilespmem:s17], [sflag:$0x7], $0x40, s8, s14, $0xb8;
	[tilespmem:$0x15820] =	vst v63  }
0x136: {  	_ = 	snop  }
0x137: {  	[spmem:s3] =	stream.indirect.scatter.add.f32 [tilespmem:s19], [sflag:$0x9], $0x10, s8, s14, $0xb8;
	[tilespmem:$0x15820] =	vst v63  }
0x138: {  	_ =	swait.ge [sflag:s29], $0x1F40  }
0x139: {  	[sflag:s29] =	ssyncset.done $0x0  }
0x13a: {  	s24 =	rddreg [dreg:$0xb];
	[sflag:s29] =	ssyncadd.s32 $0xFFFFE0C0  }
0x13b: {  	[tilespmem:s16], [sflag:$0x2] =	stream.indirect.gather [hbm4b:s5+s14], $0x40, s24, s14, $0xb8;
	[tilespmem:$0x15820] =	vst v63  }
0x13c: {  	_ =	swait.ge [sflag:s30], $0x1F40  }
0x13d: {  	[sflag:s30] =	ssyncset.done $0x0  }
0x13e: {  	[sflag:s30] =	ssyncadd.s32 $0xFFFFE0C0  }
0x13f: {  	[spmem:s2] =	stream.indirect.scatter.add.bf16 [tilespmem:s20], [sflag:$0x8], $0x40, s23, s14, $0xb8;
	[tilespmem:$0x15820] =	vst v63  }
0x140: {  	_ = 	snop  }
0x141: {  	[spmem:s3] =	stream.indirect.scatter.add.f32 [tilespmem:s19], [sflag:$0x9], $0x10, s23, s14, $0xb8;
	[tilespmem:$0x15820] =	vst v63  }
0x142: {  	_ =	swait.ge [sflag:s1], $0x1F40  }
0x143: {  	[sflag:s1] =	ssyncset.done $0x0  }
0x144: {  	s24 =	rddreg [dreg:$0xc];
	[sflag:s1] =	ssyncadd.s32 $0xFFFFE0C0  }
0x145: {  	[tilespmem:s17], [sflag:$0x3] =	stream.indirect.gather [hbm4b:s5+s14], $0x40, s24, s14, $0xb8;
	[tilespmem:$0x15820] =	vst v63  }
0x146: {  	_ =	swait.ge [sflag:s18], $0x1F40  }
0x147: {  	[sflag:s18] =	ssyncset.done $0x0  }
0x148: {  	[sflag:s18] =	ssyncadd.s32 $0xFFFFE0C0  }
0x149: {  	[spmem:s2] =	stream.indirect.scatter.add.bf16 [tilespmem:s15], [sflag:$0x5], $0x40, s28, s14, $0xb8;
	[tilespmem:$0x15820] =	vst v63  }
0x14a: {  	_ = 	snop  }
0x14b: {  	[spmem:s3] =	stream.indirect.scatter.add.f32 [tilespmem:s19], [sflag:$0x9], $0x10, s28, s14, $0xb8;
	[tilespmem:$0x15820] =	vst v63  }
0x14c: {  	_ =	swait.ge [sflag:s6], $0x1F40  }
0x14d: {  	[sflag:s6] =	ssyncset.done $0x0  }
0x14e: {  	s24 =	rddreg [dreg:$0xd];
	[sflag:s6] =	ssyncadd.s32 $0xFFFFE0C0  }
0x14f: {  	[tilespmem:s20], [sflag:$0x4] =	stream.indirect.gather [hbm4b:s5+s14], $0x40, s24, s14, $0xb8;
	[tilespmem:$0x15820] =	vst v63  }
0x150: {  	_ =	swait.ge [sflag:s21], $0x1F40  }
0x151: {  	[sflag:s21] =	ssyncset.done $0x0  }
0x152: {  	[sflag:s21] =	ssyncadd.s32 $0xFFFFE0C0  }
0x153: {  	[spmem:s2] =	stream.indirect.scatter.add.bf16 [tilespmem:s16], [sflag:$0x6], $0x40, s31, s14, $0xb8;
	[tilespmem:$0x15820] =	vst v63  }
0x154: {  	_ = 	snop  }
0x155: {  	[spmem:s3] =	stream.indirect.scatter.add.f32 [tilespmem:s19], [sflag:$0x9], $0x10, s31, s14, $0xb8;
	[tilespmem:$0x15820] =	vst v63  }
0x156: {  	_ =	swait.ge [sflag:s25], $0x1F40  }
0x157: {  	[sflag:s25] =	ssyncset.done $0x0  }
0x158: {  	s24 =	rddreg [dreg:$0xe];
	[sflag:s25] =	ssyncadd.s32 $0xFFFFE0C0  }
0x159: {  	[tilespmem:s15], [sflag:$0x1] =	stream.indirect.gather [hbm4b:s5+s14], $0x40, s24, s14, $0xb8;
	[tilespmem:$0x15820] =	vst v63  }
0x15a: {  	_ =	swait.ge [sflag:s26], $0x1F40  }
0x15b: {  	[sflag:s26] =	ssyncset.done $0x0  }
0x15c: {  	s24 =	simm.s32 $0xB00;
	[sflag:s26] =	ssyncadd.s32 $0xFFFFE0C0  }
0x15d: {  	[spmem:s2] =	stream.indirect.scatter.add.bf16 [tilespmem:s17], [sflag:$0x7], $0x40, s24, s14, $0xb8;
	[tilespmem:$0x15820] =	vst v63  }
0x15e: {  	_ = 	snop  }
0x15f: {  	[spmem:s3] =	stream.indirect.scatter.add.f32 [tilespmem:s19], [sflag:$0x9], $0x10, s24, s14, $0xb8;
	[tilespmem:$0x15820] =	vst v63  }
0x160: {  	_ =	swait.ge [sflag:s29], $0x1F40  }
0x161: {  	[sflag:s29] =	ssyncset.done $0x0  }
0x162: {  	s24 =	rddreg [dreg:$0xf];
	[sflag:s29] =	ssyncadd.s32 $0xFFFFE0C0  }
0x163: {  	[tilespmem:s16], [sflag:$0x2] =	stream.indirect.gather [hbm4b:s5+s14], $0x40, s24, s14, $0xb8;
	[tilespmem:$0x15820] =	vst v63  }
0x164: {  	_ =	swait.ge [sflag:s30], $0x1F40  }
0x165: {  	[sflag:s30] =	ssyncset.done $0x0  }
0x166: {  	[sflag:s30] =	ssyncadd.s32 $0xFFFFE0C0  }
0x167: {  	[spmem:s2] =	stream.indirect.scatter.add.bf16 [tilespmem:s20], [sflag:$0x8], $0x40, s4, s14, $0xb8;
	[tilespmem:$0x15820] =	vst v63  }
0x168: {  	_ = 	snop  }
0x169: {  	[spmem:s3] =	stream.indirect.scatter.add.f32 [tilespmem:s19], [sflag:$0x9], $0x10, s4, s14, $0xb8;
	[tilespmem:$0x15820] =	vst v63  }
0x16a: {  	_ =	swait.ge [sflag:s1], $0x1F40  }
0x16b: {  	[sflag:s1] =	ssyncset.done $0x0  }
0x16c: {  	s24 =	rddreg [dreg:$0x10];
	[sflag:s1] =	ssyncadd.s32 $0xFFFFE0C0  }
0x16d: {  	[tilespmem:s17], [sflag:$0x3] =	stream.indirect.gather [hbm4b:s5+s14], $0x40, s24, s14, $0xb8;
	[tilespmem:$0x15820] =	vst v63  }
0x16e: {  	_ =	swait.ge [sflag:s18], $0x1F40  }
0x16f: {  	[sflag:s18] =	ssyncset.done $0x0  }
0x170: {  	s24 =	simm.s32 $0xC00;
	[sflag:s18] =	ssyncadd.s32 $0xFFFFE0C0  }
0x171: {  	[spmem:s2] =	stream.indirect.scatter.add.bf16 [tilespmem:s15], [sflag:$0x5], $0x40, s24, s14, $0xb8;
	[tilespmem:$0x15820] =	vst v63  }
0x172: {  	_ = 	snop  }
0x173: {  	[spmem:s3] =	stream.indirect.scatter.add.f32 [tilespmem:s19], [sflag:$0x9], $0x10, s24, s14, $0xb8;
	[tilespmem:$0x15820] =	vst v63  }
0x174: {  	_ =	swait.ge [sflag:s6], $0x1F40  }
0x175: {  	[sflag:s6] =	ssyncset.done $0x0  }
0x176: {  	s24 =	rddreg [dreg:$0x11];
	[sflag:s6] =	ssyncadd.s32 $0xFFFFE0C0  }
0x177: {  	[tilespmem:s20], [sflag:$0x4] =	stream.indirect.gather [hbm4b:s5+s14], $0x40, s24, s14, $0xb8;
	[tilespmem:$0x15820] =	vst v63  }
0x178: {  	_ =	swait.ge [sflag:s21], $0x1F40  }
0x179: {  	[sflag:s21] =	ssyncset.done $0x0  }
0x17a: {  	s24 =	simm.s32 $0xC80;
	[sflag:s21] =	ssyncadd.s32 $0xFFFFE0C0  }
0x17b: {  	[spmem:s2] =	stream.indirect.scatter.add.bf16 [tilespmem:s16], [sflag:$0x6], $0x40, s24, s14, $0xb8;
	[tilespmem:$0x15820] =	vst v63  }
0x17c: {  	_ = 	snop  }
0x17d: {  	[spmem:s3] =	stream.indirect.scatter.add.f32 [tilespmem:s19], [sflag:$0x9], $0x10, s24, s14, $0xb8;
	[tilespmem:$0x15820] =	vst v63  }
0x17e: {  	_ =	swait.ge [sflag:s25], $0x1F40  }
0x17f: {  	[sflag:s25] =	ssyncset.done $0x0  }
0x180: {  	s24 =	rddreg [dreg:$0x12];
	[sflag:s25] =	ssyncadd.s32 $0xFFFFE0C0  }
0x181: {  	[tilespmem:s15], [sflag:$0x1] =	stream.indirect.gather [hbm4b:s5+s14], $0x40, s24, s14, $0xb8;
	[tilespmem:$0x15820] =	vst v63  }
0x182: {  	_ =	swait.ge [sflag:s26], $0x1F40  }
0x183: {  	[sflag:s26] =	ssyncset.done $0x0  }
0x184: {  	s24 =	simm.s32 $0xD00;
	[sflag:s26] =	ssyncadd.s32 $0xFFFFE0C0  }
0x185: {  	[spmem:s2] =	stream.indirect.scatter.add.bf16 [tilespmem:s17], [sflag:$0x7], $0x40, s24, s14, $0xb8;
	[tilespmem:$0x15820] =	vst v63  }
0x186: {  	_ = 	snop  }
0x187: {  	[spmem:s3] =	stream.indirect.scatter.add.f32 [tilespmem:s19], [sflag:$0x9], $0x10, s24, s14, $0xb8;
	[tilespmem:$0x15820] =	vst v63  }
0x188: {  	_ =	swait.ge [sflag:s29], $0x1F40  }
0x189: {  	[sflag:s29] =	ssyncset.done $0x0  }
0x18a: {  	s24 =	rddreg [dreg:$0x13];
	[sflag:s29] =	ssyncadd.s32 $0xFFFFE0C0  }
0x18b: {  	[tilespmem:s16], [sflag:$0x2] =	stream.indirect.gather [hbm4b:s5+s14], $0x40, s24, s14, $0xb8;
	[tilespmem:$0x15820] =	vst v63  }
0x18c: {  	_ =	swait.ge [sflag:s30], $0x1F40  }
0x18d: {  	[sflag:s30] =	ssyncset.done $0x0  }
0x18e: {  	s24 =	simm.s32 $0xD80;
	[sflag:s30] =	ssyncadd.s32 $0xFFFFE0C0  }
0x18f: {  	[spmem:s2] =	stream.indirect.scatter.add.bf16 [tilespmem:s20], [sflag:$0x8], $0x40, s24, s14, $0xb8;
	[tilespmem:$0x15820] =	vst v63  }
0x190: {  	_ = 	snop  }
0x191: {  	[spmem:s3] =	stream.indirect.scatter.add.f32 [tilespmem:s19], [sflag:$0x9], $0x10, s24, s14, $0xb8;
	[tilespmem:$0x15820] =	vst v63  }
0x192: {  	_ =	swait.ge [sflag:s1], $0x1F40  }
0x193: {  	[sflag:s1] =	ssyncset.done $0x0  }
0x194: {  	s24 =	rddreg [dreg:$0x14];
	[sflag:s1] =	ssyncadd.s32 $0xFFFFE0C0  }
0x195: {  	[tilespmem:s17], [sflag:$0x3] =	stream.indirect.gather [hbm4b:s5+s14], $0x40, s24, s14, $0xb8;
	[tilespmem:$0x15820] =	vst v63  }
0x196: {  	_ =	swait.ge [sflag:s18], $0x1F40  }
0x197: {  	[sflag:s18] =	ssyncset.done $0x0  }
0x198: {  	s24 =	simm.s32 $0xE00;
	[sflag:s18] =	ssyncadd.s32 $0xFFFFE0C0  }
0x199: {  	[spmem:s2] =	stream.indirect.scatter.add.bf16 [tilespmem:s15], [sflag:$0x5], $0x40, s24, s14, $0xb8;
	[tilespmem:$0x15820] =	vst v63  }
0x19a: {  	_ = 	snop  }
0x19b: {  	[spmem:s3] =	stream.indirect.scatter.add.f32 [tilespmem:s19], [sflag:$0x9], $0x10, s24, s14, $0xb8;
	[tilespmem:$0x15820] =	vst v63  }
0x19c: {  	_ =	swait.ge [sflag:s6], $0x1F40  }
0x19d: {  	[sflag:s6] =	ssyncset.done $0x0  }
0x19e: {  	s24 =	rddreg [dreg:$0x15];
	[sflag:s6] =	ssyncadd.s32 $0xFFFFE0C0  }
0x19f: {  	[tilespmem:s20], [sflag:$0x4] =	stream.indirect.gather [hbm4b:s5+s14], $0x40, s24, s14, $0xb8;
	[tilespmem:$0x15820] =	vst v63  }
0x1a0: {  	_ =	swait.ge [sflag:s21], $0x1F40  }
0x1a1: {  	[sflag:s21] =	ssyncset.done $0x0  }
0x1a2: {  	s24 =	simm.s32 $0xE80;
	[sflag:s21] =	ssyncadd.s32 $0xFFFFE0C0  }
0x1a3: {  	[spmem:s2] =	stream.indirect.scatter.add.bf16 [tilespmem:s16], [sflag:$0x6], $0x40, s24, s14, $0xb8;
	[tilespmem:$0x15820] =	vst v63  }
0x1a4: {  	_ = 	snop  }
0x1a5: {  	[spmem:s3] =	stream.indirect.scatter.add.f32 [tilespmem:s19], [sflag:$0x9], $0x10, s24, s14, $0xb8;
	[tilespmem:$0x15820] =	vst v63  }
0x1a6: {  	_ =	swait.ge [sflag:s25], $0x1F40  }
0x1a7: {  	[sflag:s25] =	ssyncset.done $0x0  }
0x1a8: {  	[sflag:s25] =	ssyncadd.s32 $0xFFFFE0C0  }
0x1a9: {  	_ =	swait.ge [sflag:s26], $0x1F40  }
0x1aa: {  	[sflag:s26] =	ssyncset.done $0x0  }
0x1ab: {  	s24 =	simm.s32 $0xF00;
	[sflag:s26] =	ssyncadd.s32 $0xFFFFE0C0  }
0x1ac: {  	[spmem:s2] =	stream.indirect.scatter.add.bf16 [tilespmem:s17], [sflag:$0x7], $0x40, s24, s14, $0xb8;
	[tilespmem:$0x15820] =	vst v63  }
0x1ad: {  	_ = 	snop  }
0x1ae: {  	[spmem:s3] =	stream.indirect.scatter.add.f32 [tilespmem:s19], [sflag:$0x9], $0x10, s24, s14, $0xb8;
	[tilespmem:$0x15820] =	vst v63  }
0x1af: {  	_ =	swait.ge [sflag:s29], $0x1F40  }
0x1b0: {  	[sflag:s29] =	ssyncset.done $0x0  }
0x1b1: {  	[sflag:s29] =	ssyncadd.s32 $0xFFFFE0C0  }
0x1b2: {  	_ =	swait.ge [sflag:s30], $0x1F40  }
0x1b3: {  	[sflag:s30] =	ssyncset.done $0x0  }
0x1b4: {  	s24 =	simm.s32 $0xF80;
	[sflag:s30] =	ssyncadd.s32 $0xFFFFE0C0  }
0x1b5: {  	[spmem:s2] =	stream.indirect.scatter.add.bf16 [tilespmem:s20], [sflag:$0x8], $0x40, s24, s14, $0xb8;
	[tilespmem:$0x15820] =	vst v63  }
0x1b6: {  	_ = 	snop  }
0x1b7: {  	[spmem:s3] =	stream.indirect.scatter.add.f32 [tilespmem:s19], [sflag:$0x9], $0x10, s24, s14, $0xb8;
	[tilespmem:$0x15820] =	vst v63  }
0x1b8: {  	_ =	swait.ge [sflag:s1], $0x1F40  }
0x1b9: {  	[sflag:s1] =	ssyncset.done $0x0  }
0x1ba: {  	[sflag:s1] =	ssyncadd.s32 $0xFFFFE0C0  }
0x1bb: {  	_ =	swait.ge [sflag:s6], $0x1F40  }
0x1bc: {  	[sflag:s6] =	ssyncset.done $0x0  }
0x1bd: {  	[sflag:s6] =	ssyncadd.s32 $0xFFFFE0C0  }
0x1be: {  	_ =	swait.ge [sflag:s7], $0x7D0  }
0x1bf: {  	[sflag:s7] =	ssyncset.done $0x0  }
0x1c0: {  	[sflag:s7] =	ssyncadd.s32 $0xFFFFF830  }
0x1c1: {  	_ =	swait.ge [sflag:s7], $0x7D0  }
0x1c2: {  	[sflag:s7] =	ssyncset.done $0x0  }
0x1c3: {  	[sflag:s7] =	ssyncadd.s32 $0xFFFFF830  }
0x1c4: {  	_ =	swait.ge [sflag:s7], $0x7D0  }
0x1c5: {  	[sflag:s7] =	ssyncset.done $0x0  }
0x1c6: {  	[sflag:s7] =	ssyncadd.s32 $0xFFFFF830  }
0x1c7: {  	_ =	swait.ge [sflag:s7], $0x7D0  }
0x1c8: {  	[sflag:s7] =	ssyncset.done $0x0  }
0x1c9: {  	[sflag:s7] =	ssyncadd.s32 $0xFFFFF830  }
0x1ca: {  	_ =	swait.ge [sflag:s7], $0x7D0  }
0x1cb: {  	[sflag:s7] =	ssyncset.done $0x0  }
0x1cc: {  	[sflag:s7] =	ssyncadd.s32 $0xFFFFF830  }
0x1cd: {  	_ =	swait.ge [sflag:s7], $0x7D0  }
0x1ce: {  	[sflag:s7] =	ssyncset.done $0x0  }
0x1cf: {  	[sflag:s7] =	ssyncadd.s32 $0xFFFFF830  }
0x1d0: {  	_ =	swait.ge [sflag:s7], $0x7D0  }
0x1d1: {  	[sflag:s7] =	ssyncset.done $0x0  }
0x1d2: {  	[sflag:s7] =	ssyncadd.s32 $0xFFFFF830  }
0x1d3: {  	_ =	swait.ge [sflag:s7], $0x7D0  }
0x1d4: {  	[sflag:s7] =	ssyncset.done $0x0  }
0x1d5: {  	[sflag:s7] =	ssyncadd.s32 $0xFFFFF830  }
0x1d6: {  	_ =	swait.ge [sflag:s7], $0x7D0  }
0x1d7: {  	[sflag:s7] =	ssyncset.done $0x0  }
0x1d8: {  	[sflag:s7] =	ssyncadd.s32 $0xFFFFF830  }
0x1d9: {  	_ =	swait.ge [sflag:s7], $0x7D0  }
0x1da: {  	[sflag:s7] =	ssyncset.done $0x0  }
0x1db: {  	[sflag:s7] =	ssyncadd.s32 $0xFFFFF830  }
0x1dc: {  	_ =	swait.ge [sflag:s7], $0x7D0  }
0x1dd: {  	[sflag:s7] =	ssyncset.done $0x0  }
0x1de: {  	[sflag:s7] =	ssyncadd.s32 $0xFFFFF830  }
0x1df: {  	_ =	swait.ge [sflag:s7], $0x7D0  }
0x1e0: {  	[sflag:s7] =	ssyncset.done $0x0  }
0x1e1: {  	[sflag:s7] =	ssyncadd.s32 $0xFFFFF830  }
0x1e2: {  	_ =	swait.ge [sflag:s7], $0x7D0  }
0x1e3: {  	[sflag:s7] =	ssyncset.done $0x0  }
0x1e4: {  	[sflag:s7] =	ssyncadd.s32 $0xFFFFF830  }
0x1e5: {  	_ =	swait.ge [sflag:s7], $0x7D0  }
0x1e6: {  	[sflag:s7] =	ssyncset.done $0x0  }
0x1e7: {  	p0 =	sne.s32 s22, $0x400;
	[sflag:s7] =	ssyncadd.s32 $0xFFFFF830  }
.Ltmp1:
0x1e8: {  	_ =	swait.ge [sflag:s7], $0x7D0;
	(pc) =	sbr.rel @p0 .LBB2_4-.Ltmp1, $4  }
0x1e9: {  	[sflag:s7] =	ssyncset.done $0x0  }
0x1ea: {  	[sflag:s7] =	ssyncadd.s32 $0xFFFFF830  }
0x1eb: {  	_ =	swait.ge [sflag:s7], $0x7D0  }
0x1ec: {  	s22 =	sadd.s32 $0x100, s22;
	s24 =	rddreg [dreg:$0x5];
	[sflag:s7] =	ssyncset.done $0x0  }
0x1ed: {  	[sflag:s7] =	ssyncadd.s32 $0xFFFFF830;
	s10 =	sadd.s32 s9, s24  }
0x1ee: {  	[tilespmem:s0], [sflag:$0xA] =	stream.linear.gather [hbm4b:s10+s0], $0x800, $0x38;
	[tilespmem:$0x15820] =	vst v63  }
0x1ef: {  	_ =	swait.ge [sflag:s11], $0x800  }
0x1f0: {  	s22 =	rddreg [dreg:$0x6];
	[sflag:s11] =	ssyncset.done $0x0  }
0x1f1: {  	[sflag:s11] =	ssyncadd.s32 $0xFFFFF800;
	s24 =	sadd.s32 s9, s22  }
0x1f2: {  	[tilespmem:s13], [sflag:$0xA] =	stream.linear.gather [hbm4b:s24+s0], $0x800, $0x38;
	[tilespmem:$0x15820] =	vst v63  }
0x1f3: {  	_ =	swait.ge [sflag:s11], $0x800  }
0x1f4: {  	[sflag:s11] =	ssyncset.done $0x0  }
0x1f5: {  	[sflag:s11] =	ssyncadd.s32 $0xFFFFF800  }
0x1f6: {  	[tilespmem:s15], [sflag:$0x1] =	stream.indirect.gather [hbm4b:s5+s14], $0x40, s0, s14, $0xb8;
	[tilespmem:$0x15820] =	vst v63  }
0x1f7: {  	s10 =	rddreg [dreg:$0x7]  }
0x1f8: {  	[tilespmem:s16], [sflag:$0x2] =	stream.indirect.gather [hbm4b:s5+s14], $0x40, s10, s14, $0xb8;
	[tilespmem:$0x15820] =	vst v63  }
0x1f9: {  	s22 =	rddreg [dreg:$0x8]  }
0x1fa: {  	[tilespmem:s17], [sflag:$0x3] =	stream.indirect.gather [hbm4b:s5+s14], $0x40, s22, s14, $0xb8;
	[tilespmem:$0x15820] =	vst v63  }
0x1fb: {  	_ =	swait.ge [sflag:s18], $0x1F40  }
0x1fc: {  	[sflag:s18] =	ssyncset.done $0x0  }
0x1fd: {  	[sflag:s18] =	ssyncadd.s32 $0xFFFFE0C0  }
0x1fe: {  	[spmem:s2] =	stream.indirect.scatter.add.bf16 [tilespmem:s15], [sflag:$0x5], $0x40, s13, s14, $0xb8;
	[tilespmem:$0x15820] =	vst v63  }
0x1ff: {  	_ = 	snop  }
0x200: {  	[spmem:s3] =	stream.indirect.scatter.add.f32 [tilespmem:s19], [sflag:$0x9], $0x10, s13, s14, $0xb8;
	[tilespmem:$0x15820] =	vst v63  }
0x201: {  	s24 =	rddreg [dreg:$0x9]  }
0x202: {  	[tilespmem:s20], [sflag:$0x4] =	stream.indirect.gather [hbm4b:s5+s14], $0x40, s24, s14, $0xb8;
	[tilespmem:$0x15820] =	vst v63  }
0x203: {  	_ =	swait.ge [sflag:s21], $0x1F40  }
0x204: {  	[sflag:s21] =	ssyncset.done $0x0  }
0x205: {  	[sflag:s21] =	ssyncadd.s32 $0xFFFFE0C0  }
0x206: {  	[spmem:s2] =	stream.indirect.scatter.add.bf16 [tilespmem:s16], [sflag:$0x6], $0x40, s12, s14, $0xb8;
	[tilespmem:$0x15820] =	vst v63  }
0x207: {  	_ = 	snop  }
0x208: {  	[spmem:s3] =	stream.indirect.scatter.add.f32 [tilespmem:s19], [sflag:$0x9], $0x10, s12, s14, $0xb8;
	[tilespmem:$0x15820] =	vst v63  }
0x209: {  	_ =	swait.ge [sflag:s25], $0x1F40  }
0x20a: {  	[sflag:s25] =	ssyncset.done $0x0  }
0x20b: {  	s0 =	rddreg [dreg:$0xa];
	[sflag:s25] =	ssyncadd.s32 $0xFFFFE0C0  }
0x20c: {  	[tilespmem:s15], [sflag:$0x1] =	stream.indirect.gather [hbm4b:s5+s14], $0x40, s0, s14, $0xb8;
	[tilespmem:$0x15820] =	vst v63  }
0x20d: {  	_ =	swait.ge [sflag:s26], $0x1F40  }
0x20e: {  	[sflag:s26] =	ssyncset.done $0x0  }
0x20f: {  	[sflag:s26] =	ssyncadd.s32 $0xFFFFE0C0  }
0x210: {  	[spmem:s2] =	stream.indirect.scatter.add.bf16 [tilespmem:s17], [sflag:$0x7], $0x40, s8, s14, $0xb8;
	[tilespmem:$0x15820] =	vst v63  }
0x211: {  	_ = 	snop  }
0x212: {  	[spmem:s3] =	stream.indirect.scatter.add.f32 [tilespmem:s19], [sflag:$0x9], $0x10, s8, s14, $0xb8;
	[tilespmem:$0x15820] =	vst v63  }
0x213: {  	_ =	swait.ge [sflag:s29], $0x1F40  }
0x214: {  	[sflag:s29] =	ssyncset.done $0x0  }
0x215: {  	s10 =	rddreg [dreg:$0xb];
	[sflag:s29] =	ssyncadd.s32 $0xFFFFE0C0  }
0x216: {  	[tilespmem:s16], [sflag:$0x2] =	stream.indirect.gather [hbm4b:s5+s14], $0x40, s10, s14, $0xb8;
	[tilespmem:$0x15820] =	vst v63  }
0x217: {  	_ =	swait.ge [sflag:s30], $0x1F40  }
0x218: {  	[sflag:s30] =	ssyncset.done $0x0  }
0x219: {  	[sflag:s30] =	ssyncadd.s32 $0xFFFFE0C0  }
0x21a: {  	[spmem:s2] =	stream.indirect.scatter.add.bf16 [tilespmem:s20], [sflag:$0x8], $0x40, s23, s14, $0xb8;
	[tilespmem:$0x15820] =	vst v63  }
0x21b: {  	_ = 	snop  }
0x21c: {  	[spmem:s3] =	stream.indirect.scatter.add.f32 [tilespmem:s19], [sflag:$0x9], $0x10, s23, s14, $0xb8;
	[tilespmem:$0x15820] =	vst v63  }
0x21d: {  	_ =	swait.ge [sflag:s1], $0x1F40  }
0x21e: {  	[sflag:s1] =	ssyncset.done $0x0  }
0x21f: {  	s22 =	rddreg [dreg:$0xc];
	[sflag:s1] =	ssyncadd.s32 $0xFFFFE0C0  }
0x220: {  	[tilespmem:s17], [sflag:$0x3] =	stream.indirect.gather [hbm4b:s5+s14], $0x40, s22, s14, $0xb8;
	[tilespmem:$0x15820] =	vst v63  }
0x221: {  	_ =	swait.ge [sflag:s18], $0x1F40  }
0x222: {  	[sflag:s18] =	ssyncset.done $0x0  }
0x223: {  	[sflag:s18] =	ssyncadd.s32 $0xFFFFE0C0  }
0x224: {  	[spmem:s2] =	stream.indirect.scatter.add.bf16 [tilespmem:s15], [sflag:$0x5], $0x40, s28, s14, $0xb8;
	[tilespmem:$0x15820] =	vst v63  }
0x225: {  	_ = 	snop  }
0x226: {  	[spmem:s3] =	stream.indirect.scatter.add.f32 [tilespmem:s19], [sflag:$0x9], $0x10, s28, s14, $0xb8;
	[tilespmem:$0x15820] =	vst v63  }
0x227: {  	_ =	swait.ge [sflag:s6], $0x1F40  }
0x228: {  	[sflag:s6] =	ssyncset.done $0x0  }
0x229: {  	s24 =	rddreg [dreg:$0xd];
	[sflag:s6] =	ssyncadd.s32 $0xFFFFE0C0  }
0x22a: {  	[tilespmem:s20], [sflag:$0x4] =	stream.indirect.gather [hbm4b:s5+s14], $0x40, s24, s14, $0xb8;
	[tilespmem:$0x15820] =	vst v63  }
0x22b: {  	_ =	swait.ge [sflag:s21], $0x1F40  }
0x22c: {  	[sflag:s21] =	ssyncset.done $0x0  }
0x22d: {  	[sflag:s21] =	ssyncadd.s32 $0xFFFFE0C0  }
0x22e: {  	[spmem:s2] =	stream.indirect.scatter.add.bf16 [tilespmem:s16], [sflag:$0x6], $0x40, s31, s14, $0xb8;
	[tilespmem:$0x15820] =	vst v63  }
0x22f: {  	_ = 	snop  }
0x230: {  	[spmem:s3] =	stream.indirect.scatter.add.f32 [tilespmem:s19], [sflag:$0x9], $0x10, s31, s14, $0xb8;
	[tilespmem:$0x15820] =	vst v63  }
0x231: {  	_ =	swait.ge [sflag:s25], $0x1F40  }
0x232: {  	[sflag:s25] =	ssyncset.done $0x0  }
0x233: {  	s0 =	rddreg [dreg:$0xe];
	[sflag:s25] =	ssyncadd.s32 $0xFFFFE0C0  }
0x234: {  	[tilespmem:s15], [sflag:$0x1] =	stream.indirect.gather [hbm4b:s5+s14], $0x40, s0, s14, $0xb8;
	[tilespmem:$0x15820] =	vst v63  }
0x235: {  	_ =	swait.ge [sflag:s26], $0x1F40  }
0x236: {  	[sflag:s26] =	ssyncset.done $0x0  }
0x237: {  	s9 =	simm.s32 $0xB00;
	[sflag:s26] =	ssyncadd.s32 $0xFFFFE0C0  }
0x238: {  	[spmem:s2] =	stream.indirect.scatter.add.bf16 [tilespmem:s17], [sflag:$0x7], $0x40, s9, s14, $0xb8;
	[tilespmem:$0x15820] =	vst v63  }
0x239: {  	_ = 	snop  }
0x23a: {  	[spmem:s3] =	stream.indirect.scatter.add.f32 [tilespmem:s19], [sflag:$0x9], $0x10, s9, s14, $0xb8;
	[tilespmem:$0x15820] =	vst v63  }
0x23b: {  	_ =	swait.ge [sflag:s29], $0x1F40  }
0x23c: {  	[sflag:s29] =	ssyncset.done $0x0  }
0x23d: {  	s10 =	rddreg [dreg:$0xf];
	[sflag:s29] =	ssyncadd.s32 $0xFFFFE0C0  }
0x23e: {  	[tilespmem:s16], [sflag:$0x2] =	stream.indirect.gather [hbm4b:s5+s14], $0x40, s10, s14, $0xb8;
	[tilespmem:$0x15820] =	vst v63  }
0x23f: {  	_ =	swait.ge [sflag:s30], $0x1F40  }
0x240: {  	[sflag:s30] =	ssyncset.done $0x0  }
0x241: {  	[sflag:s30] =	ssyncadd.s32 $0xFFFFE0C0  }
0x242: {  	[spmem:s2] =	stream.indirect.scatter.add.bf16 [tilespmem:s20], [sflag:$0x8], $0x40, s4, s14, $0xb8;
	[tilespmem:$0x15820] =	vst v63  }
0x243: {  	_ = 	snop  }
0x244: {  	[spmem:s3] =	stream.indirect.scatter.add.f32 [tilespmem:s19], [sflag:$0x9], $0x10, s4, s14, $0xb8;
	[tilespmem:$0x15820] =	vst v63  }
0x245: {  	_ =	swait.ge [sflag:s1], $0x1F40  }
0x246: {  	[sflag:s1] =	ssyncset.done $0x0  }
0x247: {  	s22 =	rddreg [dreg:$0x10];
	[sflag:s1] =	ssyncadd.s32 $0xFFFFE0C0  }
0x248: {  	[tilespmem:s17], [sflag:$0x3] =	stream.indirect.gather [hbm4b:s5+s14], $0x40, s22, s14, $0xb8;
	[tilespmem:$0x15820] =	vst v63  }
0x249: {  	_ =	swait.ge [sflag:s18], $0x1F40  }
0x24a: {  	[sflag:s18] =	ssyncset.done $0x0  }
0x24b: {  	s24 =	simm.s32 $0xC00;
	[sflag:s18] =	ssyncadd.s32 $0xFFFFE0C0  }
0x24c: {  	[spmem:s2] =	stream.indirect.scatter.add.bf16 [tilespmem:s15], [sflag:$0x5], $0x40, s24, s14, $0xb8;
	[tilespmem:$0x15820] =	vst v63  }
0x24d: {  	_ = 	snop  }
0x24e: {  	[spmem:s3] =	stream.indirect.scatter.add.f32 [tilespmem:s19], [sflag:$0x9], $0x10, s24, s14, $0xb8;
	[tilespmem:$0x15820] =	vst v63  }
0x24f: {  	_ =	swait.ge [sflag:s6], $0x1F40  }
0x250: {  	[sflag:s6] =	ssyncset.done $0x0  }
0x251: {  	s4 =	rddreg [dreg:$0x11];
	[sflag:s6] =	ssyncadd.s32 $0xFFFFE0C0  }
0x252: {  	[tilespmem:s20], [sflag:$0x4] =	stream.indirect.gather [hbm4b:s5+s14], $0x40, s4, s14, $0xb8;
	[tilespmem:$0x15820] =	vst v63  }
0x253: {  	_ =	swait.ge [sflag:s21], $0x1F40  }
0x254: {  	[sflag:s21] =	ssyncset.done $0x0  }
0x255: {  	s10 =	simm.s32 $0xC80;
	[sflag:s21] =	ssyncadd.s32 $0xFFFFE0C0  }
0x256: {  	[spmem:s2] =	stream.indirect.scatter.add.bf16 [tilespmem:s16], [sflag:$0x6], $0x40, s10, s14, $0xb8;
	[tilespmem:$0x15820] =	vst v63  }
0x257: {  	_ = 	snop  }
0x258: {  	[spmem:s3] =	stream.indirect.scatter.add.f32 [tilespmem:s19], [sflag:$0x9], $0x10, s10, s14, $0xb8;
	[tilespmem:$0x15820] =	vst v63  }
0x259: {  	_ =	swait.ge [sflag:s25], $0x1F40  }
0x25a: {  	[sflag:s25] =	ssyncset.done $0x0  }
0x25b: {  	s22 =	rddreg [dreg:$0x12];
	[sflag:s25] =	ssyncadd.s32 $0xFFFFE0C0  }
0x25c: {  	[tilespmem:s15], [sflag:$0x1] =	stream.indirect.gather [hbm4b:s5+s14], $0x40, s22, s14, $0xb8;
	[tilespmem:$0x15820] =	vst v63  }
0x25d: {  	_ =	swait.ge [sflag:s26], $0x1F40  }
0x25e: {  	[sflag:s26] =	ssyncset.done $0x0  }
0x25f: {  	s24 =	simm.s32 $0xD00;
	[sflag:s26] =	ssyncadd.s32 $0xFFFFE0C0  }
0x260: {  	[spmem:s2] =	stream.indirect.scatter.add.bf16 [tilespmem:s17], [sflag:$0x7], $0x40, s24, s14, $0xb8;
	[tilespmem:$0x15820] =	vst v63  }
0x261: {  	_ = 	snop  }
0x262: {  	[spmem:s3] =	stream.indirect.scatter.add.f32 [tilespmem:s19], [sflag:$0x9], $0x10, s24, s14, $0xb8;
	[tilespmem:$0x15820] =	vst v63  }
0x263: {  	_ =	swait.ge [sflag:s29], $0x1F40  }
0x264: {  	[sflag:s29] =	ssyncset.done $0x0  }
0x265: {  	s4 =	rddreg [dreg:$0x13];
	[sflag:s29] =	ssyncadd.s32 $0xFFFFE0C0  }
0x266: {  	[tilespmem:s16], [sflag:$0x2] =	stream.indirect.gather [hbm4b:s5+s14], $0x40, s4, s14, $0xb8;
	[tilespmem:$0x15820] =	vst v63  }
0x267: {  	_ =	swait.ge [sflag:s30], $0x1F40  }
0x268: {  	[sflag:s30] =	ssyncset.done $0x0  }
0x269: {  	s10 =	simm.s32 $0xD80;
	[sflag:s30] =	ssyncadd.s32 $0xFFFFE0C0  }
0x26a: {  	[spmem:s2] =	stream.indirect.scatter.add.bf16 [tilespmem:s20], [sflag:$0x8], $0x40, s10, s14, $0xb8;
	[tilespmem:$0x15820] =	vst v63  }
0x26b: {  	_ = 	snop  }
0x26c: {  	[spmem:s3] =	stream.indirect.scatter.add.f32 [tilespmem:s19], [sflag:$0x9], $0x10, s10, s14, $0xb8;
	[tilespmem:$0x15820] =	vst v63  }
0x26d: {  	_ =	swait.ge [sflag:s1], $0x1F40  }
0x26e: {  	[sflag:s1] =	ssyncset.done $0x0  }
0x26f: {  	s22 =	rddreg [dreg:$0x14];
	[sflag:s1] =	ssyncadd.s32 $0xFFFFE0C0  }
0x270: {  	[tilespmem:s17], [sflag:$0x3] =	stream.indirect.gather [hbm4b:s5+s14], $0x40, s22, s14, $0xb8;
	[tilespmem:$0x15820] =	vst v63  }
0x271: {  	_ =	swait.ge [sflag:s18], $0x1F40  }
0x272: {  	[sflag:s18] =	ssyncset.done $0x0  }
0x273: {  	s24 =	simm.s32 $0xE00;
	[sflag:s18] =	ssyncadd.s32 $0xFFFFE0C0  }
0x274: {  	[spmem:s2] =	stream.indirect.scatter.add.bf16 [tilespmem:s15], [sflag:$0x5], $0x40, s24, s14, $0xb8;
	[tilespmem:$0x15820] =	vst v63  }
0x275: {  	_ = 	snop  }
0x276: {  	[spmem:s3] =	stream.indirect.scatter.add.f32 [tilespmem:s19], [sflag:$0x9], $0x10, s24, s14, $0xb8;
	[tilespmem:$0x15820] =	vst v63  }
0x277: {  	_ =	swait.ge [sflag:s6], $0x1F40  }
0x278: {  	[sflag:s6] =	ssyncset.done $0x0  }
0x279: {  	s4 =	rddreg [dreg:$0x15];
	[sflag:s6] =	ssyncadd.s32 $0xFFFFE0C0  }
0x27a: {  	[tilespmem:s20], [sflag:$0x4] =	stream.indirect.gather [hbm4b:s5+s14], $0x40, s4, s14, $0xb8;
	[tilespmem:$0x15820] =	vst v63  }
0x27b: {  	_ =	swait.ge [sflag:s21], $0x1F40  }
0x27c: {  	[sflag:s21] =	ssyncset.done $0x0  }
0x27d: {  	s10 =	simm.s32 $0xE80;
	[sflag:s21] =	ssyncadd.s32 $0xFFFFE0C0  }
0x27e: {  	[spmem:s2] =	stream.indirect.scatter.add.bf16 [tilespmem:s16], [sflag:$0x6], $0x40, s10, s14, $0xb8;
	[tilespmem:$0x15820] =	vst v63  }
0x27f: {  	_ = 	snop  }
0x280: {  	[spmem:s3] =	stream.indirect.scatter.add.f32 [tilespmem:s19], [sflag:$0x9], $0x10, s10, s14, $0xb8;
	[tilespmem:$0x15820] =	vst v63  }
0x281: {  	_ =	swait.ge [sflag:s25], $0x1F40  }
0x282: {  	[sflag:s25] =	ssyncset.done $0x0  }
0x283: {  	[sflag:s25] =	ssyncadd.s32 $0xFFFFE0C0  }
0x284: {  	_ =	swait.ge [sflag:s26], $0x1F40  }
0x285: {  	[sflag:s26] =	ssyncset.done $0x0  }
0x286: {  	s22 =	simm.s32 $0xF00;
	[sflag:s26] =	ssyncadd.s32 $0xFFFFE0C0  }
0x287: {  	[spmem:s2] =	stream.indirect.scatter.add.bf16 [tilespmem:s17], [sflag:$0x7], $0x40, s22, s14, $0xb8;
	[tilespmem:$0x15820] =	vst v63  }
0x288: {  	_ = 	snop  }
0x289: {  	[spmem:s3] =	stream.indirect.scatter.add.f32 [tilespmem:s19], [sflag:$0x9], $0x10, s22, s14, $0xb8;
	[tilespmem:$0x15820] =	vst v63  }
0x28a: {  	_ =	swait.ge [sflag:s29], $0x1F40  }
0x28b: {  	[sflag:s29] =	ssyncset.done $0x0  }
0x28c: {  	[sflag:s29] =	ssyncadd.s32 $0xFFFFE0C0  }
0x28d: {  	_ =	swait.ge [sflag:s30], $0x1F40  }
0x28e: {  	[sflag:s30] =	ssyncset.done $0x0  }
0x28f: {  	s24 =	simm.s32 $0xF80;
	[sflag:s30] =	ssyncadd.s32 $0xFFFFE0C0  }
0x290: {  	[spmem:s2] =	stream.indirect.scatter.add.bf16 [tilespmem:s20], [sflag:$0x8], $0x40, s24, s14, $0xb8;
	[tilespmem:$0x15820] =	vst v63  }
0x291: {  	_ = 	snop  }
0x292: {  	[spmem:s3] =	stream.indirect.scatter.add.f32 [tilespmem:s19], [sflag:$0x9], $0x10, s24, s14, $0xb8;
	[tilespmem:$0x15820] =	vst v63  }
0x293: {  	_ =	swait.ge [sflag:s1], $0x1F40  }
0x294: {  	[sflag:s1] =	ssyncset.done $0x0  }
0x295: {  	[sflag:s1] =	ssyncadd.s32 $0xFFFFE0C0  }
0x296: {  	_ =	swait.ge [sflag:s6], $0x1F40  }
0x297: {  	[sflag:s6] =	ssyncset.done $0x0  }
0x298: {  	[sflag:s6] =	ssyncadd.s32 $0xFFFFE0C0  }
0x299: {  	_ =	swait.ge [sflag:s7], $0x7D0  }
0x29a: {  	[sflag:s7] =	ssyncset.done $0x0  }
0x29b: {  	[sflag:s7] =	ssyncadd.s32 $0xFFFFF830  }
0x29c: {  	_ =	swait.ge [sflag:s7], $0x7D0  }
0x29d: {  	[sflag:s7] =	ssyncset.done $0x0  }
0x29e: {  	[sflag:s7] =	ssyncadd.s32 $0xFFFFF830  }
0x29f: {  	_ =	swait.ge [sflag:s7], $0x7D0  }
0x2a0: {  	[sflag:s7] =	ssyncset.done $0x0  }
0x2a1: {  	[sflag:s7] =	ssyncadd.s32 $0xFFFFF830  }
0x2a2: {  	_ =	swait.ge [sflag:s7], $0x7D0  }
0x2a3: {  	[sflag:s7] =	ssyncset.done $0x0  }
0x2a4: {  	[sflag:s7] =	ssyncadd.s32 $0xFFFFF830  }
0x2a5: {  	_ =	swait.ge [sflag:s7], $0x7D0  }
0x2a6: {  	[sflag:s7] =	ssyncset.done $0x0  }
0x2a7: {  	[sflag:s7] =	ssyncadd.s32 $0xFFFFF830  }
0x2a8: {  	_ =	swait.ge [sflag:s7], $0x7D0  }
0x2a9: {  	[sflag:s7] =	ssyncset.done $0x0  }
0x2aa: {  	[sflag:s7] =	ssyncadd.s32 $0xFFFFF830  }
0x2ab: {  	_ =	swait.ge [sflag:s7], $0x7D0  }
0x2ac: {  	[sflag:s7] =	ssyncset.done $0x0  }
0x2ad: {  	[sflag:s7] =	ssyncadd.s32 $0xFFFFF830  }
0x2ae: {  	_ =	swait.ge [sflag:s7], $0x7D0  }
0x2af: {  	[sflag:s7] =	ssyncset.done $0x0  }
0x2b0: {  	[sflag:s7] =	ssyncadd.s32 $0xFFFFF830  }
0x2b1: {  	_ =	swait.ge [sflag:s7], $0x7D0  }
0x2b2: {  	[sflag:s7] =	ssyncset.done $0x0  }
0x2b3: {  	[sflag:s7] =	ssyncadd.s32 $0xFFFFF830  }
0x2b4: {  	_ =	swait.ge [sflag:s7], $0x7D0  }
0x2b5: {  	[sflag:s7] =	ssyncset.done $0x0  }
0x2b6: {  	[sflag:s7] =	ssyncadd.s32 $0xFFFFF830  }
0x2b7: {  	_ =	swait.ge [sflag:s7], $0x7D0  }
0x2b8: {  	[sflag:s7] =	ssyncset.done $0x0  }
0x2b9: {  	[sflag:s7] =	ssyncadd.s32 $0xFFFFF830  }
0x2ba: {  	_ =	swait.ge [sflag:s7], $0x7D0  }
0x2bb: {  	[sflag:s7] =	ssyncset.done $0x0  }
0x2bc: {  	[sflag:s7] =	ssyncadd.s32 $0xFFFFF830  }
0x2bd: {  	_ =	swait.ge [sflag:s7], $0x7D0  }
0x2be: {  	[sflag:s7] =	ssyncset.done $0x0  }
0x2bf: {  	[sflag:s7] =	ssyncadd.s32 $0xFFFFF830  }
0x2c0: {  	_ =	swait.ge [sflag:s7], $0x7D0  }
0x2c1: {  	[sflag:s7] =	ssyncset.done $0x0  }
0x2c2: {  	[sflag:s7] =	ssyncadd.s32 $0xFFFFF830  }
0x2c3: {  	_ =	swait.ge [sflag:s7], $0x7D0  }
0x2c4: {  	[sflag:s7] =	ssyncset.done $0x0  }
0x2c5: {  	[sflag:s7] =	ssyncadd.s32 $0xFFFFF830  }
0x2c6: {  	_ =	swait.ge [sflag:s7], $0x7D0  }
0x2c7: {  	[sflag:s7] =	ssyncset.done $0x0  }
0x2c8: {  	[sflag:s7] =	ssyncadd.s32 $0xFFFFF830  }
0x2c9: {  	[bflag:$0x0] =	sbarrier.arrive $0xFFFF  }
0x2ca: {  	s22 =	rddreg [dreg:$0x18]  }
0x2cb: {  	s10 =	rddreg [dreg:$0x1a]  }
0x2cc: {  	s0 =	rddreg [dreg:$0x1c]  }
0x2cd: {  	[hbm:s0], [sflag:s22] =	dma.local [spmem:s10], $0x1388  }
0x2ce: {  	_ =	swait.ge [sflag:s11], $0x1388  }
0x2cf: {  	[sflag:s11] =	ssyncset.done $0x0;
	s24 =	rddreg [dreg:$0x1b]  }
0x2d0: {  	s4 =	rddreg [dreg:$0x1d];
	[sflag:s11] =	ssyncadd.s32 $0xFFFFEC78  }
0x2d1: {  	[hbm:s4], [sflag:s22] =	dma.local [spmem:s24], $0x4E2  }
0x2d2: {  	_ =	swait.ge [sflag:s11], $0x4E2  }
0x2d3: {  	s9 =	rddreg [dreg:$0x1e]  }
0x2d4: {  	s4 =	rddreg [dreg:$0x19];
	s0 =	sadd.s32 $0x1, s9  }
0x2d5: {  	p0 =	sne.s32 s0, s4  }
.Ltmp2:
0x2d6: {  	_ = 	snop;
	(pc) =	sbr.rel @p0 .LBB2_1-.Ltmp2, $3  }
0x2d7: {  	_ =	sdelay $0x1  }
0x2d8: {  	[sflag:s11] =	ssyncset.done $0x0  }
0x2d9: {  	[sflag:s11] =	ssyncadd.s32 $0xFFFFFB1E  }
0x2da: {  	_ =	sfence.sel $0x180000  }
0x2db: {  	[bflag:$0x0] =	sbarrier.arrive $0xFFFF  }
0x2dc: {  	_ =	strace $0x90000047  }
0x2dd: {  	s0 =	stileid.u32;
	[bflag:$0x2] =	sbarrier.arrive $0xFFFF  }
0x2de: {  	p0 =	sne.s32 s0, $0x0;
	s0 =	rddreg [dreg:$0x4]  }
0x2df: {  	s0 =	sadd.s32 @!p0 $0x100000, s0  }
0x2e0: {  	[sflag:s0] =	ssyncadd.tile.s32 @!p0 $0x1;
	_ =	shalt  }
.Lfunc_end2:
_tile_overlayer_lowered:
.L_overlay_start_2:
0x2e1: {  	(tag) =	ssettag $0x2  }
0x2e2: {  	s0 =	rddreg [dreg:$0x0];
	s2 =	stileid.u32  }
0x2e3: {  	s1 =	rddreg [dreg:$0x1];
	p0 =	sne.s32 s2, $0x0  }
0x2e4: {  	s3 =	rddreg [dreg:$0x2];
	[bflag:$0x3] =	sbarrier.arrive $0xFFFF;
	s2 =	simm.s32 @!p0 $0x1C0A  }
0x2e5: {  	[timem:s3], [sflag:s2] =	dma.local @!p0 [hbm:s0], s1  }
0x2e6: {  	s0 =	simm.s32 @!p0 $0xA  }
0x2e7: {  	_ =	swait.ge @!p0 [sflag:s0], s1  }
0x2e8: {  	s1 =	ssub.s32 @!p0 $0x0, s1;
	[sflag:s0] =	ssyncset.done @!p0 $0x0  }
0x2e9: {  	[sflag:s0] =	ssyncadd.s32 @!p0 s1  }
0x2ea: {  	[bflag:$0x3] =	sbarrier.arrive $0xFFFF  }
0x2eb: {  	_ =	shalt  }

// kernel: kernel.9.cloned.1.call-start
scs
__scs_entry_jumppad:
0x0: {  	(pc) =	sbr.rel $0x88, $3  }
0x1: {  	(tag) =	ssettag $0x0;
	lr =	simm.s32 $0x1  }
0x2: {  	[smem:$0x3F99] =	sst lr;
	_ =	strace $0xD0000000  }
0x3: {  	_ = 	snop  }
0x4: {  	_ = 	snop  }
0x5: {  	_ = 	snop  }
0x6: {  	_ = 	snop  }
0x7: {  	_ = 	snop  }
__scs_overlays_trampoline_lowered:
0x8: {  	[smem:$0x3FA8] =	sst s0  }
0x9: {  	[smem:$0x3FA9] =	sst s1  }
0xa: {  	[smem:$0x3FAA] =	sst s2  }
0xb: {  	[smem:$0x3FAB] =	sst s3  }
0xc: {  	[smem:$0x3FAC] =	sst s4  }
0xd: {  	[smem:$0x3FAD] =	sst s5  }
0xe: {  	[smem:$0x3FAE] =	sst s6  }
0xf: {  	[smem:$0x3FAF] =	sst s7  }
0x10: {  	[smem:$0x3FB0] =	sst s8  }
0x11: {  	[smem:$0x3FB1] =	sst s9;
	s0 =	simm.s32 @!p0 $0x0  }
0x12: {  	s1 =	sld [smem:$0x3F97];
	s0 =	simm.s32 @p0 $0x1  }
0x13: {  	[smem:$0x3FB2] =	sst s0;
	s0 =	simm.s32 @!p1 $0x0  }
0x14: {  	s2 =	sld [smem:$0x3F96];
	s0 =	simm.s32 @p1 $0x1  }
0x15: {  	[smem:$0x3FB3] =	sst s0;
	s0 =	simm.s32 @!p2 $0x0  }
0x16: {  	s3 =	sld [smem:$0x3FDB];
	s0 =	simm.s32 @p2 $0x1  }
0x17: {  	s4 =	simm.s32 $0x1BF5;
	[smem:$0x3FB5] =	sst s0  }
0x18: {  	s0 =	sld [smem:$0x3F98];
	_ =	swait.ge [sflag:s4], $0x0  }
0x19: {  	s7 =	sld [smem:$0x3F99]  }
0x1a: {  	s8 =	sadd.s32 $0xFFFFE003, lr  }
0x1b: {  	s9 =	sadd.s32 $0xFFFFFEF7, lr;
	s5 =	simm.s32 $0xFFFFFFFF;
	p2 =	slt.u32 s8, $0xFFFFF086  }
0x1c: {  	p1 =	slt.u32 s9, $0xF7A;
	s5 =	simm.s32 @!p2 $0x0  }
0x1d: {  	s5 =	simm.s32 @p1 $0x1;
	p0 =	seq.s32 s7, s2  }
0x1e: {  	s7 =	smul.u32 @!p0 $0xF7A, s2;
	p2 =	seq.s32 @!p0 s5, $0x0  }
0x1f: {  	s9 =	smul.u32 $0xF7A, s1;
	s8 =	simm.s32 @!p0 $0x1BF5;
	p2 =	por !p2, p0  }
0x20: {  	[sflag:s8] =	ssyncset.s32 @!p0 $0xFFFFF086;
	s6 =	sadd.s32 @!p0 s3, s7;
	s7 =	simm.s32 @!p0 $0x108  }
0x21: {  	s3 =	sadd.s32 s3, s9;
	s6 =	sadd.s32 @!p0 $0x88, s6;
	s7 =	simm.s32 @p2 $0x1082  }
0x22: {  	[simem:s7], [sflag:s8] =	dma.local @!p0 [hbm:s6], $0xF7A  }
0x23: {  	s9 =	sor.u32 $0xD0000000, s2;
	s6 =	simm.s32 $0x108;
	_ =	swait.ge @!p0 [sflag:s8], $0x0  }
0x24: {  	s3 =	sadd.s32 $0x88, s3;
	s6 =	simm.s32 @!p1 $0x1082;
	[sflag:s4] =	ssyncset.s32 $0xFFFFF086  }
0x25: {  	[simem:s6], [sflag:s4] =	dma.local [hbm:s3], $0xF7A  }
0x26: {  	[smem:$0x3F99] =	sst s1;
	(tag) =	ssettag s2;
	_ =	strace s9  }
0x27: {  	s1 =	sld [smem:$0x3FA9]  }
0x28: {  	s2 =	sld [smem:$0x3FAA]  }
0x29: {  	s4 =	sld [smem:$0x3FAC]  }
0x2a: {  	p0 =	seq.s32 s5, $0x0;
	s5 =	sld [smem:$0x3FAD]  }
0x2b: {  	s6 =	sld [smem:$0x3FAE]  }
0x2c: {  	s7 =	sld [smem:$0x3FAF]  }
0x2d: {  	s3 =	simm.s32 $0x108;
	s8 =	sld [smem:$0x3FB0]  }
0x2e: {  	s3 =	simm.s32 @!p0 $0x1082;
	s9 =	sld [smem:$0x3FB1]  }
0x2f: {  	lr =	sadd.s32 s0, s3;
	s0 =	sld [smem:$0x3FA8]  }
0x30: {  	s3 =	sld [smem:$0x3FAB]  }
0x31: {  	[smem:$0x3FB4] =	sst s10  }
0x32: {  	s10 =	sld [smem:$0x3FB2];
	_ =	sdelay $0x3  }
0x33: {  	p0 =	seq.s32 s10, $0x1;
	s10 =	sld [smem:$0x3FB4];
	_ =	sdelay $0x3  }
0x34: {  	[smem:$0x3FB4] =	sst s10  }
0x35: {  	s10 =	sld [smem:$0x3FB3];
	_ =	sdelay $0x3  }
0x36: {  	p1 =	seq.s32 s10, $0x1;
	s10 =	sld [smem:$0x3FB4];
	_ =	sdelay $0x3  }
0x37: {  	[smem:$0x3FB4] =	sst s10  }
0x38: {  	s10 =	sld [smem:$0x3FB5]  }
0x39: {  	_ = 	snop;
	(pc) =	sbr.ind lr, $3  }
0x3a: {  	_ = 	snop  }
0x3b: {  	_ = 	snop  }
0x3c: {  	p2 =	seq.s32 s10, $0x1;
	s10 =	sld [smem:$0x3FB4]  }
0x3d: {  	_ =	shalt  }
0x3e: {  	_ =	shalt  }
0x3f: {  	_ =	shalt  }
0x40: {  	_ =	shalt  }
0x41: {  	_ =	shalt  }
0x42: {  	_ =	shalt  }
0x43: {  	_ =	shalt  }
0x44: {  	_ =	shalt  }
0x45: {  	_ =	shalt  }
0x46: {  	_ =	shalt  }
0x47: {  	_ =	shalt  }
0x48: {  	_ =	shalt  }
0x49: {  	_ =	shalt  }
0x4a: {  	_ =	shalt  }
0x4b: {  	_ =	shalt  }
0x4c: {  	_ =	shalt  }
0x4d: {  	_ =	shalt  }
0x4e: {  	_ =	shalt  }
0x4f: {  	_ =	shalt  }
0x50: {  	_ =	shalt  }
0x51: {  	_ =	shalt  }
0x52: {  	_ =	shalt  }
0x53: {  	_ =	shalt  }
0x54: {  	_ =	shalt  }
0x55: {  	_ =	shalt  }
0x56: {  	_ =	shalt  }
0x57: {  	_ =	shalt  }
0x58: {  	_ =	shalt  }
0x59: {  	_ =	shalt  }
0x5a: {  	_ =	shalt  }
0x5b: {  	_ =	shalt  }
0x5c: {  	_ =	shalt  }
0x5d: {  	_ =	shalt  }
0x5e: {  	_ =	shalt  }
0x5f: {  	_ =	shalt  }
0x60: {  	_ =	shalt  }
0x61: {  	_ =	shalt  }
0x62: {  	_ =	shalt  }
0x63: {  	_ =	shalt  }
0x64: {  	_ =	shalt  }
0x65: {  	_ =	shalt  }
0x66: {  	_ =	shalt  }
0x67: {  	_ =	shalt  }
0x68: {  	_ =	shalt  }
0x69: {  	_ =	shalt  }
0x6a: {  	_ =	shalt  }
0x6b: {  	_ =	shalt  }
0x6c: {  	_ =	shalt  }
0x6d: {  	_ =	shalt  }
0x6e: {  	_ =	shalt  }
0x6f: {  	_ =	shalt  }
0x70: {  	_ =	shalt  }
0x71: {  	_ =	shalt  }
0x72: {  	_ =	shalt  }
0x73: {  	_ =	shalt  }
0x74: {  	_ =	shalt  }
0x75: {  	_ =	shalt  }
0x76: {  	_ =	shalt  }
0x77: {  	_ =	shalt  }
0x78: {  	_ =	shalt  }
0x79: {  	_ =	shalt  }
0x7a: {  	_ =	shalt  }
0x7b: {  	_ =	shalt  }
0x7c: {  	_ =	shalt  }
0x7d: {  	_ =	shalt  }
0x7e: {  	_ =	shalt  }
0x7f: {  	_ =	shalt  }
0x80: {  	_ =	shalt  }
0x81: {  	_ =	shalt  }
0x82: {  	_ =	shalt  }
0x83: {  	_ =	shalt  }
0x84: {  	_ =	shalt  }
0x85: {  	_ =	shalt  }
0x86: {  	_ =	shalt  }
0x87: {  	_ =	shalt  }
.Lfunc_end0:
.L_simem_size_0:
called_computation.1_lowered:
.L_overlay_start_0:
0x88: {  	s2 =	sld [smem:$0x3FD9]  }
0x89: {  	s3 =	sld [smem:$0x3FFE];
	_ =	sdelay $0x1  }
0x8a: {  	s1 =	srdreg.scid  }
0x8b: {  	s0 =	sand.u32 $0x1, s1  }
0x8c: {  	s17 =	sshll.u32 s0, $0xA;
	s2 =	sadd.s32 s3, s2  }
0x8d: {  	s2 =	sadd.s32 s2, s17  }
0x8e: {  	[smem:$0x3FC0] =	sst s2  }
0x8f: {  	_ = 	snop  }
0x90: {  	s2 =	sld [smem:$0x3FD0];
	(tm) =	ssettm $0x1  }
0x91: {  	s18 =	sld [smem:$0x3FFB];
	_ =	sdelay $0x3  }
0x92: {  	_ =	strace s18  }
0x93: {  	s3 =	sld [smem:$0x3FFC];
	_ =	sdelay $0x3  }
0x94: {  	_ =	strace s3  }
0x95: {  	s3 =	sld [smem:$0x3FFD];
	_ =	sdelay $0x3  }
0x96: {  	_ =	strace s3  }
0x97: {  	_ =	strace $0x8FFFFFFF  }
0x98: {  	s19 =	sld [smem:$0x3FDB];
	_ =	sdelay $0x1  }
0x99: {  	s4 =	simm.s32 $_scs_section_size  }
0x9a: {  	s5 =	simm.s32 $_size__tile_overlayer_lowered;
	s6 =	simm.s32 $_tile_overlayer_lowered  }
0x9b: {  	s22 =	simm.s32 $0x1BFF;
	s21 =	sshll.u32 s6, $0x1;
	s3 =	sadd.s32 s4, s19  }
0x9c: {  	s7 =	simm.s32 $0x0;
	s20 =	sshll.u32 s5, $0x1;
	s5 =	sadd.s32 s21, s3  }
0x9d: {  	[timem:s7], [sflag:s22] =	dma.local [hbm:s5], s20  }
0x9e: {  	_ =	swait.ge [sflag:s22], s20  }
0x9f: {  	s4 =	ssub.s32 $0x0, s20;
	[sflag:s22] =	ssyncset.done $0x0  }
0xa0: {  	[sflag:s22] =	ssyncadd.s32 s4;
	_ =	sdelay $0x1  }
0xa1: {  	s23 =	simm.s32 $0x1B8B  }
0xa2: {  	_ =	swait.ge [sflag:s23], $0x1  }
0xa3: {  	[sflag:s23] =	ssyncset.done $0x0  }
0xa4: {  	s25 =	simm.s32 $0x1B8E;
	s24 =	sld [smem:$0x3FFE];
	[sflag:s23] =	ssyncadd.s32 $0xFFFFFFFF  }
0xa5: {  	s26 =	simm.s32 $execute0_lowered;
	[smem:$0x3FD2] =	sst s25  }
0xa6: {  	s5 =	sshll.u32 s26, $0x1;
	_ =	strace $0x80000049;
	[dreg:$0x1] =	wrdreg $0xFFFFFFFF  }
0xa7: {  	s28 =	simm.s32 $_size_execute0_lowered;
	s3 =	sadd.s32 s3, s5;
	[dreg:$0x0] =	wrdreg $0x0  }
0xa8: {  	s5 =	sshll.u32 s28, $0x1;
	[dreg:$0x2] =	wrdreg s3  }
0xa9: {  	[dreg:$0x3] =	wrdreg s5  }
0xaa: {  	[dreg:$0x4] =	wrdreg $0xC0  }
0xab: {  	_ =	task [dreg:s7], $0x5FFFF  }
0xac: {  	[dreg:$0x1] =	wrdreg $0xFFFFFFFF  }
0xad: {  	[dreg:$0x0] =	wrdreg $0x60  }
0xae: {  	[dreg:$0x2] =	wrdreg s24  }
0xaf: {  	[dreg:$0x3] =	wrdreg s2  }
0xb0: {  	[dreg:$0x4] =	wrdreg $0x8D000  }
0xb1: {  	[dreg:$0x5] =	wrdreg $0x9  }
0xb2: {  	_ =	task.clear_ibuf [dreg:s7], $0x6FFFF;
	_ =	strace $0x90000049  }
0xb3: {  	s29 =	simm.s32 $0x9;
	_ =	strace $0x8000004B  }
0xb4: {  	_ =	swait.ge [sflag:s29], $0x1  }
0xb5: {  	[sflag:s29] =	ssyncadd.s32 $0xFFFFFFFF  }
0xb6: {  	_ =	strace $0x9000004B  }
0xb7: {  	_ =	sfence  }
0xb8: {  	s30 =	sld [smem:$0x0];
	_ =	sdelay $0x2  }
0xb9: {  	s31 =	sshll.u32 s1, $0xD;
	s1 =	sshrl.u32 s1, $0x2  }
0xba: {  	s3 =	sand.u32 $0x4000, s31;
	s1 =	sadd.s32 s1, s30  }
0xbb: {  	s0 =	sor.u32 s3, s0;
	s1 =	sshll.u32 s1, $0x11  }
0xbc: {  	s0 =	sor.u32 s1, s0  }
0xbd: {  	s0 =	sadd.s32 $0x8F2B, s0  }
0xbe: {  	[sflag:s0] =	ssyncadd.remote.s32 $0x1  }
0xbf: {  	_ =	sfence.sel $0xFFFF  }
0xc0: {  	[dreg:$0x0] =	wrdreg $0xFFFFFFFF;
	(pc) =	sbr.abs _section_cstart, $3  }
0xc1: {  	[dreg:$0x1] =	wrdreg $0xFFFFFFFF  }
0xc2: {  	_ =	task.clear_ibuf [dreg:s7], $0x2FFFF;
	_ =	strace $0x9FFFFFFF  }
0xc3: {  	(tm) =	ssettm $0x7FFFFFFF  }
tec
execute0_lowered:
.L_overlay_start_1:
0x0: {  	(tag) =	ssettag $0x1  }
0x1: {  	s0 =	rddreg [dreg:$0x0]  }
0x2: {  	s1 =	rddreg [dreg:$0x1];
	s3 =	srdreg.scid  }
0x3: {  	s10 =	stileid.u32;
	s2 =	rddreg [dreg:$0x2];
	s21 =	simm.s32 $0x80  }
0x4: {  	s22 =	simm.s32 $0x100;
	s24 =	simm.s32 $0x180;
	s25 =	simm.s32 $0x880  }
0x5: {  	s26 =	simm.s32 $0x200;
	s11 =	simm.s32 $0x980;
	s12 =	simm.s32 $0x300  }
0x6: {  	s13 =	simm.s32 $0xA00;
	s5 =	sand.u32 $0x1, s3;
	s3 =	simm.s32 $0x0  }
0x7: {  	s14 =	simm.s32 $0x380;
	s15 =	simm.s32 $0xA80;
	[smem:$0x7FF] =	sst s3  }
0x8: {  	s16 =	simm.s32 $0x400;
	_ =	strace $0x8000004A;
	[dreg:$0x6] =	wrdreg s21  }
0x9: {  	s17 =	simm.s32 $0xB00;
	s18 =	simm.s32 $0x480;
	[dreg:$0x7] =	wrdreg s22  }
0xa: {  	s28 =	simm.s32 $0xD80;
	s29 =	simm.s32 $0x700;
	[dreg:$0x8] =	wrdreg s24  }
0xb: {  	s4 =	sshll.u32 s10, $0x1;
	s8 =	smul.u32 $0x13880, s10;
	[dreg:$0x9] =	wrdreg s25  }
0xc: {  	s23 =	sshll.u32 s10, $0x6;
	s10 =	simm.s32 $0x280;
	[dreg:$0xa] =	wrdreg s26  }
0xd: {  	s30 =	simm.s32 $0xE00;
	s4 =	sor.u32 s5, s4;
	[dreg:$0xc] =	wrdreg s10  }
0xe: {  	s19 =	ssub.s32 $0x2, s5;
	s5 =	smul.u32 $0x13880, s5;
	[dreg:$0xd] =	wrdreg s11  }
0xf: {  	s31 =	simm.s32 $0x780;
	s6 =	smul.u32 $0x500, s4;
	[dreg:$0xe] =	wrdreg s12  }
0x10: {  	s4 =	sadd.s32 $0x2A00, s0;
	s7 =	sshrl.u32 s19, $0x1;
	[dreg:$0xf] =	wrdreg s13  }
0x11: {  	s20 =	sshrl.u32 s8, $0x1;
	s24 =	sor.u32 $0x1C09, s23;
	[dreg:$0x10] =	wrdreg s14  }
0x12: {  	s8 =	sshrl.u32 s8, $0x4;
	s10 =	simm.s32 $0x800;
	[dreg:$0x11] =	wrdreg s15  }
0x13: {  	s11 =	simm.s32 $0x7D;
	s12 =	simm.s32 $0x1000;
	[dreg:$0x12] =	wrdreg s16  }
0x14: {  	s13 =	simm.s32 $0x2F40;
	s14 =	simm.s32 $0x4E80;
	[dreg:$0x13] =	wrdreg s17  }
0x15: {  	s15 =	simm.s32 $0x1;
	[dreg:$0x14] =	wrdreg s18;
	s16 =	simm.s32 $0x6DC0  }
0x16: {  	s17 =	simm.s32 $0x2;
	s21 =	simm.s32 $0xC00;
	s18 =	simm.s32 $0x5  }
0x17: {  	s22 =	simm.s32 $0x580;
	s23 =	simm.s32 $0xC80;
	[dreg:$0x17] =	wrdreg s21  }
0x18: {  	s25 =	simm.s32 $0x600;
	s1 =	sadd.s32 s1, s5;
	[dreg:$0x18] =	wrdreg s22  }
0x19: {  	[dreg:$0x19] =	wrdreg s23;
	s21 =	simm.s32 $0x4;
	s22 =	simm.s32 $0x7  }
0x1a: {  	[dreg:$0x1a] =	wrdreg s25;
	s23 =	simm.s32 $0x8;
	s25 =	simm.s32 $0xD00  }
0x1b: {  	[dreg:$0x1c] =	wrdreg s24;
	s6 =	sadd.s32 s6, s0;
	s0 =	sadd.s32 $0x1600, s0  }
0x1c: {  	s5 =	simm.s32 $0xF80;
	s26 =	sadd.s32 s8, s1;
	[dreg:$0x1b] =	wrdreg s0  }
0x1d: {  	s1 =	simm.s32 $0xE80;
	s9 =	sadd.s32 $0x20400, s6;
	[dreg:$0x1f] =	wrdreg s26  }
0x1e: {  	s8 =	simm.s32 $0x0;
	s6 =	sadd.s32 $0x16400, s6;
	[dreg:$0x4] =	wrdreg s9  }
0x1f: {  	s0 =	ssub.s32 s19, s7;
	s19 =	simm.s32 $0xB80;
	[dreg:$0x5] =	wrdreg s6  }
0x20: {  	s7 =	sadd.s32 s20, s2;
	s20 =	simm.s32 $0x500;
	[dreg:$0x15] =	wrdreg s19  }
0x21: {  	s26 =	simm.s32 $0x680;
	s6 =	simm.s32 $0x900;
	[dreg:$0x16] =	wrdreg s20  }
0x22: {  	s0 =	smax.u32 s0, $0x1;
	s7 =	sshrl.u32 s7, $0x3;
	[dreg:$0xb] =	wrdreg s6  }
0x23: {  	s9 =	simm.s32 $0x9;
	s19 =	simm.s32 $0x3;
	[dreg:$0x1d] =	wrdreg s0  }
0x24: {  	s20 =	simm.s32 $0x6;
	s0 =	simm.s32 $0xF00;
	[dreg:$0x1e] =	wrdreg s7  }
.LBB2_1:
0x25: {  	[smem:$0x7FD] =	sst s8  }
0x26: {  	s6 =	rddreg [dreg:$0x1b]  }
0x27: {  	[spmem:s7], [sflag:s24] =	dma.local [hbm:s6], $0x1388  }
0x28: {  	_ =	swait.ge [sflag:s9], $0x1388  }
0x29: {  	[sflag:s9] =	ssyncset.done $0x0  }
0x2a: {  	[sflag:s9] =	ssyncadd.s32 $0xFFFFEC78  }
0x2b: {  	[bflag:$0x0] =	sbarrier.arrive $0xFFFF  }
0x2c: {  	s7 =	rddreg [dreg:$0x4]  }
0x2d: {  	s6 =	sadd.s32 $0x0, s7  }
0x2e: {  	[tilespmem:s3], [sflag:$0x9] =	stream.linear.gather [hbm4b:s6+s3], $0x800, $0x38;
	[tilespmem:$0x12940] =	vst v63  }
0x2f: {  	_ =	swait.ge [sflag:s9], $0x800  }
0x30: {  	s8 =	rddreg [dreg:$0x5];
	[sflag:s9] =	ssyncset.done $0x0  }
0x31: {  	[sflag:s9] =	ssyncadd.s32 $0xFFFFF800;
	s6 =	sadd.s32 $0x0, s8  }
0x32: {  	[tilespmem:s10], [sflag:$0x9] =	stream.linear.gather [hbm4b:s6+s3], $0x800, $0x38;
	[tilespmem:$0x12940] =	vst v63  }
0x33: {  	_ =	swait.ge [sflag:s9], $0x800  }
0x34: {  	[sflag:s9] =	ssyncset.done $0x0  }
0x35: {  	[sflag:s9] =	ssyncadd.s32 $0xFFFFF800  }
0x36: {  	[tilespmem:s12], [sflag:$0x1] =	stream.indirect.gather [hbm4b:s4+s11], $0x40, s3, s11, $0xb8;
	[tilespmem:$0x12940] =	vst v63  }
0x37: {  	s24 =	rddreg [dreg:$0x6]  }
0x38: {  	[tilespmem:s13], [sflag:$0x2] =	stream.indirect.gather [hbm4b:s4+s11], $0x40, s24, s11, $0xb8;
	[tilespmem:$0x12940] =	vst v63  }
0x39: {  	s7 =	rddreg [dreg:$0x7]  }
0x3a: {  	[tilespmem:s14], [sflag:$0x3] =	stream.indirect.gather [hbm4b:s4+s11], $0x40, s7, s11, $0xb8;
	[tilespmem:$0x12940] =	vst v63  }
0x3b: {  	_ =	swait.ge [sflag:s15], $0x1F40  }
0x3c: {  	[sflag:s15] =	ssyncset.done $0x0  }
0x3d: {  	[sflag:s15] =	ssyncadd.s32 $0xFFFFE0C0  }
0x3e: {  	[spmem:s2] =	stream.indirect.scatter.add.bf16 [tilespmem:s12], [sflag:$0x5], $0x40, s10, s11, $0xb8;
	[tilespmem:$0x12940] =	vst v63  }
0x3f: {  	s24 =	rddreg [dreg:$0x8]  }
0x40: {  	[tilespmem:s16], [sflag:$0x4] =	stream.indirect.gather [hbm4b:s4+s11], $0x40, s24, s11, $0xb8;
	[tilespmem:$0x12940] =	vst v63  }
0x41: {  	_ =	swait.ge [sflag:s17], $0x1F40  }
0x42: {  	[sflag:s17] =	ssyncset.done $0x0  }
0x43: {  	s7 =	rddreg [dreg:$0x9];
	[sflag:s17] =	ssyncadd.s32 $0xFFFFE0C0  }
0x44: {  	[spmem:s2] =	stream.indirect.scatter.add.bf16 [tilespmem:s13], [sflag:$0x6], $0x40, s7, s11, $0xb8;
	[tilespmem:$0x12940] =	vst v63  }
0x45: {  	_ =	swait.ge [sflag:s18], $0x1F40  }
0x46: {  	[sflag:s18] =	ssyncset.done $0x0  }
0x47: {  	s8 =	rddreg [dreg:$0xa];
	[sflag:s18] =	ssyncadd.s32 $0xFFFFE0C0  }
0x48: {  	[tilespmem:s12], [sflag:$0x1] =	stream.indirect.gather [hbm4b:s4+s11], $0x40, s8, s11, $0xb8;
	[tilespmem:$0x12940] =	vst v63  }
0x49: {  	_ =	swait.ge [sflag:s19], $0x1F40  }
0x4a: {  	[sflag:s19] =	ssyncset.done $0x0  }
0x4b: {  	s24 =	rddreg [dreg:$0xb];
	[sflag:s19] =	ssyncadd.s32 $0xFFFFE0C0  }
0x4c: {  	[spmem:s2] =	stream.indirect.scatter.add.bf16 [tilespmem:s14], [sflag:$0x7], $0x40, s24, s11, $0xb8;
	[tilespmem:$0x12940] =	vst v63  }
0x4d: {  	_ =	swait.ge [sflag:s20], $0x1F40  }
0x4e: {  	[sflag:s20] =	ssyncset.done $0x0  }
0x4f: {  	s7 =	rddreg [dreg:$0xc];
	[sflag:s20] =	ssyncadd.s32 $0xFFFFE0C0  }
0x50: {  	[tilespmem:s13], [sflag:$0x2] =	stream.indirect.gather [hbm4b:s4+s11], $0x40, s7, s11, $0xb8;
	[tilespmem:$0x12940] =	vst v63  }
0x51: {  	_ =	swait.ge [sflag:s21], $0x1F40  }
0x52: {  	[sflag:s21] =	ssyncset.done $0x0  }
0x53: {  	s8 =	rddreg [dreg:$0xd];
	[sflag:s21] =	ssyncadd.s32 $0xFFFFE0C0  }
0x54: {  	[spmem:s2] =	stream.indirect.scatter.add.bf16 [tilespmem:s16], [sflag:$0x8], $0x40, s8, s11, $0xb8;
	[tilespmem:$0x12940] =	vst v63  }
0x55: {  	_ =	swait.ge [sflag:s22], $0x1F40  }
0x56: {  	[sflag:s22] =	ssyncset.done $0x0  }
0x57: {  	s24 =	rddreg [dreg:$0xe];
	[sflag:s22] =	ssyncadd.s32 $0xFFFFE0C0  }
0x58: {  	[tilespmem:s14], [sflag:$0x3] =	stream.indirect.gather [hbm4b:s4+s11], $0x40, s24, s11, $0xb8;
	[tilespmem:$0x12940] =	vst v63  }
0x59: {  	_ =	swait.ge [sflag:s15], $0x1F40  }
0x5a: {  	[sflag:s15] =	ssyncset.done $0x0  }
0x5b: {  	s7 =	rddreg [dreg:$0xf];
	[sflag:s15] =	ssyncadd.s32 $0xFFFFE0C0  }
0x5c: {  	[spmem:s2] =	stream.indirect.scatter.add.bf16 [tilespmem:s12], [sflag:$0x5], $0x40, s7, s11, $0xb8;
	[tilespmem:$0x12940] =	vst v63  }
0x5d: {  	_ =	swait.ge [sflag:s23], $0x1F40  }
0x5e: {  	[sflag:s23] =	ssyncset.done $0x0  }
0x5f: {  	s8 =	rddreg [dreg:$0x10];
	[sflag:s23] =	ssyncadd.s32 $0xFFFFE0C0  }
0x60: {  	[tilespmem:s16], [sflag:$0x4] =	stream.indirect.gather [hbm4b:s4+s11], $0x40, s8, s11, $0xb8;
	[tilespmem:$0x12940] =	vst v63  }
0x61: {  	_ =	swait.ge [sflag:s17], $0x1F40  }
0x62: {  	[sflag:s17] =	ssyncset.done $0x0  }
0x63: {  	s24 =	rddreg [dreg:$0x11];
	[sflag:s17] =	ssyncadd.s32 $0xFFFFE0C0  }
0x64: {  	[spmem:s2] =	stream.indirect.scatter.add.bf16 [tilespmem:s13], [sflag:$0x6], $0x40, s24, s11, $0xb8;
	[tilespmem:$0x12940] =	vst v63  }
0x65: {  	_ =	swait.ge [sflag:s18], $0x1F40  }
0x66: {  	[sflag:s18] =	ssyncset.done $0x0  }
0x67: {  	s7 =	rddreg [dreg:$0x12];
	[sflag:s18] =	ssyncadd.s32 $0xFFFFE0C0  }
0x68: {  	[tilespmem:s12], [sflag:$0x1] =	stream.indirect.gather [hbm4b:s4+s11], $0x40, s7, s11, $0xb8;
	[tilespmem:$0x12940] =	vst v63  }
0x69: {  	_ =	swait.ge [sflag:s19], $0x1F40  }
0x6a: {  	[sflag:s19] =	ssyncset.done $0x0  }
0x6b: {  	s8 =	rddreg [dreg:$0x13];
	[sflag:s19] =	ssyncadd.s32 $0xFFFFE0C0  }
0x6c: {  	[spmem:s2] =	stream.indirect.scatter.add.bf16 [tilespmem:s14], [sflag:$0x7], $0x40, s8, s11, $0xb8;
	[tilespmem:$0x12940] =	vst v63  }
0x6d: {  	_ =	swait.ge [sflag:s20], $0x1F40  }
0x6e: {  	[sflag:s20] =	ssyncset.done $0x0  }
0x6f: {  	s24 =	rddreg [dreg:$0x14];
	[sflag:s20] =	ssyncadd.s32 $0xFFFFE0C0  }
0x70: {  	[tilespmem:s13], [sflag:$0x2] =	stream.indirect.gather [hbm4b:s4+s11], $0x40, s24, s11, $0xb8;
	[tilespmem:$0x12940] =	vst v63  }
0x71: {  	_ =	swait.ge [sflag:s21], $0x1F40  }
0x72: {  	[sflag:s21] =	ssyncset.done $0x0  }
0x73: {  	s7 =	rddreg [dreg:$0x15];
	[sflag:s21] =	ssyncadd.s32 $0xFFFFE0C0  }
0x74: {  	[spmem:s2] =	stream.indirect.scatter.add.bf16 [tilespmem:s16], [sflag:$0x8], $0x40, s7, s11, $0xb8;
	[tilespmem:$0x12940] =	vst v63  }
0x75: {  	_ =	swait.ge [sflag:s22], $0x1F40  }
0x76: {  	[sflag:s22] =	ssyncset.done $0x0  }
0x77: {  	s8 =	rddreg [dreg:$0x16];
	[sflag:s22] =	ssyncadd.s32 $0xFFFFE0C0  }
0x78: {  	[tilespmem:s14], [sflag:$0x3] =	stream.indirect.gather [hbm4b:s4+s11], $0x40, s8, s11, $0xb8;
	[tilespmem:$0x12940] =	vst v63  }
0x79: {  	_ =	swait.ge [sflag:s15], $0x1F40  }
0x7a: {  	[sflag:s15] =	ssyncset.done $0x0  }
0x7b: {  	s24 =	rddreg [dreg:$0x17];
	[sflag:s15] =	ssyncadd.s32 $0xFFFFE0C0  }
0x7c: {  	[spmem:s2] =	stream.indirect.scatter.add.bf16 [tilespmem:s12], [sflag:$0x5], $0x40, s24, s11, $0xb8;
	[tilespmem:$0x12940] =	vst v63  }
0x7d: {  	_ =	swait.ge [sflag:s23], $0x1F40  }
0x7e: {  	[sflag:s23] =	ssyncset.done $0x0  }
0x7f: {  	s7 =	rddreg [dreg:$0x18];
	[sflag:s23] =	ssyncadd.s32 $0xFFFFE0C0  }
0x80: {  	[tilespmem:s16], [sflag:$0x4] =	stream.indirect.gather [hbm4b:s4+s11], $0x40, s7, s11, $0xb8;
	[tilespmem:$0x12940] =	vst v63  }
0x81: {  	_ =	swait.ge [sflag:s17], $0x1F40  }
0x82: {  	[sflag:s17] =	ssyncset.done $0x0  }
0x83: {  	s8 =	rddreg [dreg:$0x19];
	[sflag:s17] =	ssyncadd.s32 $0xFFFFE0C0  }
0x84: {  	[spmem:s2] =	stream.indirect.scatter.add.bf16 [tilespmem:s13], [sflag:$0x6], $0x40, s8, s11, $0xb8;
	[tilespmem:$0x12940] =	vst v63  }
0x85: {  	_ =	swait.ge [sflag:s18], $0x1F40  }
0x86: {  	[sflag:s18] =	ssyncset.done $0x0  }
0x87: {  	s24 =	rddreg [dreg:$0x1a];
	[sflag:s18] =	ssyncadd.s32 $0xFFFFE0C0  }
0x88: {  	[tilespmem:s12], [sflag:$0x1] =	stream.indirect.gather [hbm4b:s4+s11], $0x40, s24, s11, $0xb8;
	[tilespmem:$0x12940] =	vst v63  }
0x89: {  	_ =	swait.ge [sflag:s19], $0x1F40  }
0x8a: {  	[sflag:s19] =	ssyncset.done $0x0  }
0x8b: {  	[sflag:s19] =	ssyncadd.s32 $0xFFFFE0C0  }
0x8c: {  	[spmem:s2] =	stream.indirect.scatter.add.bf16 [tilespmem:s14], [sflag:$0x7], $0x40, s25, s11, $0xb8;
	[tilespmem:$0x12940] =	vst v63  }
0x8d: {  	_ =	swait.ge [sflag:s20], $0x1F40  }
0x8e: {  	[sflag:s20] =	ssyncset.done $0x0  }
0x8f: {  	[sflag:s20] =	ssyncadd.s32 $0xFFFFE0C0  }
0x90: {  	[tilespmem:s13], [sflag:$0x2] =	stream.indirect.gather [hbm4b:s4+s11], $0x40, s26, s11, $0xb8;
	[tilespmem:$0x12940] =	vst v63  }
0x91: {  	_ =	swait.ge [sflag:s21], $0x1F40  }
0x92: {  	[sflag:s21] =	ssyncset.done $0x0  }
0x93: {  	[sflag:s21] =	ssyncadd.s32 $0xFFFFE0C0  }
0x94: {  	[spmem:s2] =	stream.indirect.scatter.add.bf16 [tilespmem:s16], [sflag:$0x8], $0x40, s28, s11, $0xb8;
	[tilespmem:$0x12940] =	vst v63  }
0x95: {  	_ =	swait.ge [sflag:s22], $0x1F40  }
0x96: {  	[sflag:s22] =	ssyncset.done $0x0  }
0x97: {  	[sflag:s22] =	ssyncadd.s32 $0xFFFFE0C0  }
0x98: {  	[tilespmem:s14], [sflag:$0x3] =	stream.indirect.gather [hbm4b:s4+s11], $0x40, s29, s11, $0xb8;
	[tilespmem:$0x12940] =	vst v63  }
0x99: {  	_ =	swait.ge [sflag:s15], $0x1F40  }
0x9a: {  	[sflag:s15] =	ssyncset.done $0x0  }
0x9b: {  	[sflag:s15] =	ssyncadd.s32 $0xFFFFE0C0  }
0x9c: {  	[spmem:s2] =	stream.indirect.scatter.add.bf16 [tilespmem:s12], [sflag:$0x5], $0x40, s30, s11, $0xb8;
	[tilespmem:$0x12940] =	vst v63  }
0x9d: {  	_ =	swait.ge [sflag:s23], $0x1F40  }
0x9e: {  	[sflag:s23] =	ssyncset.done $0x0  }
0x9f: {  	[sflag:s23] =	ssyncadd.s32 $0xFFFFE0C0  }
0xa0: {  	[tilespmem:s16], [sflag:$0x4] =	stream.indirect.gather [hbm4b:s4+s11], $0x40, s31, s11, $0xb8;
	[tilespmem:$0x12940] =	vst v63  }
0xa1: {  	_ =	swait.ge [sflag:s17], $0x1F40  }
0xa2: {  	[sflag:s17] =	ssyncset.done $0x0  }
0xa3: {  	[sflag:s17] =	ssyncadd.s32 $0xFFFFE0C0  }
0xa4: {  	[spmem:s2] =	stream.indirect.scatter.add.bf16 [tilespmem:s13], [sflag:$0x6], $0x40, s1, s11, $0xb8;
	[tilespmem:$0x12940] =	vst v63  }
0xa5: {  	_ =	swait.ge [sflag:s18], $0x1F40  }
0xa6: {  	[sflag:s18] =	ssyncset.done $0x0  }
0xa7: {  	[sflag:s18] =	ssyncadd.s32 $0xFFFFE0C0  }
0xa8: {  	_ =	swait.ge [sflag:s19], $0x1F40  }
0xa9: {  	[sflag:s19] =	ssyncset.done $0x0  }
0xaa: {  	[sflag:s19] =	ssyncadd.s32 $0xFFFFE0C0  }
0xab: {  	[spmem:s2] =	stream.indirect.scatter.add.bf16 [tilespmem:s14], [sflag:$0x7], $0x40, s0, s11, $0xb8;
	[tilespmem:$0x12940] =	vst v63  }
0xac: {  	_ =	swait.ge [sflag:s20], $0x1F40  }
0xad: {  	[sflag:s20] =	ssyncset.done $0x0  }
0xae: {  	[sflag:s20] =	ssyncadd.s32 $0xFFFFE0C0  }
0xaf: {  	_ =	swait.ge [sflag:s21], $0x1F40  }
0xb0: {  	[sflag:s21] =	ssyncset.done $0x0  }
0xb1: {  	[sflag:s21] =	ssyncadd.s32 $0xFFFFE0C0  }
0xb2: {  	[spmem:s2] =	stream.indirect.scatter.add.bf16 [tilespmem:s16], [sflag:$0x8], $0x40, s5, s11, $0xb8;
	[tilespmem:$0x12940] =	vst v63  }
0xb3: {  	_ =	swait.ge [sflag:s22], $0x1F40  }
0xb4: {  	[sflag:s22] =	ssyncset.done $0x0  }
0xb5: {  	[sflag:s22] =	ssyncadd.s32 $0xFFFFE0C0  }
0xb6: {  	s6 =	simm.s32 $0x200;
	_ =	swait.ge [sflag:s23], $0x1F40  }
0xb7: {  	s24 =	simm.s32 $0x100;
	s8 =	rddreg [dreg:$0x4];
	[sflag:s23] =	ssyncset.done $0x0  }
.LBB2_2:
0xb8: {  	[sflag:s23] =	ssyncadd.s32 $0xFFFFE0C0;
	s8 =	sadd.s32 s24, s8  }
0xb9: {  	[tilespmem:s3], [sflag:$0x9] =	stream.linear.gather [hbm4b:s8+s3], $0x800, $0x38;
	[tilespmem:$0x12940] =	vst v63  }
0xba: {  	_ =	swait.ge [sflag:s9], $0x800  }
0xbb: {  	s8 =	rddreg [dreg:$0x5];
	[sflag:s9] =	ssyncset.done $0x0  }
0xbc: {  	[sflag:s9] =	ssyncadd.s32 $0xFFFFF800;
	s8 =	sadd.s32 s24, s8  }
0xbd: {  	[tilespmem:s10], [sflag:$0x9] =	stream.linear.gather [hbm4b:s8+s3], $0x800, $0x38;
	[tilespmem:$0x12940] =	vst v63  }
0xbe: {  	_ =	swait.ge [sflag:s9], $0x800  }
0xbf: {  	[sflag:s9] =	ssyncset.done $0x0  }
0xc0: {  	s7 =	smov.u32 s6;
	[sflag:s9] =	ssyncadd.s32 $0xFFFFF800  }
0xc1: {  	[tilespmem:s12], [sflag:$0x1] =	stream.indirect.gather [hbm4b:s4+s11], $0x40, s3, s11, $0xb8;
	[tilespmem:$0x12940] =	vst v63  }
0xc2: {  	s24 =	smov.u32 s7;
	s7 =	rddreg [dreg:$0x6]  }
0xc3: {  	[tilespmem:s13], [sflag:$0x2] =	stream.indirect.gather [hbm4b:s4+s11], $0x40, s7, s11, $0xb8;
	[tilespmem:$0x12940] =	vst v63  }
0xc4: {  	s8 =	rddreg [dreg:$0x7]  }
0xc5: {  	[tilespmem:s14], [sflag:$0x3] =	stream.indirect.gather [hbm4b:s4+s11], $0x40, s8, s11, $0xb8;
	[tilespmem:$0x12940] =	vst v63  }
0xc6: {  	_ =	swait.ge [sflag:s15], $0x1F40  }
0xc7: {  	[sflag:s15] =	ssyncset.done $0x0  }
0xc8: {  	[sflag:s15] =	ssyncadd.s32 $0xFFFFE0C0  }
0xc9: {  	[spmem:s2] =	stream.indirect.scatter.add.bf16 [tilespmem:s12], [sflag:$0x5], $0x40, s10, s11, $0xb8;
	[tilespmem:$0x12940] =	vst v63  }
0xca: {  	s8 =	rddreg [dreg:$0x8]  }
0xcb: {  	[tilespmem:s16], [sflag:$0x4] =	stream.indirect.gather [hbm4b:s4+s11], $0x40, s8, s11, $0xb8;
	[tilespmem:$0x12940] =	vst v63  }
0xcc: {  	_ =	swait.ge [sflag:s17], $0x1F40  }
0xcd: {  	[sflag:s17] =	ssyncset.done $0x0  }
0xce: {  	s8 =	rddreg [dreg:$0x9];
	[sflag:s17] =	ssyncadd.s32 $0xFFFFE0C0  }
0xcf: {  	[spmem:s2] =	stream.indirect.scatter.add.bf16 [tilespmem:s13], [sflag:$0x6], $0x40, s8, s11, $0xb8;
	[tilespmem:$0x12940] =	vst v63  }
0xd0: {  	_ =	swait.ge [sflag:s18], $0x1F40  }
0xd1: {  	[sflag:s18] =	ssyncset.done $0x0  }
0xd2: {  	s8 =	rddreg [dreg:$0xa];
	[sflag:s18] =	ssyncadd.s32 $0xFFFFE0C0  }
0xd3: {  	[tilespmem:s12], [sflag:$0x1] =	stream.indirect.gather [hbm4b:s4+s11], $0x40, s8, s11, $0xb8;
	[tilespmem:$0x12940] =	vst v63  }
0xd4: {  	_ =	swait.ge [sflag:s19], $0x1F40  }
0xd5: {  	[sflag:s19] =	ssyncset.done $0x0  }
0xd6: {  	s8 =	rddreg [dreg:$0xb];
	[sflag:s19] =	ssyncadd.s32 $0xFFFFE0C0  }
0xd7: {  	[spmem:s2] =	stream.indirect.scatter.add.bf16 [tilespmem:s14], [sflag:$0x7], $0x40, s8, s11, $0xb8;
	[tilespmem:$0x12940] =	vst v63  }
0xd8: {  	_ =	swait.ge [sflag:s20], $0x1F40  }
0xd9: {  	[sflag:s20] =	ssyncset.done $0x0  }
0xda: {  	s8 =	rddreg [dreg:$0xc];
	[sflag:s20] =	ssyncadd.s32 $0xFFFFE0C0  }
0xdb: {  	[tilespmem:s13], [sflag:$0x2] =	stream.indirect.gather [hbm4b:s4+s11], $0x40, s8, s11, $0xb8;
	[tilespmem:$0x12940] =	vst v63  }
0xdc: {  	_ =	swait.ge [sflag:s21], $0x1F40  }
0xdd: {  	[sflag:s21] =	ssyncset.done $0x0  }
0xde: {  	s8 =	rddreg [dreg:$0xd];
	[sflag:s21] =	ssyncadd.s32 $0xFFFFE0C0  }
0xdf: {  	[spmem:s2] =	stream.indirect.scatter.add.bf16 [tilespmem:s16], [sflag:$0x8], $0x40, s8, s11, $0xb8;
	[tilespmem:$0x12940] =	vst v63  }
0xe0: {  	_ =	swait.ge [sflag:s22], $0x1F40  }
0xe1: {  	[sflag:s22] =	ssyncset.done $0x0  }
0xe2: {  	s8 =	rddreg [dreg:$0xe];
	[sflag:s22] =	ssyncadd.s32 $0xFFFFE0C0  }
0xe3: {  	[tilespmem:s14], [sflag:$0x3] =	stream.indirect.gather [hbm4b:s4+s11], $0x40, s8, s11, $0xb8;
	[tilespmem:$0x12940] =	vst v63  }
0xe4: {  	_ =	swait.ge [sflag:s15], $0x1F40  }
0xe5: {  	[sflag:s15] =	ssyncset.done $0x0  }
0xe6: {  	s8 =	rddreg [dreg:$0xf];
	[sflag:s15] =	ssyncadd.s32 $0xFFFFE0C0  }
0xe7: {  	[spmem:s2] =	stream.indirect.scatter.add.bf16 [tilespmem:s12], [sflag:$0x5], $0x40, s8, s11, $0xb8;
	[tilespmem:$0x12940] =	vst v63  }
0xe8: {  	_ =	swait.ge [sflag:s23], $0x1F40  }
0xe9: {  	[sflag:s23] =	ssyncset.done $0x0  }
0xea: {  	s8 =	rddreg [dreg:$0x10];
	[sflag:s23] =	ssyncadd.s32 $0xFFFFE0C0  }
0xeb: {  	[tilespmem:s16], [sflag:$0x4] =	stream.indirect.gather [hbm4b:s4+s11], $0x40, s8, s11, $0xb8;
	[tilespmem:$0x12940] =	vst v63  }
0xec: {  	_ =	swait.ge [sflag:s17], $0x1F40  }
0xed: {  	[sflag:s17] =	ssyncset.done $0x0  }
0xee: {  	s8 =	rddreg [dreg:$0x11];
	[sflag:s17] =	ssyncadd.s32 $0xFFFFE0C0  }
0xef: {  	[spmem:s2] =	stream.indirect.scatter.add.bf16 [tilespmem:s13], [sflag:$0x6], $0x40, s8, s11, $0xb8;
	[tilespmem:$0x12940] =	vst v63  }
0xf0: {  	_ =	swait.ge [sflag:s18], $0x1F40  }
0xf1: {  	[sflag:s18] =	ssyncset.done $0x0  }
0xf2: {  	s8 =	rddreg [dreg:$0x12];
	[sflag:s18] =	ssyncadd.s32 $0xFFFFE0C0  }
0xf3: {  	[tilespmem:s12], [sflag:$0x1] =	stream.indirect.gather [hbm4b:s4+s11], $0x40, s8, s11, $0xb8;
	[tilespmem:$0x12940] =	vst v63  }
0xf4: {  	_ =	swait.ge [sflag:s19], $0x1F40  }
0xf5: {  	[sflag:s19] =	ssyncset.done $0x0  }
0xf6: {  	s8 =	rddreg [dreg:$0x13];
	[sflag:s19] =	ssyncadd.s32 $0xFFFFE0C0  }
0xf7: {  	[spmem:s2] =	stream.indirect.scatter.add.bf16 [tilespmem:s14], [sflag:$0x7], $0x40, s8, s11, $0xb8;
	[tilespmem:$0x12940] =	vst v63  }
0xf8: {  	_ =	swait.ge [sflag:s20], $0x1F40  }
0xf9: {  	[sflag:s20] =	ssyncset.done $0x0  }
0xfa: {  	s8 =	rddreg [dreg:$0x14];
	[sflag:s20] =	ssyncadd.s32 $0xFFFFE0C0  }
0xfb: {  	[tilespmem:s13], [sflag:$0x2] =	stream.indirect.gather [hbm4b:s4+s11], $0x40, s8, s11, $0xb8;
	[tilespmem:$0x12940] =	vst v63  }
0xfc: {  	_ =	swait.ge [sflag:s21], $0x1F40  }
0xfd: {  	[sflag:s21] =	ssyncset.done $0x0  }
0xfe: {  	s8 =	rddreg [dreg:$0x15];
	[sflag:s21] =	ssyncadd.s32 $0xFFFFE0C0  }
0xff: {  	[spmem:s2] =	stream.indirect.scatter.add.bf16 [tilespmem:s16], [sflag:$0x8], $0x40, s8, s11, $0xb8;
	[tilespmem:$0x12940] =	vst v63  }
0x100: {  	_ =	swait.ge [sflag:s22], $0x1F40  }
0x101: {  	[sflag:s22] =	ssyncset.done $0x0  }
0x102: {  	s8 =	rddreg [dreg:$0x16];
	[sflag:s22] =	ssyncadd.s32 $0xFFFFE0C0  }
0x103: {  	[tilespmem:s14], [sflag:$0x3] =	stream.indirect.gather [hbm4b:s4+s11], $0x40, s8, s11, $0xb8;
	[tilespmem:$0x12940] =	vst v63  }
0x104: {  	_ =	swait.ge [sflag:s15], $0x1F40  }
0x105: {  	[sflag:s15] =	ssyncset.done $0x0  }
0x106: {  	s8 =	rddreg [dreg:$0x17];
	[sflag:s15] =	ssyncadd.s32 $0xFFFFE0C0  }
0x107: {  	[spmem:s2] =	stream.indirect.scatter.add.bf16 [tilespmem:s12], [sflag:$0x5], $0x40, s8, s11, $0xb8;
	[tilespmem:$0x12940] =	vst v63  }
0x108: {  	_ =	swait.ge [sflag:s23], $0x1F40  }
0x109: {  	[sflag:s23] =	ssyncset.done $0x0  }
0x10a: {  	s8 =	rddreg [dreg:$0x18];
	[sflag:s23] =	ssyncadd.s32 $0xFFFFE0C0  }
0x10b: {  	[tilespmem:s16], [sflag:$0x4] =	stream.indirect.gather [hbm4b:s4+s11], $0x40, s8, s11, $0xb8;
	[tilespmem:$0x12940] =	vst v63  }
0x10c: {  	_ =	swait.ge [sflag:s17], $0x1F40  }
0x10d: {  	[sflag:s17] =	ssyncset.done $0x0  }
0x10e: {  	s8 =	rddreg [dreg:$0x19];
	[sflag:s17] =	ssyncadd.s32 $0xFFFFE0C0  }
0x10f: {  	[spmem:s2] =	stream.indirect.scatter.add.bf16 [tilespmem:s13], [sflag:$0x6], $0x40, s8, s11, $0xb8;
	[tilespmem:$0x12940] =	vst v63  }
0x110: {  	_ =	swait.ge [sflag:s18], $0x1F40  }
0x111: {  	[sflag:s18] =	ssyncset.done $0x0  }
0x112: {  	s8 =	rddreg [dreg:$0x1a];
	[sflag:s18] =	ssyncadd.s32 $0xFFFFE0C0  }
0x113: {  	[tilespmem:s12], [sflag:$0x1] =	stream.indirect.gather [hbm4b:s4+s11], $0x40, s8, s11, $0xb8;
	[tilespmem:$0x12940] =	vst v63  }
0x114: {  	_ =	swait.ge [sflag:s19], $0x1F40  }
0x115: {  	[sflag:s19] =	ssyncset.done $0x0  }
0x116: {  	[sflag:s19] =	ssyncadd.s32 $0xFFFFE0C0  }
0x117: {  	[spmem:s2] =	stream.indirect.scatter.add.bf16 [tilespmem:s14], [sflag:$0x7], $0x40, s25, s11, $0xb8;
	[tilespmem:$0x12940] =	vst v63  }
0x118: {  	_ =	swait.ge [sflag:s20], $0x1F40  }
0x119: {  	[sflag:s20] =	ssyncset.done $0x0  }
0x11a: {  	[sflag:s20] =	ssyncadd.s32 $0xFFFFE0C0  }
0x11b: {  	[tilespmem:s13], [sflag:$0x2] =	stream.indirect.gather [hbm4b:s4+s11], $0x40, s26, s11, $0xb8;
	[tilespmem:$0x12940] =	vst v63  }
0x11c: {  	_ =	swait.ge [sflag:s21], $0x1F40  }
0x11d: {  	[sflag:s21] =	ssyncset.done $0x0  }
0x11e: {  	[sflag:s21] =	ssyncadd.s32 $0xFFFFE0C0  }
0x11f: {  	[spmem:s2] =	stream.indirect.scatter.add.bf16 [tilespmem:s16], [sflag:$0x8], $0x40, s28, s11, $0xb8;
	[tilespmem:$0x12940] =	vst v63  }
0x120: {  	_ =	swait.ge [sflag:s22], $0x1F40  }
0x121: {  	[sflag:s22] =	ssyncset.done $0x0  }
0x122: {  	[sflag:s22] =	ssyncadd.s32 $0xFFFFE0C0  }
0x123: {  	[tilespmem:s14], [sflag:$0x3] =	stream.indirect.gather [hbm4b:s4+s11], $0x40, s29, s11, $0xb8;
	[tilespmem:$0x12940] =	vst v63  }
0x124: {  	_ =	swait.ge [sflag:s15], $0x1F40  }
0x125: {  	[sflag:s15] =	ssyncset.done $0x0  }
0x126: {  	[sflag:s15] =	ssyncadd.s32 $0xFFFFE0C0  }
0x127: {  	[spmem:s2] =	stream.indirect.scatter.add.bf16 [tilespmem:s12], [sflag:$0x5], $0x40, s30, s11, $0xb8;
	[tilespmem:$0x12940] =	vst v63  }
0x128: {  	_ =	swait.ge [sflag:s23], $0x1F40  }
0x129: {  	[sflag:s23] =	ssyncset.done $0x0  }
0x12a: {  	[sflag:s23] =	ssyncadd.s32 $0xFFFFE0C0  }
0x12b: {  	[tilespmem:s16], [sflag:$0x4] =	stream.indirect.gather [hbm4b:s4+s11], $0x40, s31, s11, $0xb8;
	[tilespmem:$0x12940] =	vst v63  }
0x12c: {  	_ =	swait.ge [sflag:s17], $0x1F40  }
0x12d: {  	[sflag:s17] =	ssyncset.done $0x0  }
0x12e: {  	[sflag:s17] =	ssyncadd.s32 $0xFFFFE0C0  }
0x12f: {  	[spmem:s2] =	stream.indirect.scatter.add.bf16 [tilespmem:s13], [sflag:$0x6], $0x40, s1, s11, $0xb8;
	[tilespmem:$0x12940] =	vst v63  }
0x130: {  	_ =	swait.ge [sflag:s18], $0x1F40  }
0x131: {  	[sflag:s18] =	ssyncset.done $0x0  }
0x132: {  	[sflag:s18] =	ssyncadd.s32 $0xFFFFE0C0  }
0x133: {  	_ =	swait.ge [sflag:s19], $0x1F40  }
0x134: {  	[sflag:s19] =	ssyncset.done $0x0  }
0x135: {  	[sflag:s19] =	ssyncadd.s32 $0xFFFFE0C0  }
0x136: {  	[spmem:s2] =	stream.indirect.scatter.add.bf16 [tilespmem:s14], [sflag:$0x7], $0x40, s0, s11, $0xb8;
	[tilespmem:$0x12940] =	vst v63  }
0x137: {  	_ =	swait.ge [sflag:s20], $0x1F40  }
0x138: {  	[sflag:s20] =	ssyncset.done $0x0  }
0x139: {  	[sflag:s20] =	ssyncadd.s32 $0xFFFFE0C0  }
0x13a: {  	_ =	swait.ge [sflag:s21], $0x1F40  }
0x13b: {  	[sflag:s21] =	ssyncset.done $0x0  }
0x13c: {  	p0 =	sne.s32 s6, $0x400;
	[sflag:s21] =	ssyncadd.s32 $0xFFFFE0C0  }
0x13d: {  	[spmem:s2] =	stream.indirect.scatter.add.bf16 [tilespmem:s16], [sflag:$0x8], $0x40, s5, s11, $0xb8;
	[tilespmem:$0x12940] =	vst v63  }
.Ltmp0:
0x13e: {  	_ =	swait.ge [sflag:s22], $0x1F40;
	(pc) =	sbr.rel @p0 .LBB2_2-.Ltmp0, $4  }
0x13f: {  	[sflag:s22] =	ssyncset.done $0x0  }
0x140: {  	[sflag:s22] =	ssyncadd.s32 $0xFFFFE0C0  }
0x141: {  	_ =	swait.ge [sflag:s23], $0x1F40  }
0x142: {  	s6 =	sadd.s32 $0x100, s6;
	s8 =	rddreg [dreg:$0x4];
	[sflag:s23] =	ssyncset.done $0x0  }
0x143: {  	[sflag:s23] =	ssyncadd.s32 $0xFFFFE0C0;
	s6 =	sadd.s32 s24, s8  }
0x144: {  	[tilespmem:s3], [sflag:$0x9] =	stream.linear.gather [hbm4b:s6+s3], $0x800, $0x38;
	[tilespmem:$0x12940] =	vst v63  }
0x145: {  	_ =	swait.ge [sflag:s9], $0x800  }
0x146: {  	s8 =	rddreg [dreg:$0x5];
	[sflag:s9] =	ssyncset.done $0x0  }
0x147: {  	[sflag:s9] =	ssyncadd.s32 $0xFFFFF800;
	s6 =	sadd.s32 s24, s8  }
0x148: {  	[tilespmem:s10], [sflag:$0x9] =	stream.linear.gather [hbm4b:s6+s3], $0x800, $0x38;
	[tilespmem:$0x12940] =	vst v63  }
0x149: {  	_ =	swait.ge [sflag:s9], $0x800  }
0x14a: {  	[sflag:s9] =	ssyncset.done $0x0  }
0x14b: {  	[sflag:s9] =	ssyncadd.s32 $0xFFFFF800  }
0x14c: {  	[tilespmem:s12], [sflag:$0x1] =	stream.indirect.gather [hbm4b:s4+s11], $0x40, s3, s11, $0xb8;
	[tilespmem:$0x12940] =	vst v63  }
0x14d: {  	s24 =	rddreg [dreg:$0x6]  }
0x14e: {  	[tilespmem:s13], [sflag:$0x2] =	stream.indirect.gather [hbm4b:s4+s11], $0x40, s24, s11, $0xb8;
	[tilespmem:$0x12940] =	vst v63  }
0x14f: {  	s7 =	rddreg [dreg:$0x7]  }
0x150: {  	[tilespmem:s14], [sflag:$0x3] =	stream.indirect.gather [hbm4b:s4+s11], $0x40, s7, s11, $0xb8;
	[tilespmem:$0x12940] =	vst v63  }
0x151: {  	_ =	swait.ge [sflag:s15], $0x1F40  }
0x152: {  	[sflag:s15] =	ssyncset.done $0x0  }
0x153: {  	[sflag:s15] =	ssyncadd.s32 $0xFFFFE0C0  }
0x154: {  	[spmem:s2] =	stream.indirect.scatter.add.bf16 [tilespmem:s12], [sflag:$0x5], $0x40, s10, s11, $0xb8;
	[tilespmem:$0x12940] =	vst v63  }
0x155: {  	s7 =	rddreg [dreg:$0x8]  }
0x156: {  	[tilespmem:s16], [sflag:$0x4] =	stream.indirect.gather [hbm4b:s4+s11], $0x40, s7, s11, $0xb8;
	[tilespmem:$0x12940] =	vst v63  }
0x157: {  	_ =	swait.ge [sflag:s17], $0x1F40  }
0x158: {  	[sflag:s17] =	ssyncset.done $0x0  }
0x159: {  	s8 =	rddreg [dreg:$0x9];
	[sflag:s17] =	ssyncadd.s32 $0xFFFFE0C0  }
0x15a: {  	[spmem:s2] =	stream.indirect.scatter.add.bf16 [tilespmem:s13], [sflag:$0x6], $0x40, s8, s11, $0xb8;
	[tilespmem:$0x12940] =	vst v63  }
0x15b: {  	_ =	swait.ge [sflag:s18], $0x1F40  }
0x15c: {  	[sflag:s18] =	ssyncset.done $0x0  }
0x15d: {  	s24 =	rddreg [dreg:$0xa];
	[sflag:s18] =	ssyncadd.s32 $0xFFFFE0C0  }
0x15e: {  	[tilespmem:s12], [sflag:$0x1] =	stream.indirect.gather [hbm4b:s4+s11], $0x40, s24, s11, $0xb8;
	[tilespmem:$0x12940] =	vst v63  }
0x15f: {  	_ =	swait.ge [sflag:s19], $0x1F40  }
0x160: {  	[sflag:s19] =	ssyncset.done $0x0  }
0x161: {  	s7 =	rddreg [dreg:$0xb];
	[sflag:s19] =	ssyncadd.s32 $0xFFFFE0C0  }
0x162: {  	[spmem:s2] =	stream.indirect.scatter.add.bf16 [tilespmem:s14], [sflag:$0x7], $0x40, s7, s11, $0xb8;
	[tilespmem:$0x12940] =	vst v63  }
0x163: {  	_ =	swait.ge [sflag:s20], $0x1F40  }
0x164: {  	[sflag:s20] =	ssyncset.done $0x0  }
0x165: {  	s8 =	rddreg [dreg:$0xc];
	[sflag:s20] =	ssyncadd.s32 $0xFFFFE0C0  }
0x166: {  	[tilespmem:s13], [sflag:$0x2] =	stream.indirect.gather [hbm4b:s4+s11], $0x40, s8, s11, $0xb8;
	[tilespmem:$0x12940] =	vst v63  }
0x167: {  	_ =	swait.ge [sflag:s21], $0x1F40  }
0x168: {  	[sflag:s21] =	ssyncset.done $0x0  }
0x169: {  	s24 =	rddreg [dreg:$0xd];
	[sflag:s21] =	ssyncadd.s32 $0xFFFFE0C0  }
0x16a: {  	[spmem:s2] =	stream.indirect.scatter.add.bf16 [tilespmem:s16], [sflag:$0x8], $0x40, s24, s11, $0xb8;
	[tilespmem:$0x12940] =	vst v63  }
0x16b: {  	_ =	swait.ge [sflag:s22], $0x1F40  }
0x16c: {  	[sflag:s22] =	ssyncset.done $0x0  }
0x16d: {  	s7 =	rddreg [dreg:$0xe];
	[sflag:s22] =	ssyncadd.s32 $0xFFFFE0C0  }
0x16e: {  	[tilespmem:s14], [sflag:$0x3] =	stream.indirect.gather [hbm4b:s4+s11], $0x40, s7, s11, $0xb8;
	[tilespmem:$0x12940] =	vst v63  }
0x16f: {  	_ =	swait.ge [sflag:s15], $0x1F40  }
0x170: {  	[sflag:s15] =	ssyncset.done $0x0  }
0x171: {  	s8 =	rddreg [dreg:$0xf];
	[sflag:s15] =	ssyncadd.s32 $0xFFFFE0C0  }
0x172: {  	[spmem:s2] =	stream.indirect.scatter.add.bf16 [tilespmem:s12], [sflag:$0x5], $0x40, s8, s11, $0xb8;
	[tilespmem:$0x12940] =	vst v63  }
0x173: {  	_ =	swait.ge [sflag:s23], $0x1F40  }
0x174: {  	[sflag:s23] =	ssyncset.done $0x0  }
0x175: {  	s24 =	rddreg [dreg:$0x10];
	[sflag:s23] =	ssyncadd.s32 $0xFFFFE0C0  }
0x176: {  	[tilespmem:s16], [sflag:$0x4] =	stream.indirect.gather [hbm4b:s4+s11], $0x40, s24, s11, $0xb8;
	[tilespmem:$0x12940] =	vst v63  }
0x177: {  	_ =	swait.ge [sflag:s17], $0x1F40  }
0x178: {  	[sflag:s17] =	ssyncset.done $0x0  }
0x179: {  	s7 =	rddreg [dreg:$0x11];
	[sflag:s17] =	ssyncadd.s32 $0xFFFFE0C0  }
0x17a: {  	[spmem:s2] =	stream.indirect.scatter.add.bf16 [tilespmem:s13], [sflag:$0x6], $0x40, s7, s11, $0xb8;
	[tilespmem:$0x12940] =	vst v63  }
0x17b: {  	_ =	swait.ge [sflag:s18], $0x1F40  }
0x17c: {  	[sflag:s18] =	ssyncset.done $0x0  }
0x17d: {  	s8 =	rddreg [dreg:$0x12];
	[sflag:s18] =	ssyncadd.s32 $0xFFFFE0C0  }
0x17e: {  	[tilespmem:s12], [sflag:$0x1] =	stream.indirect.gather [hbm4b:s4+s11], $0x40, s8, s11, $0xb8;
	[tilespmem:$0x12940] =	vst v63  }
0x17f: {  	_ =	swait.ge [sflag:s19], $0x1F40  }
0x180: {  	[sflag:s19] =	ssyncset.done $0x0  }
0x181: {  	s24 =	rddreg [dreg:$0x13];
	[sflag:s19] =	ssyncadd.s32 $0xFFFFE0C0  }
0x182: {  	[spmem:s2] =	stream.indirect.scatter.add.bf16 [tilespmem:s14], [sflag:$0x7], $0x40, s24, s11, $0xb8;
	[tilespmem:$0x12940] =	vst v63  }
0x183: {  	_ =	swait.ge [sflag:s20], $0x1F40  }
0x184: {  	[sflag:s20] =	ssyncset.done $0x0  }
0x185: {  	s7 =	rddreg [dreg:$0x14];
	[sflag:s20] =	ssyncadd.s32 $0xFFFFE0C0  }
0x186: {  	[tilespmem:s13], [sflag:$0x2] =	stream.indirect.gather [hbm4b:s4+s11], $0x40, s7, s11, $0xb8;
	[tilespmem:$0x12940] =	vst v63  }
0x187: {  	_ =	swait.ge [sflag:s21], $0x1F40  }
0x188: {  	[sflag:s21] =	ssyncset.done $0x0  }
0x189: {  	s8 =	rddreg [dreg:$0x15];
	[sflag:s21] =	ssyncadd.s32 $0xFFFFE0C0  }
0x18a: {  	[spmem:s2] =	stream.indirect.scatter.add.bf16 [tilespmem:s16], [sflag:$0x8], $0x40, s8, s11, $0xb8;
	[tilespmem:$0x12940] =	vst v63  }
0x18b: {  	_ =	swait.ge [sflag:s22], $0x1F40  }
0x18c: {  	[sflag:s22] =	ssyncset.done $0x0  }
0x18d: {  	s24 =	rddreg [dreg:$0x16];
	[sflag:s22] =	ssyncadd.s32 $0xFFFFE0C0  }
0x18e: {  	[tilespmem:s14], [sflag:$0x3] =	stream.indirect.gather [hbm4b:s4+s11], $0x40, s24, s11, $0xb8;
	[tilespmem:$0x12940] =	vst v63  }
0x18f: {  	_ =	swait.ge [sflag:s15], $0x1F40  }
0x190: {  	[sflag:s15] =	ssyncset.done $0x0  }
0x191: {  	s7 =	rddreg [dreg:$0x17];
	[sflag:s15] =	ssyncadd.s32 $0xFFFFE0C0  }
0x192: {  	[spmem:s2] =	stream.indirect.scatter.add.bf16 [tilespmem:s12], [sflag:$0x5], $0x40, s7, s11, $0xb8;
	[tilespmem:$0x12940] =	vst v63  }
0x193: {  	_ =	swait.ge [sflag:s23], $0x1F40  }
0x194: {  	[sflag:s23] =	ssyncset.done $0x0  }
0x195: {  	s8 =	rddreg [dreg:$0x18];
	[sflag:s23] =	ssyncadd.s32 $0xFFFFE0C0  }
0x196: {  	[tilespmem:s16], [sflag:$0x4] =	stream.indirect.gather [hbm4b:s4+s11], $0x40, s8, s11, $0xb8;
	[tilespmem:$0x12940] =	vst v63  }
0x197: {  	_ =	swait.ge [sflag:s17], $0x1F40  }
0x198: {  	[sflag:s17] =	ssyncset.done $0x0  }
0x199: {  	s24 =	rddreg [dreg:$0x19];
	[sflag:s17] =	ssyncadd.s32 $0xFFFFE0C0  }
0x19a: {  	[spmem:s2] =	stream.indirect.scatter.add.bf16 [tilespmem:s13], [sflag:$0x6], $0x40, s24, s11, $0xb8;
	[tilespmem:$0x12940] =	vst v63  }
0x19b: {  	_ =	swait.ge [sflag:s18], $0x1F40  }
0x19c: {  	[sflag:s18] =	ssyncset.done $0x0  }
0x19d: {  	s7 =	rddreg [dreg:$0x1a];
	[sflag:s18] =	ssyncadd.s32 $0xFFFFE0C0  }
0x19e: {  	[tilespmem:s12], [sflag:$0x1] =	stream.indirect.gather [hbm4b:s4+s11], $0x40, s7, s11, $0xb8;
	[tilespmem:$0x12940] =	vst v63  }
0x19f: {  	_ =	swait.ge [sflag:s19], $0x1F40  }
0x1a0: {  	[sflag:s19] =	ssyncset.done $0x0  }
0x1a1: {  	[sflag:s19] =	ssyncadd.s32 $0xFFFFE0C0  }
0x1a2: {  	[spmem:s2] =	stream.indirect.scatter.add.bf16 [tilespmem:s14], [sflag:$0x7], $0x40, s25, s11, $0xb8;
	[tilespmem:$0x12940] =	vst v63  }
0x1a3: {  	_ =	swait.ge [sflag:s20], $0x1F40  }
0x1a4: {  	[sflag:s20] =	ssyncset.done $0x0  }
0x1a5: {  	[sflag:s20] =	ssyncadd.s32 $0xFFFFE0C0  }
0x1a6: {  	[tilespmem:s13], [sflag:$0x2] =	stream.indirect.gather [hbm4b:s4+s11], $0x40, s26, s11, $0xb8;
	[tilespmem:$0x12940] =	vst v63  }
0x1a7: {  	_ =	swait.ge [sflag:s21], $0x1F40  }
0x1a8: {  	[sflag:s21] =	ssyncset.done $0x0  }
0x1a9: {  	[sflag:s21] =	ssyncadd.s32 $0xFFFFE0C0  }
0x1aa: {  	[spmem:s2] =	stream.indirect.scatter.add.bf16 [tilespmem:s16], [sflag:$0x8], $0x40, s28, s11, $0xb8;
	[tilespmem:$0x12940] =	vst v63  }
0x1ab: {  	_ =	swait.ge [sflag:s22], $0x1F40  }
0x1ac: {  	[sflag:s22] =	ssyncset.done $0x0  }
0x1ad: {  	[sflag:s22] =	ssyncadd.s32 $0xFFFFE0C0  }
0x1ae: {  	[tilespmem:s14], [sflag:$0x3] =	stream.indirect.gather [hbm4b:s4+s11], $0x40, s29, s11, $0xb8;
	[tilespmem:$0x12940] =	vst v63  }
0x1af: {  	_ =	swait.ge [sflag:s15], $0x1F40  }
0x1b0: {  	[sflag:s15] =	ssyncset.done $0x0  }
0x1b1: {  	[sflag:s15] =	ssyncadd.s32 $0xFFFFE0C0  }
0x1b2: {  	[spmem:s2] =	stream.indirect.scatter.add.bf16 [tilespmem:s12], [sflag:$0x5], $0x40, s30, s11, $0xb8;
	[tilespmem:$0x12940] =	vst v63  }
0x1b3: {  	_ =	swait.ge [sflag:s23], $0x1F40  }
0x1b4: {  	[sflag:s23] =	ssyncset.done $0x0  }
0x1b5: {  	[sflag:s23] =	ssyncadd.s32 $0xFFFFE0C0  }
0x1b6: {  	[tilespmem:s16], [sflag:$0x4] =	stream.indirect.gather [hbm4b:s4+s11], $0x40, s31, s11, $0xb8;
	[tilespmem:$0x12940] =	vst v63  }
0x1b7: {  	_ =	swait.ge [sflag:s17], $0x1F40  }
0x1b8: {  	[sflag:s17] =	ssyncset.done $0x0  }
0x1b9: {  	[sflag:s17] =	ssyncadd.s32 $0xFFFFE0C0  }
0x1ba: {  	[spmem:s2] =	stream.indirect.scatter.add.bf16 [tilespmem:s13], [sflag:$0x6], $0x40, s1, s11, $0xb8;
	[tilespmem:$0x12940] =	vst v63  }
0x1bb: {  	_ =	swait.ge [sflag:s18], $0x1F40  }
0x1bc: {  	[sflag:s18] =	ssyncset.done $0x0  }
0x1bd: {  	[sflag:s18] =	ssyncadd.s32 $0xFFFFE0C0  }
0x1be: {  	_ =	swait.ge [sflag:s19], $0x1F40  }
0x1bf: {  	[sflag:s19] =	ssyncset.done $0x0  }
0x1c0: {  	[sflag:s19] =	ssyncadd.s32 $0xFFFFE0C0  }
0x1c1: {  	[spmem:s2] =	stream.indirect.scatter.add.bf16 [tilespmem:s14], [sflag:$0x7], $0x40, s0, s11, $0xb8;
	[tilespmem:$0x12940] =	vst v63  }
0x1c2: {  	_ =	swait.ge [sflag:s20], $0x1F40  }
0x1c3: {  	[sflag:s20] =	ssyncset.done $0x0  }
0x1c4: {  	[sflag:s20] =	ssyncadd.s32 $0xFFFFE0C0  }
0x1c5: {  	_ =	swait.ge [sflag:s21], $0x1F40  }
0x1c6: {  	[sflag:s21] =	ssyncset.done $0x0  }
0x1c7: {  	[sflag:s21] =	ssyncadd.s32 $0xFFFFE0C0  }
0x1c8: {  	[spmem:s2] =	stream.indirect.scatter.add.bf16 [tilespmem:s16], [sflag:$0x8], $0x40, s5, s11, $0xb8;
	[tilespmem:$0x12940] =	vst v63  }
0x1c9: {  	_ =	swait.ge [sflag:s22], $0x1F40  }
0x1ca: {  	[sflag:s22] =	ssyncset.done $0x0  }
0x1cb: {  	[sflag:s22] =	ssyncadd.s32 $0xFFFFE0C0  }
0x1cc: {  	_ =	swait.ge [sflag:s23], $0x1F40  }
0x1cd: {  	[sflag:s23] =	ssyncset.done $0x0  }
0x1ce: {  	[sflag:s23] =	ssyncadd.s32 $0xFFFFE0C0  }
0x1cf: {  	[bflag:$0x0] =	sbarrier.arrive $0xFFFF  }
0x1d0: {  	s24 =	rddreg [dreg:$0x1c]  }
0x1d1: {  	s7 =	rddreg [dreg:$0x1e]  }
0x1d2: {  	s8 =	rddreg [dreg:$0x1f]  }
0x1d3: {  	[hbm:s8], [sflag:s24] =	dma.local [spmem:s7], $0x1388  }
0x1d4: {  	_ =	swait.ge [sflag:s9], $0x1388  }
0x1d5: {  	s6 =	sld [smem:$0x7FD];
	_ =	sdelay $0x2  }
0x1d6: {  	s8 =	sadd.s32 $0x1, s6;
	s6 =	rddreg [dreg:$0x1d]  }
0x1d7: {  	p0 =	sne.s32 s8, s6  }
.Ltmp1:
0x1d8: {  	_ = 	snop;
	(pc) =	sbr.rel @p0 .LBB2_1-.Ltmp1, $3  }
0x1d9: {  	_ =	sdelay $0x1  }
0x1da: {  	[sflag:s9] =	ssyncset.done $0x0  }
0x1db: {  	[sflag:s9] =	ssyncadd.s32 $0xFFFFEC78  }
0x1dc: {  	_ =	sfence.sel $0x180000  }
0x1dd: {  	[bflag:$0x0] =	sbarrier.arrive $0xFFFF  }
0x1de: {  	_ =	strace $0x9000004A  }
0x1df: {  	s0 =	stileid.u32;
	[bflag:$0x2] =	sbarrier.arrive $0xFFFF  }
0x1e0: {  	p0 =	sne.s32 s0, $0x0;
	s0 =	rddreg [dreg:$0x3]  }
0x1e1: {  	s0 =	sadd.s32 @!p0 $0x100000, s0  }
0x1e2: {  	[sflag:s0] =	ssyncadd.tile.s32 @!p0 $0x1;
	_ =	shalt  }
.Lfunc_end2:
_tile_overlayer_lowered:
.L_overlay_start_2:
0x1e3: {  	(tag) =	ssettag $0x2  }
0x1e4: {  	s0 =	rddreg [dreg:$0x0];
	s2 =	stileid.u32  }
0x1e5: {  	s1 =	rddreg [dreg:$0x1];
	p0 =	sne.s32 s2, $0x0  }
0x1e6: {  	s3 =	rddreg [dreg:$0x2];
	[bflag:$0x3] =	sbarrier.arrive $0xFFFF;
	s2 =	simm.s32 @!p0 $0x1C09  }
0x1e7: {  	[timem:s3], [sflag:s2] =	dma.local @!p0 [hbm:s0], s1  }
0x1e8: {  	s0 =	simm.s32 @!p0 $0x9  }
0x1e9: {  	_ =	swait.ge @!p0 [sflag:s0], s1  }
0x1ea: {  	s1 =	ssub.s32 @!p0 $0x0, s1;
	[sflag:s0] =	ssyncset.done @!p0 $0x0  }
0x1eb: {  	[sflag:s0] =	ssyncadd.s32 @!p0 s1  }
0x1ec: {  	[bflag:$0x3] =	sbarrier.arrive $0xFFFF  }
0x1ed: {  	_ =	shalt  }

</sc_bundles>
